<compile_context>
chip_gen: v7x
topology: tpu7x:2x2x1
jax: 0.10.2.dev20260603
libtpu: 0.0.44.dev20260713+nightly
codegen_flags: <defaults>
</compile_context>

<pallas_src>
import functools

import jax
import jax.numpy as jnp
from jax import lax
from jax.experimental import pallas as pl
from jax.experimental.pallas import tpu as pltpu
from jax.experimental.pallas import tpu_sc as plsc

_V = 16384
_D = 32
_B = 4096 * 200
_NC, _NS = 2, 16
_NW = _NC * _NS
_BPW = _B // _NW
_C = 512
_NCHUNK = _BPW // _C
_K = 4
_LAG = 2

_mesh = plsc.VectorSubcoreMesh(core_axis_name="c", subcore_axis_name="s")


@functools.partial(
    pl.kernel,
    mesh=_mesh,
    out_type=jax.ShapeDtypeStruct((_B, _D), jnp.float32),
    scratch_types=(
        [pltpu.VMEM_SHARED((_V, _D), jnp.float32),
         pltpu.VMEM((_BPW,), jnp.int32)]
        + [pltpu.VMEM((_C, _D), jnp.float32) for _ in range(_K)]
        + [pltpu.SemaphoreType.DMA for _ in range(2 * _K)]
    ),
    compiler_params=pltpu.CompilerParams(use_tc_tiling_on_sc=False),
)
def _gather_kernel(ids_hbm, table_hbm, out_hbm, shared_tbl, idx_v,
                   *bufs_and_sems):
    rows = bufs_and_sems[:_K]
    gsem = bufs_and_sems[_K:2 * _K]
    osem = bufs_and_sems[2 * _K:]

    sid = lax.axis_index("s")
    wid = sid * _NC + lax.axis_index("c")
    base = wid * _BPW

    @pl.when(sid == 0)
    def _():
        pltpu.sync_copy(table_hbm, shared_tbl)

    pltpu.sync_copy(ids_hbm.at[pl.ds(base, _BPW)], idx_v)
    plsc.subcore_barrier()

    def start_gather(i):
        b = i % _K
        pltpu.async_copy(
            shared_tbl.at[idx_v.at[pl.ds(i * _C, _C)]], rows[b], gsem[b])

    def drain_to_out(i):
        b = i % _K
        pltpu.make_async_copy(
            shared_tbl.at[idx_v.at[pl.ds(i * _C, _C)]], rows[b],
            gsem[b]).wait()
        pltpu.async_copy(rows[b], out_hbm.at[pl.ds(base + i * _C, _C)], osem[b])

    def wait_out(i):
        b = i % _K
        pltpu.make_async_copy(
            rows[b], out_hbm.at[pl.ds(base + i * _C, _C)], osem[b]).wait()

    for i in range(_NCHUNK):
        if i >= _K:
            wait_out(i - _K)
        start_gather(i)
        if i >= _LAG:
            drain_to_out(i - _LAG)
    for i in range(_NCHUNK - _LAG, _NCHUNK):
        drain_to_out(i)
    for i in range(_NCHUNK - _K, _NCHUNK):
        wait_out(i)


def kernel(ids, gen_embed):
    flat = ids.reshape(_B)
    out = _gather_kernel(flat, gen_embed)
    return out.reshape(ids.shape[0], ids.shape[1], _D)

# --- scband reference (transcript-rebuilt; emitter-appended) ---
"""Pipeline reference for scband-stub-mmgpt-6562710028662 (READ-ONLY COPY).

The authoritative reference and input builder live on the scoring server;
editing this copy changes nothing except your own understanding.
"""

import jax, jax.numpy as jnp
import numpy as np

IMG_VOCAB = 16384  # JANUS_IMAGE_VOCAB_SIZE
HIDDEN = 32


def setup_inputs(seed: int = 0) -> dict:
    key = jax.random.key(seed)
    k_ids, k_emb = jax.random.split(key)
    ids = jax.random.randint(k_ids, (4096, 200), 0, IMG_VOCAB, dtype=jnp.int64 if jax.config.jax_enable_x64 else jnp.int32)
    gen_embed = jax.random.normal(k_emb, (IMG_VOCAB, HIDDEN), dtype=jnp.float32)
    return {"ids": ids, "gen_embed": gen_embed}


def reference(ids, gen_embed):
    # _StubMMGPT.prepare_gen_img_embeds: nn.Embedding lookup followed by Identity gen_aligner
    out = jnp.take(gen_embed, ids, axis=0)
    return out

if __name__ == "__main__":
    import jax
    _d = setup_inputs()
    print(jax.jit(kernel)(*tuple(_d.values())))

</pallas_src>

<mosaic_0001>
#map = affine_map<(d0, d1) -> (0)>
#map1 = affine_map<(d0, d1) -> (0, 0)>
module attributes {stable_mosaic.version = 14 : i64} {
  func.func @_gather_kernel(%arg0: i32, %arg1: i32, %arg2: memref<819200xi32, #tpu.memory_space<hbm>>, %arg3: memref<16384x32xf32, #tpu.memory_space<hbm>>, %arg4: memref<819200x32xf32, #tpu.memory_space<hbm>>, %arg5: memref<16384x32xf32, #tpu.memory_space<vmem_shared>>, %arg6: memref<25600xi32, #tpu.memory_space<vmem>>, %arg7: memref<512x32xf32, #tpu.memory_space<vmem>>, %arg8: memref<512x32xf32, #tpu.memory_space<vmem>>, %arg9: memref<512x32xf32, #tpu.memory_space<vmem>>, %arg10: memref<512x32xf32, #tpu.memory_space<vmem>>, %arg11: memref<!tpu.dma_semaphore, #tpu.memory_space<semaphore_mem>>, %arg12: memref<!tpu.dma_semaphore, #tpu.memory_space<semaphore_mem>>, %arg13: memref<!tpu.dma_semaphore, #tpu.memory_space<semaphore_mem>>, %arg14: memref<!tpu.dma_semaphore, #tpu.memory_space<semaphore_mem>>, %arg15: memref<!tpu.dma_semaphore, #tpu.memory_space<semaphore_mem>>, %arg16: memref<!tpu.dma_semaphore, #tpu.memory_space<semaphore_mem>>, %arg17: memref<!tpu.dma_semaphore, #tpu.memory_space<semaphore_mem>>, %arg18: memref<!tpu.dma_semaphore, #tpu.memory_space<semaphore_mem>>) attributes {dimension_semantics = [#tpu.dimension_semantics<core_parallel>, #tpu.dimension_semantics<subcore_parallel>], iteration_bounds = array<i64: 2, 16>, scalar_prefetch = 0 : i64, scratch_operands = 14 : i64, tpu.core_type = #tpu.core_type<sc_vector_subcore>, window_params = [{transform_indices = #map}, {transform_indices = #map1}, {transform_indices = #map1}]} {
    %mul3A = arith.constant 2 : i32
    %mul3A_0 = arith.muli %arg1, %mul3A : i32
    %add3A = arith.addi %mul3A_0, %arg0 : i32
    %mul3A_1 = arith.constant 25600 : i32
    %mul3A_2 = arith.muli %add3A, %mul3A_1 : i32
    %eq3A = arith.constant 0 : i32
    %eq3A_3 = arith.cmpi eq, %arg1, %eq3A : i32
    %convert_element_type3A = arith.extui %eq3A_3 : i1 to i32
    %cond3A = arith.constant 0 : i32
    %cond3A_4 = arith.cmpi ne, %convert_element_type3A, %cond3A : i32
    scf.if %cond3A_4 {
      "tpu.region"() ({
        %run_scoped3A = tpu.sem_alloc : memref<!tpu.dma_semaphore, #tpu.memory_space<semaphore_mem>>
        tpu.enqueue_dma source(%arg3 : memref<16384x32xf32, #tpu.memory_space<hbm>>) target(%arg5 : memref<16384x32xf32, #tpu.memory_space<vmem_shared>>) target_semaphore(%run_scoped3A : memref<!tpu.dma_semaphore, #tpu.memory_space<semaphore_mem>>)
        tpu.wait_dma2 semaphore(%run_scoped3A : memref<!tpu.dma_semaphore, #tpu.memory_space<semaphore_mem>>) src(%arg3 : memref<16384x32xf32, #tpu.memory_space<hbm>>) dst(%arg5 : memref<16384x32xf32, #tpu.memory_space<vmem_shared>>)
        tpu.yield
      }) : () -> ()
    } else {
    }
    "tpu.region"() ({
      %run_scoped3A = tpu.sem_alloc : memref<!tpu.dma_semaphore, #tpu.memory_space<semaphore_mem>>
      %dma_start3A_1103 = tpu.memref_slice %arg2[%mul3A_2] : memref<819200xi32, #tpu.memory_space<hbm>> -> memref<25600xi32, #tpu.memory_space<hbm>>
      %dma_start3A_1104 = tpu.memref_slice %arg2[%mul3A_2] : memref<819200xi32, #tpu.memory_space<hbm>> -> memref<25600xi32, #tpu.memory_space<hbm>>
      tpu.enqueue_dma source(%dma_start3A_1104 : memref<25600xi32, #tpu.memory_space<hbm>>) target(%arg6 : memref<25600xi32, #tpu.memory_space<vmem>>) target_semaphore(%run_scoped3A : memref<!tpu.dma_semaphore, #tpu.memory_space<semaphore_mem>>)
      %dma_wait3A_1105 = tpu.memref_slice %arg2[%mul3A_2] : memref<819200xi32, #tpu.memory_space<hbm>> -> memref<25600xi32, #tpu.memory_space<hbm>>
      %dma_wait3A_1106 = tpu.memref_slice %arg2[%mul3A_2] : memref<819200xi32, #tpu.memory_space<hbm>> -> memref<25600xi32, #tpu.memory_space<hbm>>
      tpu.wait_dma2 semaphore(%run_scoped3A : memref<!tpu.dma_semaphore, #tpu.memory_space<semaphore_mem>>) src(%dma_wait3A_1106 : memref<25600xi32, #tpu.memory_space<hbm>>) dst(%arg6 : memref<25600xi32, #tpu.memory_space<vmem>>)
      tpu.yield
    }) : () -> ()
    %barrier3A = arith.constant 0 : index
    tpu.barrier barrier_id(%barrier3A)
    %dma_start3A = arith.constant 0 : i32
    %dma_start3A_5 = tpu.memref_slice %arg6[%dma_start3A] : memref<25600xi32, #tpu.memory_space<vmem>> -> memref<512xi32, #tpu.memory_space<vmem>>
    %dma_start3A_6 = arith.constant 0 : i32
    %dma_start3A_7 = arith.constant 0 : i32
    %dma_start3A_8 = tpu.memref_slice %arg5[%dma_start3A_6, %dma_start3A_7] : memref<16384x32xf32, #tpu.memory_space<vmem_shared>> -> memref<16384x32xf32, #tpu.memory_space<vmem_shared>>
    tpu.enqueue_indirect_dma source(%dma_start3A_8 : memref<16384x32xf32, #tpu.memory_space<vmem_shared>>) target(%arg7 : memref<512x32xf32, #tpu.memory_space<vmem>>) offsets(%dma_start3A_5 : memref<512xi32, #tpu.memory_space<vmem>>) semaphore(%arg11 : memref<!tpu.dma_semaphore, #tpu.memory_space<semaphore_mem>>)
    %dma_start3A_9 = arith.constant 512 : i32
    %dma_start3A_10 = tpu.memref_slice %arg6[%dma_start3A_9] : memref<25600xi32, #tpu.memory_space<vmem>> -> memref<512xi32, #tpu.memory_space<vmem>>
    %dma_start3A_11 = arith.constant 0 : i32
    %dma_start3A_12 = arith.constant 0 : i32
    %dma_start3A_13 = tpu.memref_slice %arg5[%dma_start3A_11, %dma_start3A_12] : memref<16384x32xf32, #tpu.memory_space<vmem_shared>> -> memref<16384x32xf32, #tpu.memory_space<vmem_shared>>
    tpu.enqueue_indirect_dma source(%dma_start3A_13 : memref<16384x32xf32, #tpu.memory_space<vmem_shared>>) target(%arg8 : memref<512x32xf32, #tpu.memory_space<vmem>>) offsets(%dma_start3A_10 : memref<512xi32, #tpu.memory_space<vmem>>) semaphore(%arg12 : memref<!tpu.dma_semaphore, #tpu.memory_space<semaphore_mem>>)
    %dma_start3A_14 = arith.constant 1024 : i32
    %dma_start3A_15 = tpu.memref_slice %arg6[%dma_start3A_14] : memref<25600xi32, #tpu.memory_space<vmem>> -> memref<512xi32, #tpu.memory_space<vmem>>
    %dma_start3A_16 = arith.constant 0 : i32
    %dma_start3A_17 = arith.constant 0 : i32
    %dma_start3A_18 = tpu.memref_slice %arg5[%dma_start3A_16, %dma_start3A_17] : memref<16384x32xf32, #tpu.memory_space<vmem_shared>> -> memref<16384x32xf32, #tpu.memory_space<vmem_shared>>
    tpu.enqueue_indirect_dma source(%dma_start3A_18 : memref<16384x32xf32, #tpu.memory_space<vmem_shared>>) target(%arg9 : memref<512x32xf32, #tpu.memory_space<vmem>>) offsets(%dma_start3A_15 : memref<512xi32, #tpu.memory_space<vmem>>) semaphore(%arg13 : memref<!tpu.dma_semaphore, #tpu.memory_space<semaphore_mem>>)
    %dma_wait3A = arith.constant 0 : i32
    %dma_wait3A_19 = tpu.memref_slice %arg6[%dma_wait3A] : memref<25600xi32, #tpu.memory_space<vmem>> -> memref<512xi32, #tpu.memory_space<vmem>>
    %dma_wait3A_20 = arith.constant 0 : i32
    %dma_wait3A_21 = arith.constant 0 : i32
    %dma_wait3A_22 = tpu.memref_slice %arg5[%dma_wait3A_20, %dma_wait3A_21] : memref<16384x32xf32, #tpu.memory_space<vmem_shared>> -> memref<16384x32xf32, #tpu.memory_space<vmem_shared>>
    tpu.wait_indirect_dma semaphore(%arg11 : memref<!tpu.dma_semaphore, #tpu.memory_space<semaphore_mem>>) src(%dma_wait3A_22 : memref<16384x32xf32, #tpu.memory_space<vmem_shared>>) dst(%arg7 : memref<512x32xf32, #tpu.memory_space<vmem>>)
    %add3A_23 = arith.constant 0 : i32
    %add3A_24 = arith.addi %mul3A_2, %add3A_23 : i32
    %dma_start3A_25 = arith.constant 0 : i32
    %dma_start3A_26 = tpu.memref_slice %arg4[%add3A_24, %dma_start3A_25] : memref<819200x32xf32, #tpu.memory_space<hbm>> -> memref<512x32xf32, #tpu.memory_space<hbm>>
    %dma_start3A_27 = arith.constant 0 : i32
    %dma_start3A_28 = tpu.memref_slice %arg4[%add3A_24, %dma_start3A_27] : memref<819200x32xf32, #tpu.memory_space<hbm>> -> memref<512x32xf32, #tpu.memory_space<hbm>>
    tpu.enqueue_dma source(%arg7 : memref<512x32xf32, #tpu.memory_space<vmem>>) target(%dma_start3A_28 : memref<512x32xf32, #tpu.memory_space<hbm>>) target_semaphore(%arg15 : memref<!tpu.dma_semaphore, #tpu.memory_space<semaphore_mem>>)
    %dma_start3A_29 = arith.constant 1536 : i32
    %dma_start3A_30 = tpu.memref_slice %arg6[%dma_start3A_29] : memref<25600xi32, #tpu.memory_space<vmem>> -> memref<512xi32, #tpu.memory_space<vmem>>
    %dma_start3A_31 = arith.constant 0 : i32
    %dma_start3A_32 = arith.constant 0 : i32
    %dma_start3A_33 = tpu.memref_slice %arg5[%dma_start3A_31, %dma_start3A_32] : memref<16384x32xf32, #tpu.memory_space<vmem_shared>> -> memref<16384x32xf32, #tpu.memory_space<vmem_shared>>
    tpu.enqueue_indirect_dma source(%dma_start3A_33 : memref<16384x32xf32, #tpu.memory_space<vmem_shared>>) target(%arg10 : memref<512x32xf32, #tpu.memory_space<vmem>>) offsets(%dma_start3A_30 : memref<512xi32, #tpu.memory_space<vmem>>) semaphore(%arg14 : memref<!tpu.dma_semaphore, #tpu.memory_space<semaphore_mem>>)
    %dma_wait3A_34 = arith.constant 512 : i32
    %dma_wait3A_35 = tpu.memref_slice %arg6[%dma_wait3A_34] : memref<25600xi32, #tpu.memory_space<vmem>> -> memref<512xi32, #tpu.memory_space<vmem>>
    %dma_wait3A_36 = arith.constant 0 : i32
    %dma_wait3A_37 = arith.constant 0 : i32
    %dma_wait3A_38 = tpu.memref_slice %arg5[%dma_wait3A_36, %dma_wait3A_37] : memref<16384x32xf32, #tpu.memory_space<vmem_shared>> -> memref<16384x32xf32, #tpu.memory_space<vmem_shared>>
    tpu.wait_indirect_dma semaphore(%arg12 : memref<!tpu.dma_semaphore, #tpu.memory_space<semaphore_mem>>) src(%dma_wait3A_38 : memref<16384x32xf32, #tpu.memory_space<vmem_shared>>) dst(%arg8 : memref<512x32xf32, #tpu.memory_space<vmem>>)
    %add3A_39 = arith.constant 512 : i32
    %add3A_40 = arith.addi %mul3A_2, %add3A_39 : i32
    %dma_start3A_41 = arith.constant 0 : i32
    %dma_start3A_42 = tpu.memref_slice %arg4[%add3A_40, %dma_start3A_41] : memref<819200x32xf32, #tpu.memory_space<hbm>> -> memref<512x32xf32, #tpu.memory_space<hbm>>
    %dma_start3A_43 = arith.constant 0 : i32
    %dma_start3A_44 = tpu.memref_slice %arg4[%add3A_40, %dma_start3A_43] : memref<819200x32xf32, #tpu.memory_space<hbm>> -> memref<512x32xf32, #tpu.memory_space<hbm>>
    tpu.enqueue_dma source(%arg8 : memref<512x32xf32, #tpu.memory_space<vmem>>) target(%dma_start3A_44 : memref<512x32xf32, #tpu.memory_space<hbm>>) target_semaphore(%arg16 : memref<!tpu.dma_semaphore, #tpu.memory_space<semaphore_mem>>)
    %add3A_45 = arith.constant 0 : i32
    %add3A_46 = arith.addi %mul3A_2, %add3A_45 : i32
    %dma_wait3A_47 = arith.constant 0 : i32
    %dma_wait3A_48 = tpu.memref_slice %arg4[%add3A_46, %dma_wait3A_47] : memref<819200x32xf32, #tpu.memory_space<hbm>> -> memref<512x32xf32, #tpu.memory_space<hbm>>
    %dma_wait3A_49 = arith.constant 0 : i32
    %dma_wait3A_50 = tpu.memref_slice %arg4[%add3A_46, %dma_wait3A_49] : memref<819200x32xf32, #tpu.memory_space<hbm>> -> memref<512x32xf32, #tpu.memory_space<hbm>>
    tpu.wait_dma2 semaphore(%arg15 : memref<!tpu.dma_semaphore, #tpu.memory_space<semaphore_mem>>) src(%arg7 : memref<512x32xf32, #tpu.memory_space<vmem>>) dst(%dma_wait3A_50 : memref<512x32xf32, #tpu.memory_space<hbm>>)
    %dma_start3A_51 = arith.constant 2048 : i32
    %dma_start3A_52 = tpu.memref_slice %arg6[%dma_start3A_51] : memref<25600xi32, #tpu.memory_space<vmem>> -> memref<512xi32, #tpu.memory_space<vmem>>
    %dma_start3A_53 = arith.constant 0 : i32
    %dma_start3A_54 = arith.constant 0 : i32
    %dma_start3A_55 = tpu.memref_slice %arg5[%dma_start3A_53, %dma_start3A_54] : memref<16384x32xf32, #tpu.memory_space<vmem_shared>> -> memref<16384x32xf32, #tpu.memory_space<vmem_shared>>
    tpu.enqueue_indirect_dma source(%dma_start3A_55 : memref<16384x32xf32, #tpu.memory_space<vmem_shared>>) target(%arg7 : memref<512x32xf32, #tpu.memory_space<vmem>>) offsets(%dma_start3A_52 : memref<512xi32, #tpu.memory_space<vmem>>) semaphore(%arg11 : memref<!tpu.dma_semaphore, #tpu.memory_space<semaphore_mem>>)
    %dma_wait3A_56 = arith.constant 1024 : i32
    %dma_wait3A_57 = tpu.memref_slice %arg6[%dma_wait3A_56] : memref<25600xi32, #tpu.memory_space<vmem>> -> memref<512xi32, #tpu.memory_space<vmem>>
    %dma_wait3A_58 = arith.constant 0 : i32
    %dma_wait3A_59 = arith.constant 0 : i32
    %dma_wait3A_60 = tpu.memref_slice %arg5[%dma_wait3A_58, %dma_wait3A_59] : memref<16384x32xf32, #tpu.memory_space<vmem_shared>> -> memref<16384x32xf32, #tpu.memory_space<vmem_shared>>
    tpu.wait_indirect_dma semaphore(%arg13 : memref<!tpu.dma_semaphore, #tpu.memory_space<semaphore_mem>>) src(%dma_wait3A_60 : memref<16384x32xf32, #tpu.memory_space<vmem_shared>>) dst(%arg9 : memref<512x32xf32, #tpu.memory_space<vmem>>)
    %add3A_61 = arith.constant 1024 : i32
    %add3A_62 = arith.addi %mul3A_2, %add3A_61 : i32
    %dma_start3A_63 = arith.constant 0 : i32
    %dma_start3A_64 = tpu.memref_slice %arg4[%add3A_62, %dma_start3A_63] : memref<819200x32xf32, #tpu.memory_space<hbm>> -> memref<512x32xf32, #tpu.memory_space<hbm>>
    %dma_start3A_65 = arith.constant 0 : i32
    %dma_start3A_66 = tpu.memref_slice %arg4[%add3A_62, %dma_start3A_65] : memref<819200x32xf32, #tpu.memory_space<hbm>> -> memref<512x32xf32, #tpu.memory_space<hbm>>
    tpu.enqueue_dma source(%arg9 : memref<512x32xf32, #tpu.memory_space<vmem>>) target(%dma_start3A_66 : memref<512x32xf32, #tpu.memory_space<hbm>>) target_semaphore(%arg17 : memref<!tpu.dma_semaphore, #tpu.memory_space<semaphore_mem>>)
    %add3A_67 = arith.constant 512 : i32
    %add3A_68 = arith.addi %mul3A_2, %add3A_67 : i32
    %dma_wait3A_69 = arith.constant 0 : i32
    %dma_wait3A_70 = tpu.memref_slice %arg4[%add3A_68, %dma_wait3A_69] : memref<819200x32xf32, #tpu.memory_space<hbm>> -> memref<512x32xf32, #tpu.memory_space<hbm>>
    %dma_wait3A_71 = arith.constant 0 : i32
    %dma_wait3A_72 = tpu.memref_slice %arg4[%add3A_68, %dma_wait3A_71] : memref<819200x32xf32, #tpu.memory_space<hbm>> -> memref<512x32xf32, #tpu.memory_space<hbm>>
    tpu.wait_dma2 semaphore(%arg16 : memref<!tpu.dma_semaphore, #tpu.memory_space<semaphore_mem>>) src(%arg8 : memref<512x32xf32, #tpu.memory_space<vmem>>) dst(%dma_wait3A_72 : memref<512x32xf32, #tpu.memory_space<hbm>>)
    %dma_start3A_73 = arith.constant 2560 : i32
    %dma_start3A_74 = tpu.memref_slice %arg6[%dma_start3A_73] : memref<25600xi32, #tpu.memory_space<vmem>> -> memref<512xi32, #tpu.memory_space<vmem>>
    %dma_start3A_75 = arith.constant 0 : i32
    %dma_start3A_76 = arith.constant 0 : i32
    %dma_start3A_77 = tpu.memref_slice %arg5[%dma_start3A_75, %dma_start3A_76] : memref<16384x32xf32, #tpu.memory_space<vmem_shared>> -> memref<16384x32xf32, #tpu.memory_space<vmem_shared>>
    tpu.enqueue_indirect_dma source(%dma_start3A_77 : memref<16384x32xf32, #tpu.memory_space<vmem_shared>>) target(%arg8 : memref<512x32xf32, #tpu.memory_space<vmem>>) offsets(%dma_start3A_74 : memref<512xi32, #tpu.memory_space<vmem>>) semaphore(%arg12 : memref<!tpu.dma_semaphore, #tpu.memory_space<semaphore_mem>>)
    %dma_wait3A_78 = arith.constant 1536 : i32
    %dma_wait3A_79 = tpu.memref_slice %arg6[%dma_wait3A_78] : memref<25600xi32, #tpu.memory_space<vmem>> -> memref<512xi32, #tpu.memory_space<vmem>>
    %dma_wait3A_80 = arith.constant 0 : i32
    %dma_wait3A_81 = arith.constant 0 : i32
    %dma_wait3A_82 = tpu.memref_slice %arg5[%dma_wait3A_80, %dma_wait3A_81] : memref<16384x32xf32, #tpu.memory_space<vmem_shared>> -> memref<16384x32xf32, #tpu.memory_space<vmem_shared>>
    tpu.wait_indirect_dma semaphore(%arg14 : memref<!tpu.dma_semaphore, #tpu.memory_space<semaphore_mem>>) src(%dma_wait3A_82 : memref<16384x32xf32, #tpu.memory_space<vmem_shared>>) dst(%arg10 : memref<512x32xf32, #tpu.memory_space<vmem>>)
    %add3A_83 = arith.constant 1536 : i32
    %add3A_84 = arith.addi %mul3A_2, %add3A_83 : i32
    %dma_start3A_85 = arith.constant 0 : i32
    %dma_start3A_86 = tpu.memref_slice %arg4[%add3A_84, %dma_start3A_85] : memref<819200x32xf32, #tpu.memory_space<hbm>> -> memref<512x32xf32, #tpu.memory_space<hbm>>
    %dma_start3A_87 = arith.constant 0 : i32
    %dma_start3A_88 = tpu.memref_slice %arg4[%add3A_84, %dma_start3A_87] : memref<819200x32xf32, #tpu.memory_space<hbm>> -> memref<512x32xf32, #tpu.memory_space<hbm>>
    tpu.enqueue_dma source(%arg10 : memref<512x32xf32, #tpu.memory_space<vmem>>) target(%dma_start3A_88 : memref<512x32xf32, #tpu.memory_space<hbm>>) target_semaphore(%arg18 : memref<!tpu.dma_semaphore, #tpu.memory_space<semaphore_mem>>)
    %add3A_89 = arith.constant 1024 : i32
    %add3A_90 = arith.addi %mul3A_2, %add3A_89 : i32
    %dma_wait3A_91 = arith.constant 0 : i32
    %dma_wait3A_92 = tpu.memref_slice %arg4[%add3A_90, %dma_wait3A_91] : memref<819200x32xf32, #tpu.memory_space<hbm>> -> memref<512x32xf32, #tpu.memory_space<hbm>>
    %dma_wait3A_93 = arith.constant 0 : i32
    %dma_wait3A_94 = tpu.memref_slice %arg4[%add3A_90, %dma_wait3A_93] : memref<819200x32xf32, #tpu.memory_space<hbm>> -> memref<512x32xf32, #tpu.memory_space<hbm>>
    tpu.wait_dma2 semaphore(%arg17 : memref<!tpu.dma_semaphore, #tpu.memory_space<semaphore_mem>>) src(%arg9 : memref<512x32xf32, #tpu.memory_space<vmem>>) dst(%dma_wait3A_94 : memref<512x32xf32, #tpu.memory_space<hbm>>)
    %dma_start3A_95 = arith.constant 3072 : i32
    %dma_start3A_96 = tpu.memref_slice %arg6[%dma_start3A_95] : memref<25600xi32, #tpu.memory_space<vmem>> -> memref<512xi32, #tpu.memory_space<vmem>>
    %dma_start3A_97 = arith.constant 0 : i32
    %dma_start3A_98 = arith.constant 0 : i32
    %dma_start3A_99 = tpu.memref_slice %arg5[%dma_start3A_97, %dma_start3A_98] : memref<16384x32xf32, #tpu.memory_space<vmem_shared>> -> memref<16384x32xf32, #tpu.memory_space<vmem_shared>>
    tpu.enqueue_indirect_dma source(%dma_start3A_99 : memref<16384x32xf32, #tpu.memory_space<vmem_shared>>) target(%arg9 : memref<512x32xf32, #tpu.memory_space<vmem>>) offsets(%dma_start3A_96 : memref<512xi32, #tpu.memory_space<vmem>>) semaphore(%arg13 : memref<!tpu.dma_semaphore, #tpu.memory_space<semaphore_mem>>)
    %dma_wait3A_100 = arith.constant 2048 : i32
    %dma_wait3A_101 = tpu.memref_slice %arg6[%dma_wait3A_100] : memref<25600xi32, #tpu.memory_space<vmem>> -> memref<512xi32, #tpu.memory_space<vmem>>
    %dma_wait3A_102 = arith.constant 0 : i32
    %dma_wait3A_103 = arith.constant 0 : i32
    %dma_wait3A_104 = tpu.memref_slice %arg5[%dma_wait3A_102, %dma_wait3A_103] : memref<16384x32xf32, #tpu.memory_space<vmem_shared>> -> memref<16384x32xf32, #tpu.memory_space<vmem_shared>>
    tpu.wait_indirect_dma semaphore(%arg11 : memref<!tpu.dma_semaphore, #tpu.memory_space<semaphore_mem>>) src(%dma_wait3A_104 : memref<16384x32xf32, #tpu.memory_space<vmem_shared>>) dst(%arg7 : memref<512x32xf32, #tpu.memory_space<vmem>>)
    %add3A_105 = arith.constant 2048 : i32
    %add3A_106 = arith.addi %mul3A_2, %add3A_105 : i32
    %dma_start3A_107 = arith.constant 0 : i32
    %dma_start3A_108 = tpu.memref_slice %arg4[%add3A_106, %dma_start3A_107] : memref<819200x32xf32, #tpu.memory_space<hbm>> -> memref<512x32xf32, #tpu.memory_space<hbm>>
    %dma_start3A_109 = arith.constant 0 : i32
    %dma_start3A_110 = tpu.memref_slice %arg4[%add3A_106, %dma_start3A_109] : memref<819200x32xf32, #tpu.memory_space<hbm>> -> memref<512x32xf32, #tpu.memory_space<hbm>>
    tpu.enqueue_dma source(%arg7 : memref<512x32xf32, #tpu.memory_space<vmem>>) target(%dma_start3A_110 : memref<512x32xf32, #tpu.memory_space<hbm>>) target_semaphore(%arg15 : memref<!tpu.dma_semaphore, #tpu.memory_space<semaphore_mem>>)
    %add3A_111 = arith.constant 1536 : i32
    %add3A_112 = arith.addi %mul3A_2, %add3A_111 : i32
    %dma_wait3A_113 = arith.constant 0 : i32
    %dma_wait3A_114 = tpu.memref_slice %arg4[%add3A_112, %dma_wait3A_113] : memref<819200x32xf32, #tpu.memory_space<hbm>> -> memref<512x32xf32, #tpu.memory_space<hbm>>
    %dma_wait3A_115 = arith.constant 0 : i32
    %dma_wait3A_116 = tpu.memref_slice %arg4[%add3A_112, %dma_wait3A_115] : memref<819200x32xf32, #tpu.memory_space<hbm>> -> memref<512x32xf32, #tpu.memory_space<hbm>>
    tpu.wait_dma2 semaphore(%arg18 : memref<!tpu.dma_semaphore, #tpu.memory_space<semaphore_mem>>) src(%arg10 : memref<512x32xf32, #tpu.memory_space<vmem>>) dst(%dma_wait3A_116 : memref<512x32xf32, #tpu.memory_space<hbm>>)
    %dma_start3A_117 = arith.constant 3584 : i32
    %dma_start3A_118 = tpu.memref_slice %arg6[%dma_start3A_117] : memref<25600xi32, #tpu.memory_space<vmem>> -> memref<512xi32, #tpu.memory_space<vmem>>
    %dma_start3A_119 = arith.constant 0 : i32
    %dma_start3A_120 = arith.constant 0 : i32
    %dma_start3A_121 = tpu.memref_slice %arg5[%dma_start3A_119, %dma_start3A_120] : memref<16384x32xf32, #tpu.memory_space<vmem_shared>> -> memref<16384x32xf32, #tpu.memory_space<vmem_shared>>
    tpu.enqueue_indirect_dma source(%dma_start3A_121 : memref<16384x32xf32, #tpu.memory_space<vmem_shared>>) target(%arg10 : memref<512x32xf32, #tpu.memory_space<vmem>>) offsets(%dma_start3A_118 : memref<512xi32, #tpu.memory_space<vmem>>) semaphore(%arg14 : memref<!tpu.dma_semaphore, #tpu.memory_space<semaphore_mem>>)
    %dma_wait3A_122 = arith.constant 2560 : i32
    %dma_wait3A_123 = tpu.memref_slice %arg6[%dma_wait3A_122] : memref<25600xi32, #tpu.memory_space<vmem>> -> memref<512xi32, #tpu.memory_space<vmem>>
    %dma_wait3A_124 = arith.constant 0 : i32
    %dma_wait3A_125 = arith.constant 0 : i32
    %dma_wait3A_126 = tpu.memref_slice %arg5[%dma_wait3A_124, %dma_wait3A_125] : memref<16384x32xf32, #tpu.memory_space<vmem_shared>> -> memref<16384x32xf32, #tpu.memory_space<vmem_shared>>
    tpu.wait_indirect_dma semaphore(%arg12 : memref<!tpu.dma_semaphore, #tpu.memory_space<semaphore_mem>>) src(%dma_wait3A_126 : memref<16384x32xf32, #tpu.memory_space<vmem_shared>>) dst(%arg8 : memref<512x32xf32, #tpu.memory_space<vmem>>)
    %add3A_127 = arith.constant 2560 : i32
    %add3A_128 = arith.addi %mul3A_2, %add3A_127 : i32
    %dma_start3A_129 = arith.constant 0 : i32
    %dma_start3A_130 = tpu.memref_slice %arg4[%add3A_128, %dma_start3A_129] : memref<819200x32xf32, #tpu.memory_space<hbm>> -> memref<512x32xf32, #tpu.memory_space<hbm>>
    %dma_start3A_131 = arith.constant 0 : i32
    %dma_start3A_132 = tpu.memref_slice %arg4[%add3A_128, %dma_start3A_131] : memref<819200x32xf32, #tpu.memory_space<hbm>> -> memref<512x32xf32, #tpu.memory_space<hbm>>
    tpu.enqueue_dma source(%arg8 : memref<512x32xf32, #tpu.memory_space<vmem>>) target(%dma_start3A_132 : memref<512x32xf32, #tpu.memory_space<hbm>>) target_semaphore(%arg16 : memref<!tpu.dma_semaphore, #tpu.memory_space<semaphore_mem>>)
    %add3A_133 = arith.constant 2048 : i32
    %add3A_134 = arith.addi %mul3A_2, %add3A_133 : i32
    %dma_wait3A_135 = arith.constant 0 : i32
    %dma_wait3A_136 = tpu.memref_slice %arg4[%add3A_134, %dma_wait3A_135] : memref<819200x32xf32, #tpu.memory_space<hbm>> -> memref<512x32xf32, #tpu.memory_space<hbm>>
    %dma_wait3A_137 = arith.constant 0 : i32
    %dma_wait3A_138 = tpu.memref_slice %arg4[%add3A_134, %dma_wait3A_137] : memref<819200x32xf32, #tpu.memory_space<hbm>> -> memref<512x32xf32, #tpu.memory_space<hbm>>
    tpu.wait_dma2 semaphore(%arg15 : memref<!tpu.dma_semaphore, #tpu.memory_space<semaphore_mem>>) src(%arg7 : memref<512x32xf32, #tpu.memory_space<vmem>>) dst(%dma_wait3A_138 : memref<512x32xf32, #tpu.memory_space<hbm>>)
    %dma_start3A_139 = arith.constant 4096 : i32
    %dma_start3A_140 = tpu.memref_slice %arg6[%dma_start3A_139] : memref<25600xi32, #tpu.memory_space<vmem>> -> memref<512xi32, #tpu.memory_space<vmem>>
    %dma_start3A_141 = arith.constant 0 : i32
    %dma_start3A_142 = arith.constant 0 : i32
    %dma_start3A_143 = tpu.memref_slice %arg5[%dma_start3A_141, %dma_start3A_142] : memref<16384x32xf32, #tpu.memory_space<vmem_shared>> -> memref<16384x32xf32, #tpu.memory_space<vmem_shared>>
    tpu.enqueue_indirect_dma source(%dma_start3A_143 : memref<16384x32xf32, #tpu.memory_space<vmem_shared>>) target(%arg7 : memref<512x32xf32, #tpu.memory_space<vmem>>) offsets(%dma_start3A_140 : memref<512xi32, #tpu.memory_space<vmem>>) semaphore(%arg11 : memref<!tpu.dma_semaphore, #tpu.memory_space<semaphore_mem>>)
    %dma_wait3A_144 = arith.constant 3072 : i32
    %dma_wait3A_145 = tpu.memref_slice %arg6[%dma_wait3A_144] : memref<25600xi32, #tpu.memory_space<vmem>> -> memref<512xi32, #tpu.memory_space<vmem>>
    %dma_wait3A_146 = arith.constant 0 : i32
    %dma_wait3A_147 = arith.constant 0 : i32
    %dma_wait3A_148 = tpu.memref_slice %arg5[%dma_wait3A_146, %dma_wait3A_147] : memref<16384x32xf32, #tpu.memory_space<vmem_shared>> -> memref<16384x32xf32, #tpu.memory_space<vmem_shared>>
    tpu.wait_indirect_dma semaphore(%arg13 : memref<!tpu.dma_semaphore, #tpu.memory_space<semaphore_mem>>) src(%dma_wait3A_148 : memref<16384x32xf32, #tpu.memory_space<vmem_shared>>) dst(%arg9 : memref<512x32xf32, #tpu.memory_space<vmem>>)
    %add3A_149 = arith.constant 3072 : i32
    %add3A_150 = arith.addi %mul3A_2, %add3A_149 : i32
    %dma_start3A_151 = arith.constant 0 : i32
    %dma_start3A_152 = tpu.memref_slice %arg4[%add3A_150, %dma_start3A_151] : memref<819200x32xf32, #tpu.memory_space<hbm>> -> memref<512x32xf32, #tpu.memory_space<hbm>>
    %dma_start3A_153 = arith.constant 0 : i32
    %dma_start3A_154 = tpu.memref_slice %arg4[%add3A_150, %dma_start3A_153] : memref<819200x32xf32, #tpu.memory_space<hbm>> -> memref<512x32xf32, #tpu.memory_space<hbm>>
    tpu.enqueue_dma source(%arg9 : memref<512x32xf32, #tpu.memory_space<vmem>>) target(%dma_start3A_154 : memref<512x32xf32, #tpu.memory_space<hbm>>) target_semaphore(%arg17 : memref<!tpu.dma_semaphore, #tpu.memory_space<semaphore_mem>>)
    %add3A_155 = arith.constant 2560 : i32
    %add3A_156 = arith.addi %mul3A_2, %add3A_155 : i32
    %dma_wait3A_157 = arith.constant 0 : i32
    %dma_wait3A_158 = tpu.memref_slice %arg4[%add3A_156, %dma_wait3A_157] : memref<819200x32xf32, #tpu.memory_space<hbm>> -> memref<512x32xf32, #tpu.memory_space<hbm>>
    %dma_wait3A_159 = arith.constant 0 : i32
    %dma_wait3A_160 = tpu.memref_slice %arg4[%add3A_156, %dma_wait3A_159] : memref<819200x32xf32, #tpu.memory_space<hbm>> -> memref<512x32xf32, #tpu.memory_space<hbm>>
    tpu.wait_dma2 semaphore(%arg16 : memref<!tpu.dma_semaphore, #tpu.memory_space<semaphore_mem>>) src(%arg8 : memref<512x32xf32, #tpu.memory_space<vmem>>) dst(%dma_wait3A_160 : memref<512x32xf32, #tpu.memory_space<hbm>>)
    %dma_start3A_161 = arith.constant 4608 : i32
    %dma_start3A_162 = tpu.memref_slice %arg6[%dma_start3A_161] : memref<25600xi32, #tpu.memory_space<vmem>> -> memref<512xi32, #tpu.memory_space<vmem>>
    %dma_start3A_163 = arith.constant 0 : i32
    %dma_start3A_164 = arith.constant 0 : i32
    %dma_start3A_165 = tpu.memref_slice %arg5[%dma_start3A_163, %dma_start3A_164] : memref<16384x32xf32, #tpu.memory_space<vmem_shared>> -> memref<16384x32xf32, #tpu.memory_space<vmem_shared>>
    tpu.enqueue_indirect_dma source(%dma_start3A_165 : memref<16384x32xf32, #tpu.memory_space<vmem_shared>>) target(%arg8 : memref<512x32xf32, #tpu.memory_space<vmem>>) offsets(%dma_start3A_162 : memref<512xi32, #tpu.memory_space<vmem>>) semaphore(%arg12 : memref<!tpu.dma_semaphore, #tpu.memory_space<semaphore_mem>>)
    %dma_wait3A_166 = arith.constant 3584 : i32
    %dma_wait3A_167 = tpu.memref_slice %arg6[%dma_wait3A_166] : memref<25600xi32, #tpu.memory_space<vmem>> -> memref<512xi32, #tpu.memory_space<vmem>>
    %dma_wait3A_168 = arith.constant 0 : i32
    %dma_wait3A_169 = arith.constant 0 : i32
    %dma_wait3A_170 = tpu.memref_slice %arg5[%dma_wait3A_168, %dma_wait3A_169] : memref<16384x32xf32, #tpu.memory_space<vmem_shared>> -> memref<16384x32xf32, #tpu.memory_space<vmem_shared>>
    tpu.wait_indirect_dma semaphore(%arg14 : memref<!tpu.dma_semaphore, #tpu.memory_space<semaphore_mem>>) src(%dma_wait3A_170 : memref<16384x32xf32, #tpu.memory_space<vmem_shared>>) dst(%arg10 : memref<512x32xf32, #tpu.memory_space<vmem>>)
    %add3A_171 = arith.constant 3584 : i32
    %add3A_172 = arith.addi %mul3A_2, %add3A_171 : i32
    %dma_start3A_173 = arith.constant 0 : i32
    %dma_start3A_174 = tpu.memref_slice %arg4[%add3A_172, %dma_start3A_173] : memref<819200x32xf32, #tpu.memory_space<hbm>> -> memref<512x32xf32, #tpu.memory_space<hbm>>
    %dma_start3A_175 = arith.constant 0 : i32
    %dma_start3A_176 = tpu.memref_slice %arg4[%add3A_172, %dma_start3A_175] : memref<819200x32xf32, #tpu.memory_space<hbm>> -> memref<512x32xf32, #tpu.memory_space<hbm>>
    tpu.enqueue_dma source(%arg10 : memref<512x32xf32, #tpu.memory_space<vmem>>) target(%dma_start3A_176 : memref<512x32xf32, #tpu.memory_space<hbm>>) target_semaphore(%arg18 : memref<!tpu.dma_semaphore, #tpu.memory_space<semaphore_mem>>)
    %add3A_177 = arith.constant 3072 : i32
    %add3A_178 = arith.addi %mul3A_2, %add3A_177 : i32
    %dma_wait3A_179 = arith.constant 0 : i32
    %dma_wait3A_180 = tpu.memref_slice %arg4[%add3A_178, %dma_wait3A_179] : memref<819200x32xf32, #tpu.memory_space<hbm>> -> memref<512x32xf32, #tpu.memory_space<hbm>>
    %dma_wait3A_181 = arith.constant 0 : i32
    %dma_wait3A_182 = tpu.memref_slice %arg4[%add3A_178, %dma_wait3A_181] : memref<819200x32xf32, #tpu.memory_space<hbm>> -> memref<512x32xf32, #tpu.memory_space<hbm>>
    tpu.wait_dma2 semaphore(%arg17 : memref<!tpu.dma_semaphore, #tpu.memory_space<semaphore_mem>>) src(%arg9 : memref<512x32xf32, #tpu.memory_space<vmem>>) dst(%dma_wait3A_182 : memref<512x32xf32, #tpu.memory_space<hbm>>)
    %dma_start3A_183 = arith.constant 5120 : i32
    %dma_start3A_184 = tpu.memref_slice %arg6[%dma_start3A_183] : memref<25600xi32, #tpu.memory_space<vmem>> -> memref<512xi32, #tpu.memory_space<vmem>>
    %dma_start3A_185 = arith.constant 0 : i32
    %dma_start3A_186 = arith.constant 0 : i32
    %dma_start3A_187 = tpu.memref_slice %arg5[%dma_start3A_185, %dma_start3A_186] : memref<16384x32xf32, #tpu.memory_space<vmem_shared>> -> memref<16384x32xf32, #tpu.memory_space<vmem_shared>>
    tpu.enqueue_indirect_dma source(%dma_start3A_187 : memref<16384x32xf32, #tpu.memory_space<vmem_shared>>) target(%arg9 : memref<512x32xf32, #tpu.memory_space<vmem>>) offsets(%dma_start3A_184 : memref<512xi32, #tpu.memory_space<vmem>>) semaphore(%arg13 : memref<!tpu.dma_semaphore, #tpu.memory_space<semaphore_mem>>)
    %dma_wait3A_188 = arith.constant 4096 : i32
    %dma_wait3A_189 = tpu.memref_slice %arg6[%dma_wait3A_188] : memref<25600xi32, #tpu.memory_space<vmem>> -> memref<512xi32, #tpu.memory_space<vmem>>
    %dma_wait3A_190 = arith.constant 0 : i32
    %dma_wait3A_191 = arith.constant 0 : i32
    %dma_wait3A_192 = tpu.memref_slice %arg5[%dma_wait3A_190, %dma_wait3A_191] : memref<16384x32xf32, #tpu.memory_space<vmem_shared>> -> memref<16384x32xf32, #tpu.memory_space<vmem_shared>>
    tpu.wait_indirect_dma semaphore(%arg11 : memref<!tpu.dma_semaphore, #tpu.memory_space<semaphore_mem>>) src(%dma_wait3A_192 : memref<16384x32xf32, #tpu.memory_space<vmem_shared>>) dst(%arg7 : memref<512x32xf32, #tpu.memory_space<vmem>>)
    %add3A_193 = arith.constant 4096 : i32
    %add3A_194 = arith.addi %mul3A_2, %add3A_193 : i32
    %dma_start3A_195 = arith.constant 0 : i32
    %dma_start3A_196 = tpu.memref_slice %arg4[%add3A_194, %dma_start3A_195] : memref<819200x32xf32, #tpu.memory_space<hbm>> -> memref<512x32xf32, #tpu.memory_space<hbm>>
    %dma_start3A_197 = arith.constant 0 : i32
    %dma_start3A_198 = tpu.memref_slice %arg4[%add3A_194, %dma_start3A_197] : memref<819200x32xf32, #tpu.memory_space<hbm>> -> memref<512x32xf32, #tpu.memory_space<hbm>>
    tpu.enqueue_dma source(%arg7 : memref<512x32xf32, #tpu.memory_space<vmem>>) target(%dma_start3A_198 : memref<512x32xf32, #tpu.memory_space<hbm>>) target_semaphore(%arg15 : memref<!tpu.dma_semaphore, #tpu.memory_space<semaphore_mem>>)
    %add3A_199 = arith.constant 3584 : i32
    %add3A_200 = arith.addi %mul3A_2, %add3A_199 : i32
    %dma_wait3A_201 = arith.constant 0 : i32
    %dma_wait3A_202 = tpu.memref_slice %arg4[%add3A_200, %dma_wait3A_201] : memref<819200x32xf32, #tpu.memory_space<hbm>> -> memref<512x32xf32, #tpu.memory_space<hbm>>
    %dma_wait3A_203 = arith.constant 0 : i32
    %dma_wait3A_204 = tpu.memref_slice %arg4[%add3A_200, %dma_wait3A_203] : memref<819200x32xf32, #tpu.memory_space<hbm>> -> memref<512x32xf32, #tpu.memory_space<hbm>>
    tpu.wait_dma2 semaphore(%arg18 : memref<!tpu.dma_semaphore, #tpu.memory_space<semaphore_mem>>) src(%arg10 : memref<512x32xf32, #tpu.memory_space<vmem>>) dst(%dma_wait3A_204 : memref<512x32xf32, #tpu.memory_space<hbm>>)
    %dma_start3A_205 = arith.constant 5632 : i32
    %dma_start3A_206 = tpu.memref_slice %arg6[%dma_start3A_205] : memref<25600xi32, #tpu.memory_space<vmem>> -> memref<512xi32, #tpu.memory_space<vmem>>
    %dma_start3A_207 = arith.constant 0 : i32
    %dma_start3A_208 = arith.constant 0 : i32
    %dma_start3A_209 = tpu.memref_slice %arg5[%dma_start3A_207, %dma_start3A_208] : memref<16384x32xf32, #tpu.memory_space<vmem_shared>> -> memref<16384x32xf32, #tpu.memory_space<vmem_shared>>
    tpu.enqueue_indirect_dma source(%dma_start3A_209 : memref<16384x32xf32, #tpu.memory_space<vmem_shared>>) target(%arg10 : memref<512x32xf32, #tpu.memory_space<vmem>>) offsets(%dma_start3A_206 : memref<512xi32, #tpu.memory_space<vmem>>) semaphore(%arg14 : memref<!tpu.dma_semaphore, #tpu.memory_space<semaphore_mem>>)
    %dma_wait3A_210 = arith.constant 4608 : i32
    %dma_wait3A_211 = tpu.memref_slice %arg6[%dma_wait3A_210] : memref<25600xi32, #tpu.memory_space<vmem>> -> memref<512xi32, #tpu.memory_space<vmem>>
    %dma_wait3A_212 = arith.constant 0 : i32
    %dma_wait3A_213 = arith.constant 0 : i32
    %dma_wait3A_214 = tpu.memref_slice %arg5[%dma_wait3A_212, %dma_wait3A_213] : memref<16384x32xf32, #tpu.memory_space<vmem_shared>> -> memref<16384x32xf32, #tpu.memory_space<vmem_shared>>
    tpu.wait_indirect_dma semaphore(%arg12 : memref<!tpu.dma_semaphore, #tpu.memory_space<semaphore_mem>>) src(%dma_wait3A_214 : memref<16384x32xf32, #tpu.memory_space<vmem_shared>>) dst(%arg8 : memref<512x32xf32, #tpu.memory_space<vmem>>)
    %add3A_215 = arith.constant 4608 : i32
    %add3A_216 = arith.addi %mul3A_2, %add3A_215 : i32
    %dma_start3A_217 = arith.constant 0 : i32
    %dma_start3A_218 = tpu.memref_slice %arg4[%add3A_216, %dma_start3A_217] : memref<819200x32xf32, #tpu.memory_space<hbm>> -> memref<512x32xf32, #tpu.memory_space<hbm>>
    %dma_start3A_219 = arith.constant 0 : i32
    %dma_start3A_220 = tpu.memref_slice %arg4[%add3A_216, %dma_start3A_219] : memref<819200x32xf32, #tpu.memory_space<hbm>> -> memref<512x32xf32, #tpu.memory_space<hbm>>
    tpu.enqueue_dma source(%arg8 : memref<512x32xf32, #tpu.memory_space<vmem>>) target(%dma_start3A_220 : memref<512x32xf32, #tpu.memory_space<hbm>>) target_semaphore(%arg16 : memref<!tpu.dma_semaphore, #tpu.memory_space<semaphore_mem>>)
    %add3A_221 = arith.constant 4096 : i32
    %add3A_222 = arith.addi %mul3A_2, %add3A_221 : i32
    %dma_wait3A_223 = arith.constant 0 : i32
    %dma_wait3A_224 = tpu.memref_slice %arg4[%add3A_222, %dma_wait3A_223] : memref<819200x32xf32, #tpu.memory_space<hbm>> -> memref<512x32xf32, #tpu.memory_space<hbm>>
    %dma_wait3A_225 = arith.constant 0 : i32
    %dma_wait3A_226 = tpu.memref_slice %arg4[%add3A_222, %dma_wait3A_225] : memref<819200x32xf32, #tpu.memory_space<hbm>> -> memref<512x32xf32, #tpu.memory_space<hbm>>
    tpu.wait_dma2 semaphore(%arg15 : memref<!tpu.dma_semaphore, #tpu.memory_space<semaphore_mem>>) src(%arg7 : memref<512x32xf32, #tpu.memory_space<vmem>>) dst(%dma_wait3A_226 : memref<512x32xf32, #tpu.memory_space<hbm>>)
    %dma_start3A_227 = arith.constant 6144 : i32
    %dma_start3A_228 = tpu.memref_slice %arg6[%dma_start3A_227] : memref<25600xi32, #tpu.memory_space<vmem>> -> memref<512xi32, #tpu.memory_space<vmem>>
    %dma_start3A_229 = arith.constant 0 : i32
    %dma_start3A_230 = arith.constant 0 : i32
    %dma_start3A_231 = tpu.memref_slice %arg5[%dma_start3A_229, %dma_start3A_230] : memref<16384x32xf32, #tpu.memory_space<vmem_shared>> -> memref<16384x32xf32, #tpu.memory_space<vmem_shared>>
    tpu.enqueue_indirect_dma source(%dma_start3A_231 : memref<16384x32xf32, #tpu.memory_space<vmem_shared>>) target(%arg7 : memref<512x32xf32, #tpu.memory_space<vmem>>) offsets(%dma_start3A_228 : memref<512xi32, #tpu.memory_space<vmem>>) semaphore(%arg11 : memref<!tpu.dma_semaphore, #tpu.memory_space<semaphore_mem>>)
    %dma_wait3A_232 = arith.constant 5120 : i32
    %dma_wait3A_233 = tpu.memref_slice %arg6[%dma_wait3A_232] : memref<25600xi32, #tpu.memory_space<vmem>> -> memref<512xi32, #tpu.memory_space<vmem>>
    %dma_wait3A_234 = arith.constant 0 : i32
    %dma_wait3A_235 = arith.constant 0 : i32
    %dma_wait3A_236 = tpu.memref_slice %arg5[%dma_wait3A_234, %dma_wait3A_235] : memref<16384x32xf32, #tpu.memory_space<vmem_shared>> -> memref<16384x32xf32, #tpu.memory_space<vmem_shared>>
    tpu.wait_indirect_dma semaphore(%arg13 : memref<!tpu.dma_semaphore, #tpu.memory_space<semaphore_mem>>) src(%dma_wait3A_236 : memref<16384x32xf32, #tpu.memory_space<vmem_shared>>) dst(%arg9 : memref<512x32xf32, #tpu.memory_space<vmem>>)
    %add3A_237 = arith.constant 5120 : i32
    %add3A_238 = arith.addi %mul3A_2, %add3A_237 : i32
    %dma_start3A_239 = arith.constant 0 : i32
    %dma_start3A_240 = tpu.memref_slice %arg4[%add3A_238, %dma_start3A_239] : memref<819200x32xf32, #tpu.memory_space<hbm>> -> memref<512x32xf32, #tpu.memory_space<hbm>>
    %dma_start3A_241 = arith.constant 0 : i32
    %dma_start3A_242 = tpu.memref_slice %arg4[%add3A_238, %dma_start3A_241] : memref<819200x32xf32, #tpu.memory_space<hbm>> -> memref<512x32xf32, #tpu.memory_space<hbm>>
    tpu.enqueue_dma source(%arg9 : memref<512x32xf32, #tpu.memory_space<vmem>>) target(%dma_start3A_242 : memref<512x32xf32, #tpu.memory_space<hbm>>) target_semaphore(%arg17 : memref<!tpu.dma_semaphore, #tpu.memory_space<semaphore_mem>>)
    %add3A_243 = arith.constant 4608 : i32
    %add3A_244 = arith.addi %mul3A_2, %add3A_243 : i32
    %dma_wait3A_245 = arith.constant 0 : i32
    %dma_wait3A_246 = tpu.memref_slice %arg4[%add3A_244, %dma_wait3A_245] : memref<819200x32xf32, #tpu.memory_space<hbm>> -> memref<512x32xf32, #tpu.memory_space<hbm>>
    %dma_wait3A_247 = arith.constant 0 : i32
    %dma_wait3A_248 = tpu.memref_slice %arg4[%add3A_244, %dma_wait3A_247] : memref<819200x32xf32, #tpu.memory_space<hbm>> -> memref<512x32xf32, #tpu.memory_space<hbm>>
    tpu.wait_dma2 semaphore(%arg16 : memref<!tpu.dma_semaphore, #tpu.memory_space<semaphore_mem>>) src(%arg8 : memref<512x32xf32, #tpu.memory_space<vmem>>) dst(%dma_wait3A_248 : memref<512x32xf32, #tpu.memory_space<hbm>>)
    %dma_start3A_249 = arith.constant 6656 : i32
    %dma_start3A_250 = tpu.memref_slice %arg6[%dma_start3A_249] : memref<25600xi32, #tpu.memory_space<vmem>> -> memref<512xi32, #tpu.memory_space<vmem>>
    %dma_start3A_251 = arith.constant 0 : i32
    %dma_start3A_252 = arith.constant 0 : i32
    %dma_start3A_253 = tpu.memref_slice %arg5[%dma_start3A_251, %dma_start3A_252] : memref<16384x32xf32, #tpu.memory_space<vmem_shared>> -> memref<16384x32xf32, #tpu.memory_space<vmem_shared>>
    tpu.enqueue_indirect_dma source(%dma_start3A_253 : memref<16384x32xf32, #tpu.memory_space<vmem_shared>>) target(%arg8 : memref<512x32xf32, #tpu.memory_space<vmem>>) offsets(%dma_start3A_250 : memref<512xi32, #tpu.memory_space<vmem>>) semaphore(%arg12 : memref<!tpu.dma_semaphore, #tpu.memory_space<semaphore_mem>>)
    %dma_wait3A_254 = arith.constant 5632 : i32
    %dma_wait3A_255 = tpu.memref_slice %arg6[%dma_wait3A_254] : memref<25600xi32, #tpu.memory_space<vmem>> -> memref<512xi32, #tpu.memory_space<vmem>>
    %dma_wait3A_256 = arith.constant 0 : i32
    %dma_wait3A_257 = arith.constant 0 : i32
    %dma_wait3A_258 = tpu.memref_slice %arg5[%dma_wait3A_256, %dma_wait3A_257] : memref<16384x32xf32, #tpu.memory_space<vmem_shared>> -> memref<16384x32xf32, #tpu.memory_space<vmem_shared>>
    tpu.wait_indirect_dma semaphore(%arg14 : memref<!tpu.dma_semaphore, #tpu.memory_space<semaphore_mem>>) src(%dma_wait3A_258 : memref<16384x32xf32, #tpu.memory_space<vmem_shared>>) dst(%arg10 : memref<512x32xf32, #tpu.memory_space<vmem>>)
    %add3A_259 = arith.constant 5632 : i32
    %add3A_260 = arith.addi %mul3A_2, %add3A_259 : i32
    %dma_start3A_261 = arith.constant 0 : i32
    %dma_start3A_262 = tpu.memref_slice %arg4[%add3A_260, %dma_start3A_261] : memref<819200x32xf32, #tpu.memory_space<hbm>> -> memref<512x32xf32, #tpu.memory_space<hbm>>
    %dma_start3A_263 = arith.constant 0 : i32
    %dma_start3A_264 = tpu.memref_slice %arg4[%add3A_260, %dma_start3A_263] : memref<819200x32xf32, #tpu.memory_space<hbm>> -> memref<512x32xf32, #tpu.memory_space<hbm>>
    tpu.enqueue_dma source(%arg10 : memref<512x32xf32, #tpu.memory_space<vmem>>) target(%dma_start3A_264 : memref<512x32xf32, #tpu.memory_space<hbm>>) target_semaphore(%arg18 : memref<!tpu.dma_semaphore, #tpu.memory_space<semaphore_mem>>)
    %add3A_265 = arith.constant 5120 : i32
    %add3A_266 = arith.addi %mul3A_2, %add3A_265 : i32
    %dma_wait3A_267 = arith.constant 0 : i32
    %dma_wait3A_268 = tpu.memref_slice %arg4[%add3A_266, %dma_wait3A_267] : memref<819200x32xf32, #tpu.memory_space<hbm>> -> memref<512x32xf32, #tpu.memory_space<hbm>>
    %dma_wait3A_269 = arith.constant 0 : i32
    %dma_wait3A_270 = tpu.memref_slice %arg4[%add3A_266, %dma_wait3A_269] : memref<819200x32xf32, #tpu.memory_space<hbm>> -> memref<512x32xf32, #tpu.memory_space<hbm>>
    tpu.wait_dma2 semaphore(%arg17 : memref<!tpu.dma_semaphore, #tpu.memory_space<semaphore_mem>>) src(%arg9 : memref<512x32xf32, #tpu.memory_space<vmem>>) dst(%dma_wait3A_270 : memref<512x32xf32, #tpu.memory_space<hbm>>)
    %dma_start3A_271 = arith.constant 7168 : i32
    %dma_start3A_272 = tpu.memref_slice %arg6[%dma_start3A_271] : memref<25600xi32, #tpu.memory_space<vmem>> -> memref<512xi32, #tpu.memory_space<vmem>>
    %dma_start3A_273 = arith.constant 0 : i32
    %dma_start3A_274 = arith.constant 0 : i32
    %dma_start3A_275 = tpu.memref_slice %arg5[%dma_start3A_273, %dma_start3A_274] : memref<16384x32xf32, #tpu.memory_space<vmem_shared>> -> memref<16384x32xf32, #tpu.memory_space<vmem_shared>>
    tpu.enqueue_indirect_dma source(%dma_start3A_275 : memref<16384x32xf32, #tpu.memory_space<vmem_shared>>) target(%arg9 : memref<512x32xf32, #tpu.memory_space<vmem>>) offsets(%dma_start3A_272 : memref<512xi32, #tpu.memory_space<vmem>>) semaphore(%arg13 : memref<!tpu.dma_semaphore, #tpu.memory_space<semaphore_mem>>)
    %dma_wait3A_276 = arith.constant 6144 : i32
    %dma_wait3A_277 = tpu.memref_slice %arg6[%dma_wait3A_276] : memref<25600xi32, #tpu.memory_space<vmem>> -> memref<512xi32, #tpu.memory_space<vmem>>
    %dma_wait3A_278 = arith.constant 0 : i32
    %dma_wait3A_279 = arith.constant 0 : i32
    %dma_wait3A_280 = tpu.memref_slice %arg5[%dma_wait3A_278, %dma_wait3A_279] : memref<16384x32xf32, #tpu.memory_space<vmem_shared>> -> memref<16384x32xf32, #tpu.memory_space<vmem_shared>>
    tpu.wait_indirect_dma semaphore(%arg11 : memref<!tpu.dma_semaphore, #tpu.memory_space<semaphore_mem>>) src(%dma_wait3A_280 : memref<16384x32xf32, #tpu.memory_space<vmem_shared>>) dst(%arg7 : memref<512x32xf32, #tpu.memory_space<vmem>>)
    %add3A_281 = arith.constant 6144 : i32
    %add3A_282 = arith.addi %mul3A_2, %add3A_281 : i32
    %dma_start3A_283 = arith.constant 0 : i32
    %dma_start3A_284 = tpu.memref_slice %arg4[%add3A_282, %dma_start3A_283] : memref<819200x32xf32, #tpu.memory_space<hbm>> -> memref<512x32xf32, #tpu.memory_space<hbm>>
    %dma_start3A_285 = arith.constant 0 : i32
    %dma_start3A_286 = tpu.memref_slice %arg4[%add3A_282, %dma_start3A_285] : memref<819200x32xf32, #tpu.memory_space<hbm>> -> memref<512x32xf32, #tpu.memory_space<hbm>>
    tpu.enqueue_dma source(%arg7 : memref<512x32xf32, #tpu.memory_space<vmem>>) target(%dma_start3A_286 : memref<512x32xf32, #tpu.memory_space<hbm>>) target_semaphore(%arg15 : memref<!tpu.dma_semaphore, #tpu.memory_space<semaphore_mem>>)
    %add3A_287 = arith.constant 5632 : i32
    %add3A_288 = arith.addi %mul3A_2, %add3A_287 : i32
    %dma_wait3A_289 = arith.constant 0 : i32
    %dma_wait3A_290 = tpu.memref_slice %arg4[%add3A_288, %dma_wait3A_289] : memref<819200x32xf32, #tpu.memory_space<hbm>> -> memref<512x32xf32, #tpu.memory_space<hbm>>
    %dma_wait3A_291 = arith.constant 0 : i32
    %dma_wait3A_292 = tpu.memref_slice %arg4[%add3A_288, %dma_wait3A_291] : memref<819200x32xf32, #tpu.memory_space<hbm>> -> memref<512x32xf32, #tpu.memory_space<hbm>>
    tpu.wait_dma2 semaphore(%arg18 : memref<!tpu.dma_semaphore, #tpu.memory_space<semaphore_mem>>) src(%arg10 : memref<512x32xf32, #tpu.memory_space<vmem>>) dst(%dma_wait3A_292 : memref<512x32xf32, #tpu.memory_space<hbm>>)
    %dma_start3A_293 = arith.constant 7680 : i32
    %dma_start3A_294 = tpu.memref_slice %arg6[%dma_start3A_293] : memref<25600xi32, #tpu.memory_space<vmem>> -> memref<512xi32, #tpu.memory_space<vmem>>
    %dma_start3A_295 = arith.constant 0 : i32
    %dma_start3A_296 = arith.constant 0 : i32
    %dma_start3A_297 = tpu.memref_slice %arg5[%dma_start3A_295, %dma_start3A_296] : memref<16384x32xf32, #tpu.memory_space<vmem_shared>> -> memref<16384x32xf32, #tpu.memory_space<vmem_shared>>
    tpu.enqueue_indirect_dma source(%dma_start3A_297 : memref<16384x32xf32, #tpu.memory_space<vmem_shared>>) target(%arg10 : memref<512x32xf32, #tpu.memory_space<vmem>>) offsets(%dma_start3A_294 : memref<512xi32, #tpu.memory_space<vmem>>) semaphore(%arg14 : memref<!tpu.dma_semaphore, #tpu.memory_space<semaphore_mem>>)
    %dma_wait3A_298 = arith.constant 6656 : i32
    %dma_wait3A_299 = tpu.memref_slice %arg6[%dma_wait3A_298] : memref<25600xi32, #tpu.memory_space<vmem>> -> memref<512xi32, #tpu.memory_space<vmem>>
    %dma_wait3A_300 = arith.constant 0 : i32
    %dma_wait3A_301 = arith.constant 0 : i32
    %dma_wait3A_302 = tpu.memref_slice %arg5[%dma_wait3A_300, %dma_wait3A_301] : memref<16384x32xf32, #tpu.memory_space<vmem_shared>> -> memref<16384x32xf32, #tpu.memory_space<vmem_shared>>
    tpu.wait_indirect_dma semaphore(%arg12 : memref<!tpu.dma_semaphore, #tpu.memory_space<semaphore_mem>>) src(%dma_wait3A_302 : memref<16384x32xf32, #tpu.memory_space<vmem_shared>>) dst(%arg8 : memref<512x32xf32, #tpu.memory_space<vmem>>)
    %add3A_303 = arith.constant 6656 : i32
    %add3A_304 = arith.addi %mul3A_2, %add3A_303 : i32
    %dma_start3A_305 = arith.constant 0 : i32
    %dma_start3A_306 = tpu.memref_slice %arg4[%add3A_304, %dma_start3A_305] : memref<819200x32xf32, #tpu.memory_space<hbm>> -> memref<512x32xf32, #tpu.memory_space<hbm>>
    %dma_start3A_307 = arith.constant 0 : i32
    %dma_start3A_308 = tpu.memref_slice %arg4[%add3A_304, %dma_start3A_307] : memref<819200x32xf32, #tpu.memory_space<hbm>> -> memref<512x32xf32, #tpu.memory_space<hbm>>
    tpu.enqueue_dma source(%arg8 : memref<512x32xf32, #tpu.memory_space<vmem>>) target(%dma_start3A_308 : memref<512x32xf32, #tpu.memory_space<hbm>>) target_semaphore(%arg16 : memref<!tpu.dma_semaphore, #tpu.memory_space<semaphore_mem>>)
    %add3A_309 = arith.constant 6144 : i32
    %add3A_310 = arith.addi %mul3A_2, %add3A_309 : i32
    %dma_wait3A_311 = arith.constant 0 : i32
    %dma_wait3A_312 = tpu.memref_slice %arg4[%add3A_310, %dma_wait3A_311] : memref<819200x32xf32, #tpu.memory_space<hbm>> -> memref<512x32xf32, #tpu.memory_space<hbm>>
    %dma_wait3A_313 = arith.constant 0 : i32
    %dma_wait3A_314 = tpu.memref_slice %arg4[%add3A_310, %dma_wait3A_313] : memref<819200x32xf32, #tpu.memory_space<hbm>> -> memref<512x32xf32, #tpu.memory_space<hbm>>
    tpu.wait_dma2 semaphore(%arg15 : memref<!tpu.dma_semaphore, #tpu.memory_space<semaphore_mem>>) src(%arg7 : memref<512x32xf32, #tpu.memory_space<vmem>>) dst(%dma_wait3A_314 : memref<512x32xf32, #tpu.memory_space<hbm>>)
    %dma_start3A_315 = arith.constant 8192 : i32
    %dma_start3A_316 = tpu.memref_slice %arg6[%dma_start3A_315] : memref<25600xi32, #tpu.memory_space<vmem>> -> memref<512xi32, #tpu.memory_space<vmem>>
    %dma_start3A_317 = arith.constant 0 : i32
    %dma_start3A_318 = arith.constant 0 : i32
    %dma_start3A_319 = tpu.memref_slice %arg5[%dma_start3A_317, %dma_start3A_318] : memref<16384x32xf32, #tpu.memory_space<vmem_shared>> -> memref<16384x32xf32, #tpu.memory_space<vmem_shared>>
    tpu.enqueue_indirect_dma source(%dma_start3A_319 : memref<16384x32xf32, #tpu.memory_space<vmem_shared>>) target(%arg7 : memref<512x32xf32, #tpu.memory_space<vmem>>) offsets(%dma_start3A_316 : memref<512xi32, #tpu.memory_space<vmem>>) semaphore(%arg11 : memref<!tpu.dma_semaphore, #tpu.memory_space<semaphore_mem>>)
    %dma_wait3A_320 = arith.constant 7168 : i32
    %dma_wait3A_321 = tpu.memref_slice %arg6[%dma_wait3A_320] : memref<25600xi32, #tpu.memory_space<vmem>> -> memref<512xi32, #tpu.memory_space<vmem>>
    %dma_wait3A_322 = arith.constant 0 : i32
    %dma_wait3A_323 = arith.constant 0 : i32
    %dma_wait3A_324 = tpu.memref_slice %arg5[%dma_wait3A_322, %dma_wait3A_323] : memref<16384x32xf32, #tpu.memory_space<vmem_shared>> -> memref<16384x32xf32, #tpu.memory_space<vmem_shared>>
    tpu.wait_indirect_dma semaphore(%arg13 : memref<!tpu.dma_semaphore, #tpu.memory_space<semaphore_mem>>) src(%dma_wait3A_324 : memref<16384x32xf32, #tpu.memory_space<vmem_shared>>) dst(%arg9 : memref<512x32xf32, #tpu.memory_space<vmem>>)
    %add3A_325 = arith.constant 7168 : i32
    %add3A_326 = arith.addi %mul3A_2, %add3A_325 : i32
    %dma_start3A_327 = arith.constant 0 : i32
    %dma_start3A_328 = tpu.memref_slice %arg4[%add3A_326, %dma_start3A_327] : memref<819200x32xf32, #tpu.memory_space<hbm>> -> memref<512x32xf32, #tpu.memory_space<hbm>>
    %dma_start3A_329 = arith.constant 0 : i32
    %dma_start3A_330 = tpu.memref_slice %arg4[%add3A_326, %dma_start3A_329] : memref<819200x32xf32, #tpu.memory_space<hbm>> -> memref<512x32xf32, #tpu.memory_space<hbm>>
    tpu.enqueue_dma source(%arg9 : memref<512x32xf32, #tpu.memory_space<vmem>>) target(%dma_start3A_330 : memref<512x32xf32, #tpu.memory_space<hbm>>) target_semaphore(%arg17 : memref<!tpu.dma_semaphore, #tpu.memory_space<semaphore_mem>>)
    %add3A_331 = arith.constant 6656 : i32
    %add3A_332 = arith.addi %mul3A_2, %add3A_331 : i32
    %dma_wait3A_333 = arith.constant 0 : i32
    %dma_wait3A_334 = tpu.memref_slice %arg4[%add3A_332, %dma_wait3A_333] : memref<819200x32xf32, #tpu.memory_space<hbm>> -> memref<512x32xf32, #tpu.memory_space<hbm>>
    %dma_wait3A_335 = arith.constant 0 : i32
    %dma_wait3A_336 = tpu.memref_slice %arg4[%add3A_332, %dma_wait3A_335] : memref<819200x32xf32, #tpu.memory_space<hbm>> -> memref<512x32xf32, #tpu.memory_space<hbm>>
    tpu.wait_dma2 semaphore(%arg16 : memref<!tpu.dma_semaphore, #tpu.memory_space<semaphore_mem>>) src(%arg8 : memref<512x32xf32, #tpu.memory_space<vmem>>) dst(%dma_wait3A_336 : memref<512x32xf32, #tpu.memory_space<hbm>>)
    %dma_start3A_337 = arith.constant 8704 : i32
    %dma_start3A_338 = tpu.memref_slice %arg6[%dma_start3A_337] : memref<25600xi32, #tpu.memory_space<vmem>> -> memref<512xi32, #tpu.memory_space<vmem>>
    %dma_start3A_339 = arith.constant 0 : i32
    %dma_start3A_340 = arith.constant 0 : i32
    %dma_start3A_341 = tpu.memref_slice %arg5[%dma_start3A_339, %dma_start3A_340] : memref<16384x32xf32, #tpu.memory_space<vmem_shared>> -> memref<16384x32xf32, #tpu.memory_space<vmem_shared>>
    tpu.enqueue_indirect_dma source(%dma_start3A_341 : memref<16384x32xf32, #tpu.memory_space<vmem_shared>>) target(%arg8 : memref<512x32xf32, #tpu.memory_space<vmem>>) offsets(%dma_start3A_338 : memref<512xi32, #tpu.memory_space<vmem>>) semaphore(%arg12 : memref<!tpu.dma_semaphore, #tpu.memory_space<semaphore_mem>>)
    %dma_wait3A_342 = arith.constant 7680 : i32
    %dma_wait3A_343 = tpu.memref_slice %arg6[%dma_wait3A_342] : memref<25600xi32, #tpu.memory_space<vmem>> -> memref<512xi32, #tpu.memory_space<vmem>>
    %dma_wait3A_344 = arith.constant 0 : i32
    %dma_wait3A_345 = arith.constant 0 : i32
    %dma_wait3A_346 = tpu.memref_slice %arg5[%dma_wait3A_344, %dma_wait3A_345] : memref<16384x32xf32, #tpu.memory_space<vmem_shared>> -> memref<16384x32xf32, #tpu.memory_space<vmem_shared>>
    tpu.wait_indirect_dma semaphore(%arg14 : memref<!tpu.dma_semaphore, #tpu.memory_space<semaphore_mem>>) src(%dma_wait3A_346 : memref<16384x32xf32, #tpu.memory_space<vmem_shared>>) dst(%arg10 : memref<512x32xf32, #tpu.memory_space<vmem>>)
    %add3A_347 = arith.constant 7680 : i32
    %add3A_348 = arith.addi %mul3A_2, %add3A_347 : i32
    %dma_start3A_349 = arith.constant 0 : i32
    %dma_start3A_350 = tpu.memref_slice %arg4[%add3A_348, %dma_start3A_349] : memref<819200x32xf32, #tpu.memory_space<hbm>> -> memref<512x32xf32, #tpu.memory_space<hbm>>
    %dma_start3A_351 = arith.constant 0 : i32
    %dma_start3A_352 = tpu.memref_slice %arg4[%add3A_348, %dma_start3A_351] : memref<819200x32xf32, #tpu.memory_space<hbm>> -> memref<512x32xf32, #tpu.memory_space<hbm>>
    tpu.enqueue_dma source(%arg10 : memref<512x32xf32, #tpu.memory_space<vmem>>) target(%dma_start3A_352 : memref<512x32xf32, #tpu.memory_space<hbm>>) target_semaphore(%arg18 : memref<!tpu.dma_semaphore, #tpu.memory_space<semaphore_mem>>)
    %add3A_353 = arith.constant 7168 : i32
    %add3A_354 = arith.addi %mul3A_2, %add3A_353 : i32
    %dma_wait3A_355 = arith.constant 0 : i32
    %dma_wait3A_356 = tpu.memref_slice %arg4[%add3A_354, %dma_wait3A_355] : memref<819200x32xf32, #tpu.memory_space<hbm>> -> memref<512x32xf32, #tpu.memory_space<hbm>>
    %dma_wait3A_357 = arith.constant 0 : i32
    %dma_wait3A_358 = tpu.memref_slice %arg4[%add3A_354, %dma_wait3A_357] : memref<819200x32xf32, #tpu.memory_space<hbm>> -> memref<512x32xf32, #tpu.memory_space<hbm>>
    tpu.wait_dma2 semaphore(%arg17 : memref<!tpu.dma_semaphore, #tpu.memory_space<semaphore_mem>>) src(%arg9 : memref<512x32xf32, #tpu.memory_space<vmem>>) dst(%dma_wait3A_358 : memref<512x32xf32, #tpu.memory_space<hbm>>)
    %dma_start3A_359 = arith.constant 9216 : i32
    %dma_start3A_360 = tpu.memref_slice %arg6[%dma_start3A_359] : memref<25600xi32, #tpu.memory_space<vmem>> -> memref<512xi32, #tpu.memory_space<vmem>>
    %dma_start3A_361 = arith.constant 0 : i32
    %dma_start3A_362 = arith.constant 0 : i32
    %dma_start3A_363 = tpu.memref_slice %arg5[%dma_start3A_361, %dma_start3A_362] : memref<16384x32xf32, #tpu.memory_space<vmem_shared>> -> memref<16384x32xf32, #tpu.memory_space<vmem_shared>>
    tpu.enqueue_indirect_dma source(%dma_start3A_363 : memref<16384x32xf32, #tpu.memory_space<vmem_shared>>) target(%arg9 : memref<512x32xf32, #tpu.memory_space<vmem>>) offsets(%dma_start3A_360 : memref<512xi32, #tpu.memory_space<vmem>>) semaphore(%arg13 : memref<!tpu.dma_semaphore, #tpu.memory_space<semaphore_mem>>)
    %dma_wait3A_364 = arith.constant 8192 : i32
    %dma_wait3A_365 = tpu.memref_slice %arg6[%dma_wait3A_364] : memref<25600xi32, #tpu.memory_space<vmem>> -> memref<512xi32, #tpu.memory_space<vmem>>
    %dma_wait3A_366 = arith.constant 0 : i32
    %dma_wait3A_367 = arith.constant 0 : i32
    %dma_wait3A_368 = tpu.memref_slice %arg5[%dma_wait3A_366, %dma_wait3A_367] : memref<16384x32xf32, #tpu.memory_space<vmem_shared>> -> memref<16384x32xf32, #tpu.memory_space<vmem_shared>>
    tpu.wait_indirect_dma semaphore(%arg11 : memref<!tpu.dma_semaphore, #tpu.memory_space<semaphore_mem>>) src(%dma_wait3A_368 : memref<16384x32xf32, #tpu.memory_space<vmem_shared>>) dst(%arg7 : memref<512x32xf32, #tpu.memory_space<vmem>>)
    %add3A_369 = arith.constant 8192 : i32
    %add3A_370 = arith.addi %mul3A_2, %add3A_369 : i32
    %dma_start3A_371 = arith.constant 0 : i32
    %dma_start3A_372 = tpu.memref_slice %arg4[%add3A_370, %dma_start3A_371] : memref<819200x32xf32, #tpu.memory_space<hbm>> -> memref<512x32xf32, #tpu.memory_space<hbm>>
    %dma_start3A_373 = arith.constant 0 : i32
    %dma_start3A_374 = tpu.memref_slice %arg4[%add3A_370, %dma_start3A_373] : memref<819200x32xf32, #tpu.memory_space<hbm>> -> memref<512x32xf32, #tpu.memory_space<hbm>>
    tpu.enqueue_dma source(%arg7 : memref<512x32xf32, #tpu.memory_space<vmem>>) target(%dma_start3A_374 : memref<512x32xf32, #tpu.memory_space<hbm>>) target_semaphore(%arg15 : memref<!tpu.dma_semaphore, #tpu.memory_space<semaphore_mem>>)
    %add3A_375 = arith.constant 7680 : i32
    %add3A_376 = arith.addi %mul3A_2, %add3A_375 : i32
    %dma_wait3A_377 = arith.constant 0 : i32
    %dma_wait3A_378 = tpu.memref_slice %arg4[%add3A_376, %dma_wait3A_377] : memref<819200x32xf32, #tpu.memory_space<hbm>> -> memref<512x32xf32, #tpu.memory_space<hbm>>
    %dma_wait3A_379 = arith.constant 0 : i32
    %dma_wait3A_380 = tpu.memref_slice %arg4[%add3A_376, %dma_wait3A_379] : memref<819200x32xf32, #tpu.memory_space<hbm>> -> memref<512x32xf32, #tpu.memory_space<hbm>>
    tpu.wait_dma2 semaphore(%arg18 : memref<!tpu.dma_semaphore, #tpu.memory_space<semaphore_mem>>) src(%arg10 : memref<512x32xf32, #tpu.memory_space<vmem>>) dst(%dma_wait3A_380 : memref<512x32xf32, #tpu.memory_space<hbm>>)
    %dma_start3A_381 = arith.constant 9728 : i32
    %dma_start3A_382 = tpu.memref_slice %arg6[%dma_start3A_381] : memref<25600xi32, #tpu.memory_space<vmem>> -> memref<512xi32, #tpu.memory_space<vmem>>
    %dma_start3A_383 = arith.constant 0 : i32
    %dma_start3A_384 = arith.constant 0 : i32
    %dma_start3A_385 = tpu.memref_slice %arg5[%dma_start3A_383, %dma_start3A_384] : memref<16384x32xf32, #tpu.memory_space<vmem_shared>> -> memref<16384x32xf32, #tpu.memory_space<vmem_shared>>
    tpu.enqueue_indirect_dma source(%dma_start3A_385 : memref<16384x32xf32, #tpu.memory_space<vmem_shared>>) target(%arg10 : memref<512x32xf32, #tpu.memory_space<vmem>>) offsets(%dma_start3A_382 : memref<512xi32, #tpu.memory_space<vmem>>) semaphore(%arg14 : memref<!tpu.dma_semaphore, #tpu.memory_space<semaphore_mem>>)
    %dma_wait3A_386 = arith.constant 8704 : i32
    %dma_wait3A_387 = tpu.memref_slice %arg6[%dma_wait3A_386] : memref<25600xi32, #tpu.memory_space<vmem>> -> memref<512xi32, #tpu.memory_space<vmem>>
    %dma_wait3A_388 = arith.constant 0 : i32
    %dma_wait3A_389 = arith.constant 0 : i32
    %dma_wait3A_390 = tpu.memref_slice %arg5[%dma_wait3A_388, %dma_wait3A_389] : memref<16384x32xf32, #tpu.memory_space<vmem_shared>> -> memref<16384x32xf32, #tpu.memory_space<vmem_shared>>
    tpu.wait_indirect_dma semaphore(%arg12 : memref<!tpu.dma_semaphore, #tpu.memory_space<semaphore_mem>>) src(%dma_wait3A_390 : memref<16384x32xf32, #tpu.memory_space<vmem_shared>>) dst(%arg8 : memref<512x32xf32, #tpu.memory_space<vmem>>)
    %add3A_391 = arith.constant 8704 : i32
    %add3A_392 = arith.addi %mul3A_2, %add3A_391 : i32
    %dma_start3A_393 = arith.constant 0 : i32
    %dma_start3A_394 = tpu.memref_slice %arg4[%add3A_392, %dma_start3A_393] : memref<819200x32xf32, #tpu.memory_space<hbm>> -> memref<512x32xf32, #tpu.memory_space<hbm>>
    %dma_start3A_395 = arith.constant 0 : i32
    %dma_start3A_396 = tpu.memref_slice %arg4[%add3A_392, %dma_start3A_395] : memref<819200x32xf32, #tpu.memory_space<hbm>> -> memref<512x32xf32, #tpu.memory_space<hbm>>
    tpu.enqueue_dma source(%arg8 : memref<512x32xf32, #tpu.memory_space<vmem>>) target(%dma_start3A_396 : memref<512x32xf32, #tpu.memory_space<hbm>>) target_semaphore(%arg16 : memref<!tpu.dma_semaphore, #tpu.memory_space<semaphore_mem>>)
    %add3A_397 = arith.constant 8192 : i32
    %add3A_398 = arith.addi %mul3A_2, %add3A_397 : i32
    %dma_wait3A_399 = arith.constant 0 : i32
    %dma_wait3A_400 = tpu.memref_slice %arg4[%add3A_398, %dma_wait3A_399] : memref<819200x32xf32, #tpu.memory_space<hbm>> -> memref<512x32xf32, #tpu.memory_space<hbm>>
    %dma_wait3A_401 = arith.constant 0 : i32
    %dma_wait3A_402 = tpu.memref_slice %arg4[%add3A_398, %dma_wait3A_401] : memref<819200x32xf32, #tpu.memory_space<hbm>> -> memref<512x32xf32, #tpu.memory_space<hbm>>
    tpu.wait_dma2 semaphore(%arg15 : memref<!tpu.dma_semaphore, #tpu.memory_space<semaphore_mem>>) src(%arg7 : memref<512x32xf32, #tpu.memory_space<vmem>>) dst(%dma_wait3A_402 : memref<512x32xf32, #tpu.memory_space<hbm>>)
    %dma_start3A_403 = arith.constant 10240 : i32
    %dma_start3A_404 = tpu.memref_slice %arg6[%dma_start3A_403] : memref<25600xi32, #tpu.memory_space<vmem>> -> memref<512xi32, #tpu.memory_space<vmem>>
    %dma_start3A_405 = arith.constant 0 : i32
    %dma_start3A_406 = arith.constant 0 : i32
    %dma_start3A_407 = tpu.memref_slice %arg5[%dma_start3A_405, %dma_start3A_406] : memref<16384x32xf32, #tpu.memory_space<vmem_shared>> -> memref<16384x32xf32, #tpu.memory_space<vmem_shared>>
    tpu.enqueue_indirect_dma source(%dma_start3A_407 : memref<16384x32xf32, #tpu.memory_space<vmem_shared>>) target(%arg7 : memref<512x32xf32, #tpu.memory_space<vmem>>) offsets(%dma_start3A_404 : memref<512xi32, #tpu.memory_space<vmem>>) semaphore(%arg11 : memref<!tpu.dma_semaphore, #tpu.memory_space<semaphore_mem>>)
    %dma_wait3A_408 = arith.constant 9216 : i32
    %dma_wait3A_409 = tpu.memref_slice %arg6[%dma_wait3A_408] : memref<25600xi32, #tpu.memory_space<vmem>> -> memref<512xi32, #tpu.memory_space<vmem>>
    %dma_wait3A_410 = arith.constant 0 : i32
    %dma_wait3A_411 = arith.constant 0 : i32
    %dma_wait3A_412 = tpu.memref_slice %arg5[%dma_wait3A_410, %dma_wait3A_411] : memref<16384x32xf32, #tpu.memory_space<vmem_shared>> -> memref<16384x32xf32, #tpu.memory_space<vmem_shared>>
    tpu.wait_indirect_dma semaphore(%arg13 : memref<!tpu.dma_semaphore, #tpu.memory_space<semaphore_mem>>) src(%dma_wait3A_412 : memref<16384x32xf32, #tpu.memory_space<vmem_shared>>) dst(%arg9 : memref<512x32xf32, #tpu.memory_space<vmem>>)
    %add3A_413 = arith.constant 9216 : i32
    %add3A_414 = arith.addi %mul3A_2, %add3A_413 : i32
    %dma_start3A_415 = arith.constant 0 : i32
    %dma_start3A_416 = tpu.memref_slice %arg4[%add3A_414, %dma_start3A_415] : memref<819200x32xf32, #tpu.memory_space<hbm>> -> memref<512x32xf32, #tpu.memory_space<hbm>>
    %dma_start3A_417 = arith.constant 0 : i32
    %dma_start3A_418 = tpu.memref_slice %arg4[%add3A_414, %dma_start3A_417] : memref<819200x32xf32, #tpu.memory_space<hbm>> -> memref<512x32xf32, #tpu.memory_space<hbm>>
    tpu.enqueue_dma source(%arg9 : memref<512x32xf32, #tpu.memory_space<vmem>>) target(%dma_start3A_418 : memref<512x32xf32, #tpu.memory_space<hbm>>) target_semaphore(%arg17 : memref<!tpu.dma_semaphore, #tpu.memory_space<semaphore_mem>>)
    %add3A_419 = arith.constant 8704 : i32
    %add3A_420 = arith.addi %mul3A_2, %add3A_419 : i32
    %dma_wait3A_421 = arith.constant 0 : i32
    %dma_wait3A_422 = tpu.memref_slice %arg4[%add3A_420, %dma_wait3A_421] : memref<819200x32xf32, #tpu.memory_space<hbm>> -> memref<512x32xf32, #tpu.memory_space<hbm>>
    %dma_wait3A_423 = arith.constant 0 : i32
    %dma_wait3A_424 = tpu.memref_slice %arg4[%add3A_420, %dma_wait3A_423] : memref<819200x32xf32, #tpu.memory_space<hbm>> -> memref<512x32xf32, #tpu.memory_space<hbm>>
    tpu.wait_dma2 semaphore(%arg16 : memref<!tpu.dma_semaphore, #tpu.memory_space<semaphore_mem>>) src(%arg8 : memref<512x32xf32, #tpu.memory_space<vmem>>) dst(%dma_wait3A_424 : memref<512x32xf32, #tpu.memory_space<hbm>>)
    %dma_start3A_425 = arith.constant 10752 : i32
    %dma_start3A_426 = tpu.memref_slice %arg6[%dma_start3A_425] : memref<25600xi32, #tpu.memory_space<vmem>> -> memref<512xi32, #tpu.memory_space<vmem>>
    %dma_start3A_427 = arith.constant 0 : i32
    %dma_start3A_428 = arith.constant 0 : i32
    %dma_start3A_429 = tpu.memref_slice %arg5[%dma_start3A_427, %dma_start3A_428] : memref<16384x32xf32, #tpu.memory_space<vmem_shared>> -> memref<16384x32xf32, #tpu.memory_space<vmem_shared>>
    tpu.enqueue_indirect_dma source(%dma_start3A_429 : memref<16384x32xf32, #tpu.memory_space<vmem_shared>>) target(%arg8 : memref<512x32xf32, #tpu.memory_space<vmem>>) offsets(%dma_start3A_426 : memref<512xi32, #tpu.memory_space<vmem>>) semaphore(%arg12 : memref<!tpu.dma_semaphore, #tpu.memory_space<semaphore_mem>>)
    %dma_wait3A_430 = arith.constant 9728 : i32
    %dma_wait3A_431 = tpu.memref_slice %arg6[%dma_wait3A_430] : memref<25600xi32, #tpu.memory_space<vmem>> -> memref<512xi32, #tpu.memory_space<vmem>>
    %dma_wait3A_432 = arith.constant 0 : i32
    %dma_wait3A_433 = arith.constant 0 : i32
    %dma_wait3A_434 = tpu.memref_slice %arg5[%dma_wait3A_432, %dma_wait3A_433] : memref<16384x32xf32, #tpu.memory_space<vmem_shared>> -> memref<16384x32xf32, #tpu.memory_space<vmem_shared>>
    tpu.wait_indirect_dma semaphore(%arg14 : memref<!tpu.dma_semaphore, #tpu.memory_space<semaphore_mem>>) src(%dma_wait3A_434 : memref<16384x32xf32, #tpu.memory_space<vmem_shared>>) dst(%arg10 : memref<512x32xf32, #tpu.memory_space<vmem>>)
    %add3A_435 = arith.constant 9728 : i32
    %add3A_436 = arith.addi %mul3A_2, %add3A_435 : i32
    %dma_start3A_437 = arith.constant 0 : i32
    %dma_start3A_438 = tpu.memref_slice %arg4[%add3A_436, %dma_start3A_437] : memref<819200x32xf32, #tpu.memory_space<hbm>> -> memref<512x32xf32, #tpu.memory_space<hbm>>
    %dma_start3A_439 = arith.constant 0 : i32
    %dma_start3A_440 = tpu.memref_slice %arg4[%add3A_436, %dma_start3A_439] : memref<819200x32xf32, #tpu.memory_space<hbm>> -> memref<512x32xf32, #tpu.memory_space<hbm>>
    tpu.enqueue_dma source(%arg10 : memref<512x32xf32, #tpu.memory_space<vmem>>) target(%dma_start3A_440 : memref<512x32xf32, #tpu.memory_space<hbm>>) target_semaphore(%arg18 : memref<!tpu.dma_semaphore, #tpu.memory_space<semaphore_mem>>)
    %add3A_441 = arith.constant 9216 : i32
    %add3A_442 = arith.addi %mul3A_2, %add3A_441 : i32
    %dma_wait3A_443 = arith.constant 0 : i32
    %dma_wait3A_444 = tpu.memref_slice %arg4[%add3A_442, %dma_wait3A_443] : memref<819200x32xf32, #tpu.memory_space<hbm>> -> memref<512x32xf32, #tpu.memory_space<hbm>>
    %dma_wait3A_445 = arith.constant 0 : i32
    %dma_wait3A_446 = tpu.memref_slice %arg4[%add3A_442, %dma_wait3A_445] : memref<819200x32xf32, #tpu.memory_space<hbm>> -> memref<512x32xf32, #tpu.memory_space<hbm>>
    tpu.wait_dma2 semaphore(%arg17 : memref<!tpu.dma_semaphore, #tpu.memory_space<semaphore_mem>>) src(%arg9 : memref<512x32xf32, #tpu.memory_space<vmem>>) dst(%dma_wait3A_446 : memref<512x32xf32, #tpu.memory_space<hbm>>)
    %dma_start3A_447 = arith.constant 11264 : i32
    %dma_start3A_448 = tpu.memref_slice %arg6[%dma_start3A_447] : memref<25600xi32, #tpu.memory_space<vmem>> -> memref<512xi32, #tpu.memory_space<vmem>>
    %dma_start3A_449 = arith.constant 0 : i32
    %dma_start3A_450 = arith.constant 0 : i32
    %dma_start3A_451 = tpu.memref_slice %arg5[%dma_start3A_449, %dma_start3A_450] : memref<16384x32xf32, #tpu.memory_space<vmem_shared>> -> memref<16384x32xf32, #tpu.memory_space<vmem_shared>>
    tpu.enqueue_indirect_dma source(%dma_start3A_451 : memref<16384x32xf32, #tpu.memory_space<vmem_shared>>) target(%arg9 : memref<512x32xf32, #tpu.memory_space<vmem>>) offsets(%dma_start3A_448 : memref<512xi32, #tpu.memory_space<vmem>>) semaphore(%arg13 : memref<!tpu.dma_semaphore, #tpu.memory_space<semaphore_mem>>)
    %dma_wait3A_452 = arith.constant 10240 : i32
    %dma_wait3A_453 = tpu.memref_slice %arg6[%dma_wait3A_452] : memref<25600xi32, #tpu.memory_space<vmem>> -> memref<512xi32, #tpu.memory_space<vmem>>
    %dma_wait3A_454 = arith.constant 0 : i32
    %dma_wait3A_455 = arith.constant 0 : i32
    %dma_wait3A_456 = tpu.memref_slice %arg5[%dma_wait3A_454, %dma_wait3A_455] : memref<16384x32xf32, #tpu.memory_space<vmem_shared>> -> memref<16384x32xf32, #tpu.memory_space<vmem_shared>>
    tpu.wait_indirect_dma semaphore(%arg11 : memref<!tpu.dma_semaphore, #tpu.memory_space<semaphore_mem>>) src(%dma_wait3A_456 : memref<16384x32xf32, #tpu.memory_space<vmem_shared>>) dst(%arg7 : memref<512x32xf32, #tpu.memory_space<vmem>>)
    %add3A_457 = arith.constant 10240 : i32
    %add3A_458 = arith.addi %mul3A_2, %add3A_457 : i32
    %dma_start3A_459 = arith.constant 0 : i32
    %dma_start3A_460 = tpu.memref_slice %arg4[%add3A_458, %dma_start3A_459] : memref<819200x32xf32, #tpu.memory_space<hbm>> -> memref<512x32xf32, #tpu.memory_space<hbm>>
    %dma_start3A_461 = arith.constant 0 : i32
    %dma_start3A_462 = tpu.memref_slice %arg4[%add3A_458, %dma_start3A_461] : memref<819200x32xf32, #tpu.memory_space<hbm>> -> memref<512x32xf32, #tpu.memory_space<hbm>>
    tpu.enqueue_dma source(%arg7 : memref<512x32xf32, #tpu.memory_space<vmem>>) target(%dma_start3A_462 : memref<512x32xf32, #tpu.memory_space<hbm>>) target_semaphore(%arg15 : memref<!tpu.dma_semaphore, #tpu.memory_space<semaphore_mem>>)
    %add3A_463 = arith.constant 9728 : i32
    %add3A_464 = arith.addi %mul3A_2, %add3A_463 : i32
    %dma_wait3A_465 = arith.constant 0 : i32
    %dma_wait3A_466 = tpu.memref_slice %arg4[%add3A_464, %dma_wait3A_465] : memref<819200x32xf32, #tpu.memory_space<hbm>> -> memref<512x32xf32, #tpu.memory_space<hbm>>
    %dma_wait3A_467 = arith.constant 0 : i32
    %dma_wait3A_468 = tpu.memref_slice %arg4[%add3A_464, %dma_wait3A_467] : memref<819200x32xf32, #tpu.memory_space<hbm>> -> memref<512x32xf32, #tpu.memory_space<hbm>>
    tpu.wait_dma2 semaphore(%arg18 : memref<!tpu.dma_semaphore, #tpu.memory_space<semaphore_mem>>) src(%arg10 : memref<512x32xf32, #tpu.memory_space<vmem>>) dst(%dma_wait3A_468 : memref<512x32xf32, #tpu.memory_space<hbm>>)
    %dma_start3A_469 = arith.constant 11776 : i32
    %dma_start3A_470 = tpu.memref_slice %arg6[%dma_start3A_469] : memref<25600xi32, #tpu.memory_space<vmem>> -> memref<512xi32, #tpu.memory_space<vmem>>
    %dma_start3A_471 = arith.constant 0 : i32
    %dma_start3A_472 = arith.constant 0 : i32
    %dma_start3A_473 = tpu.memref_slice %arg5[%dma_start3A_471, %dma_start3A_472] : memref<16384x32xf32, #tpu.memory_space<vmem_shared>> -> memref<16384x32xf32, #tpu.memory_space<vmem_shared>>
    tpu.enqueue_indirect_dma source(%dma_start3A_473 : memref<16384x32xf32, #tpu.memory_space<vmem_shared>>) target(%arg10 : memref<512x32xf32, #tpu.memory_space<vmem>>) offsets(%dma_start3A_470 : memref<512xi32, #tpu.memory_space<vmem>>) semaphore(%arg14 : memref<!tpu.dma_semaphore, #tpu.memory_space<semaphore_mem>>)
    %dma_wait3A_474 = arith.constant 10752 : i32
    %dma_wait3A_475 = tpu.memref_slice %arg6[%dma_wait3A_474] : memref<25600xi32, #tpu.memory_space<vmem>> -> memref<512xi32, #tpu.memory_space<vmem>>
    %dma_wait3A_476 = arith.constant 0 : i32
    %dma_wait3A_477 = arith.constant 0 : i32
    %dma_wait3A_478 = tpu.memref_slice %arg5[%dma_wait3A_476, %dma_wait3A_477] : memref<16384x32xf32, #tpu.memory_space<vmem_shared>> -> memref<16384x32xf32, #tpu.memory_space<vmem_shared>>
    tpu.wait_indirect_dma semaphore(%arg12 : memref<!tpu.dma_semaphore, #tpu.memory_space<semaphore_mem>>) src(%dma_wait3A_478 : memref<16384x32xf32, #tpu.memory_space<vmem_shared>>) dst(%arg8 : memref<512x32xf32, #tpu.memory_space<vmem>>)
    %add3A_479 = arith.constant 10752 : i32
    %add3A_480 = arith.addi %mul3A_2, %add3A_479 : i32
    %dma_start3A_481 = arith.constant 0 : i32
    %dma_start3A_482 = tpu.memref_slice %arg4[%add3A_480, %dma_start3A_481] : memref<819200x32xf32, #tpu.memory_space<hbm>> -> memref<512x32xf32, #tpu.memory_space<hbm>>
    %dma_start3A_483 = arith.constant 0 : i32
    %dma_start3A_484 = tpu.memref_slice %arg4[%add3A_480, %dma_start3A_483] : memref<819200x32xf32, #tpu.memory_space<hbm>> -> memref<512x32xf32, #tpu.memory_space<hbm>>
    tpu.enqueue_dma source(%arg8 : memref<512x32xf32, #tpu.memory_space<vmem>>) target(%dma_start3A_484 : memref<512x32xf32, #tpu.memory_space<hbm>>) target_semaphore(%arg16 : memref<!tpu.dma_semaphore, #tpu.memory_space<semaphore_mem>>)
    %add3A_485 = arith.constant 10240 : i32
    %add3A_486 = arith.addi %mul3A_2, %add3A_485 : i32
    %dma_wait3A_487 = arith.constant 0 : i32
    %dma_wait3A_488 = tpu.memref_slice %arg4[%add3A_486, %dma_wait3A_487] : memref<819200x32xf32, #tpu.memory_space<hbm>> -> memref<512x32xf32, #tpu.memory_space<hbm>>
    %dma_wait3A_489 = arith.constant 0 : i32
    %dma_wait3A_490 = tpu.memref_slice %arg4[%add3A_486, %dma_wait3A_489] : memref<819200x32xf32, #tpu.memory_space<hbm>> -> memref<512x32xf32, #tpu.memory_space<hbm>>
    tpu.wait_dma2 semaphore(%arg15 : memref<!tpu.dma_semaphore, #tpu.memory_space<semaphore_mem>>) src(%arg7 : memref<512x32xf32, #tpu.memory_space<vmem>>) dst(%dma_wait3A_490 : memref<512x32xf32, #tpu.memory_space<hbm>>)
    %dma_start3A_491 = arith.constant 12288 : i32
    %dma_start3A_492 = tpu.memref_slice %arg6[%dma_start3A_491] : memref<25600xi32, #tpu.memory_space<vmem>> -> memref<512xi32, #tpu.memory_space<vmem>>
    %dma_start3A_493 = arith.constant 0 : i32
    %dma_start3A_494 = arith.constant 0 : i32
    %dma_start3A_495 = tpu.memref_slice %arg5[%dma_start3A_493, %dma_start3A_494] : memref<16384x32xf32, #tpu.memory_space<vmem_shared>> -> memref<16384x32xf32, #tpu.memory_space<vmem_shared>>
    tpu.enqueue_indirect_dma source(%dma_start3A_495 : memref<16384x32xf32, #tpu.memory_space<vmem_shared>>) target(%arg7 : memref<512x32xf32, #tpu.memory_space<vmem>>) offsets(%dma_start3A_492 : memref<512xi32, #tpu.memory_space<vmem>>) semaphore(%arg11 : memref<!tpu.dma_semaphore, #tpu.memory_space<semaphore_mem>>)
    %dma_wait3A_496 = arith.constant 11264 : i32
    %dma_wait3A_497 = tpu.memref_slice %arg6[%dma_wait3A_496] : memref<25600xi32, #tpu.memory_space<vmem>> -> memref<512xi32, #tpu.memory_space<vmem>>
    %dma_wait3A_498 = arith.constant 0 : i32
    %dma_wait3A_499 = arith.constant 0 : i32
    %dma_wait3A_500 = tpu.memref_slice %arg5[%dma_wait3A_498, %dma_wait3A_499] : memref<16384x32xf32, #tpu.memory_space<vmem_shared>> -> memref<16384x32xf32, #tpu.memory_space<vmem_shared>>
    tpu.wait_indirect_dma semaphore(%arg13 : memref<!tpu.dma_semaphore, #tpu.memory_space<semaphore_mem>>) src(%dma_wait3A_500 : memref<16384x32xf32, #tpu.memory_space<vmem_shared>>) dst(%arg9 : memref<512x32xf32, #tpu.memory_space<vmem>>)
    %add3A_501 = arith.constant 11264 : i32
    %add3A_502 = arith.addi %mul3A_2, %add3A_501 : i32
    %dma_start3A_503 = arith.constant 0 : i32
    %dma_start3A_504 = tpu.memref_slice %arg4[%add3A_502, %dma_start3A_503] : memref<819200x32xf32, #tpu.memory_space<hbm>> -> memref<512x32xf32, #tpu.memory_space<hbm>>
    %dma_start3A_505 = arith.constant 0 : i32
    %dma_start3A_506 = tpu.memref_slice %arg4[%add3A_502, %dma_start3A_505] : memref<819200x32xf32, #tpu.memory_space<hbm>> -> memref<512x32xf32, #tpu.memory_space<hbm>>
    tpu.enqueue_dma source(%arg9 : memref<512x32xf32, #tpu.memory_space<vmem>>) target(%dma_start3A_506 : memref<512x32xf32, #tpu.memory_space<hbm>>) target_semaphore(%arg17 : memref<!tpu.dma_semaphore, #tpu.memory_space<semaphore_mem>>)
    %add3A_507 = arith.constant 10752 : i32
    %add3A_508 = arith.addi %mul3A_2, %add3A_507 : i32
    %dma_wait3A_509 = arith.constant 0 : i32
    %dma_wait3A_510 = tpu.memref_slice %arg4[%add3A_508, %dma_wait3A_509] : memref<819200x32xf32, #tpu.memory_space<hbm>> -> memref<512x32xf32, #tpu.memory_space<hbm>>
    %dma_wait3A_511 = arith.constant 0 : i32
    %dma_wait3A_512 = tpu.memref_slice %arg4[%add3A_508, %dma_wait3A_511] : memref<819200x32xf32, #tpu.memory_space<hbm>> -> memref<512x32xf32, #tpu.memory_space<hbm>>
    tpu.wait_dma2 semaphore(%arg16 : memref<!tpu.dma_semaphore, #tpu.memory_space<semaphore_mem>>) src(%arg8 : memref<512x32xf32, #tpu.memory_space<vmem>>) dst(%dma_wait3A_512 : memref<512x32xf32, #tpu.memory_space<hbm>>)
    %dma_start3A_513 = arith.constant 12800 : i32
    %dma_start3A_514 = tpu.memref_slice %arg6[%dma_start3A_513] : memref<25600xi32, #tpu.memory_space<vmem>> -> memref<512xi32, #tpu.memory_space<vmem>>
    %dma_start3A_515 = arith.constant 0 : i32
    %dma_start3A_516 = arith.constant 0 : i32
    %dma_start3A_517 = tpu.memref_slice %arg5[%dma_start3A_515, %dma_start3A_516] : memref<16384x32xf32, #tpu.memory_space<vmem_shared>> -> memref<16384x32xf32, #tpu.memory_space<vmem_shared>>
    tpu.enqueue_indirect_dma source(%dma_start3A_517 : memref<16384x32xf32, #tpu.memory_space<vmem_shared>>) target(%arg8 : memref<512x32xf32, #tpu.memory_space<vmem>>) offsets(%dma_start3A_514 : memref<512xi32, #tpu.memory_space<vmem>>) semaphore(%arg12 : memref<!tpu.dma_semaphore, #tpu.memory_space<semaphore_mem>>)
    %dma_wait3A_518 = arith.constant 11776 : i32
    %dma_wait3A_519 = tpu.memref_slice %arg6[%dma_wait3A_518] : memref<25600xi32, #tpu.memory_space<vmem>> -> memref<512xi32, #tpu.memory_space<vmem>>
    %dma_wait3A_520 = arith.constant 0 : i32
    %dma_wait3A_521 = arith.constant 0 : i32
    %dma_wait3A_522 = tpu.memref_slice %arg5[%dma_wait3A_520, %dma_wait3A_521] : memref<16384x32xf32, #tpu.memory_space<vmem_shared>> -> memref<16384x32xf32, #tpu.memory_space<vmem_shared>>
    tpu.wait_indirect_dma semaphore(%arg14 : memref<!tpu.dma_semaphore, #tpu.memory_space<semaphore_mem>>) src(%dma_wait3A_522 : memref<16384x32xf32, #tpu.memory_space<vmem_shared>>) dst(%arg10 : memref<512x32xf32, #tpu.memory_space<vmem>>)
    %add3A_523 = arith.constant 11776 : i32
    %add3A_524 = arith.addi %mul3A_2, %add3A_523 : i32
    %dma_start3A_525 = arith.constant 0 : i32
    %dma_start3A_526 = tpu.memref_slice %arg4[%add3A_524, %dma_start3A_525] : memref<819200x32xf32, #tpu.memory_space<hbm>> -> memref<512x32xf32, #tpu.memory_space<hbm>>
    %dma_start3A_527 = arith.constant 0 : i32
    %dma_start3A_528 = tpu.memref_slice %arg4[%add3A_524, %dma_start3A_527] : memref<819200x32xf32, #tpu.memory_space<hbm>> -> memref<512x32xf32, #tpu.memory_space<hbm>>
    tpu.enqueue_dma source(%arg10 : memref<512x32xf32, #tpu.memory_space<vmem>>) target(%dma_start3A_528 : memref<512x32xf32, #tpu.memory_space<hbm>>) target_semaphore(%arg18 : memref<!tpu.dma_semaphore, #tpu.memory_space<semaphore_mem>>)
    %add3A_529 = arith.constant 11264 : i32
    %add3A_530 = arith.addi %mul3A_2, %add3A_529 : i32
    %dma_wait3A_531 = arith.constant 0 : i32
    %dma_wait3A_532 = tpu.memref_slice %arg4[%add3A_530, %dma_wait3A_531] : memref<819200x32xf32, #tpu.memory_space<hbm>> -> memref<512x32xf32, #tpu.memory_space<hbm>>
    %dma_wait3A_533 = arith.constant 0 : i32
    %dma_wait3A_534 = tpu.memref_slice %arg4[%add3A_530, %dma_wait3A_533] : memref<819200x32xf32, #tpu.memory_space<hbm>> -> memref<512x32xf32, #tpu.memory_space<hbm>>
    tpu.wait_dma2 semaphore(%arg17 : memref<!tpu.dma_semaphore, #tpu.memory_space<semaphore_mem>>) src(%arg9 : memref<512x32xf32, #tpu.memory_space<vmem>>) dst(%dma_wait3A_534 : memref<512x32xf32, #tpu.memory_space<hbm>>)
    %dma_start3A_535 = arith.constant 13312 : i32
    %dma_start3A_536 = tpu.memref_slice %arg6[%dma_start3A_535] : memref<25600xi32, #tpu.memory_space<vmem>> -> memref<512xi32, #tpu.memory_space<vmem>>
    %dma_start3A_537 = arith.constant 0 : i32
    %dma_start3A_538 = arith.constant 0 : i32
    %dma_start3A_539 = tpu.memref_slice %arg5[%dma_start3A_537, %dma_start3A_538] : memref<16384x32xf32, #tpu.memory_space<vmem_shared>> -> memref<16384x32xf32, #tpu.memory_space<vmem_shared>>
    tpu.enqueue_indirect_dma source(%dma_start3A_539 : memref<16384x32xf32, #tpu.memory_space<vmem_shared>>) target(%arg9 : memref<512x32xf32, #tpu.memory_space<vmem>>) offsets(%dma_start3A_536 : memref<512xi32, #tpu.memory_space<vmem>>) semaphore(%arg13 : memref<!tpu.dma_semaphore, #tpu.memory_space<semaphore_mem>>)
    %dma_wait3A_540 = arith.constant 12288 : i32
    %dma_wait3A_541 = tpu.memref_slice %arg6[%dma_wait3A_540] : memref<25600xi32, #tpu.memory_space<vmem>> -> memref<512xi32, #tpu.memory_space<vmem>>
    %dma_wait3A_542 = arith.constant 0 : i32
    %dma_wait3A_543 = arith.constant 0 : i32
    %dma_wait3A_544 = tpu.memref_slice %arg5[%dma_wait3A_542, %dma_wait3A_543] : memref<16384x32xf32, #tpu.memory_space<vmem_shared>> -> memref<16384x32xf32, #tpu.memory_space<vmem_shared>>
    tpu.wait_indirect_dma semaphore(%arg11 : memref<!tpu.dma_semaphore, #tpu.memory_space<semaphore_mem>>) src(%dma_wait3A_544 : memref<16384x32xf32, #tpu.memory_space<vmem_shared>>) dst(%arg7 : memref<512x32xf32, #tpu.memory_space<vmem>>)
    %add3A_545 = arith.constant 12288 : i32
    %add3A_546 = arith.addi %mul3A_2, %add3A_545 : i32
    %dma_start3A_547 = arith.constant 0 : i32
    %dma_start3A_548 = tpu.memref_slice %arg4[%add3A_546, %dma_start3A_547] : memref<819200x32xf32, #tpu.memory_space<hbm>> -> memref<512x32xf32, #tpu.memory_space<hbm>>
    %dma_start3A_549 = arith.constant 0 : i32
    %dma_start3A_550 = tpu.memref_slice %arg4[%add3A_546, %dma_start3A_549] : memref<819200x32xf32, #tpu.memory_space<hbm>> -> memref<512x32xf32, #tpu.memory_space<hbm>>
    tpu.enqueue_dma source(%arg7 : memref<512x32xf32, #tpu.memory_space<vmem>>) target(%dma_start3A_550 : memref<512x32xf32, #tpu.memory_space<hbm>>) target_semaphore(%arg15 : memref<!tpu.dma_semaphore, #tpu.memory_space<semaphore_mem>>)
    %add3A_551 = arith.constant 11776 : i32
    %add3A_552 = arith.addi %mul3A_2, %add3A_551 : i32
    %dma_wait3A_553 = arith.constant 0 : i32
    %dma_wait3A_554 = tpu.memref_slice %arg4[%add3A_552, %dma_wait3A_553] : memref<819200x32xf32, #tpu.memory_space<hbm>> -> memref<512x32xf32, #tpu.memory_space<hbm>>
    %dma_wait3A_555 = arith.constant 0 : i32
    %dma_wait3A_556 = tpu.memref_slice %arg4[%add3A_552, %dma_wait3A_555] : memref<819200x32xf32, #tpu.memory_space<hbm>> -> memref<512x32xf32, #tpu.memory_space<hbm>>
    tpu.wait_dma2 semaphore(%arg18 : memref<!tpu.dma_semaphore, #tpu.memory_space<semaphore_mem>>) src(%arg10 : memref<512x32xf32, #tpu.memory_space<vmem>>) dst(%dma_wait3A_556 : memref<512x32xf32, #tpu.memory_space<hbm>>)
    %dma_start3A_557 = arith.constant 13824 : i32
    %dma_start3A_558 = tpu.memref_slice %arg6[%dma_start3A_557] : memref<25600xi32, #tpu.memory_space<vmem>> -> memref<512xi32, #tpu.memory_space<vmem>>
    %dma_start3A_559 = arith.constant 0 : i32
    %dma_start3A_560 = arith.constant 0 : i32
    %dma_start3A_561 = tpu.memref_slice %arg5[%dma_start3A_559, %dma_start3A_560] : memref<16384x32xf32, #tpu.memory_space<vmem_shared>> -> memref<16384x32xf32, #tpu.memory_space<vmem_shared>>
    tpu.enqueue_indirect_dma source(%dma_start3A_561 : memref<16384x32xf32, #tpu.memory_space<vmem_shared>>) target(%arg10 : memref<512x32xf32, #tpu.memory_space<vmem>>) offsets(%dma_start3A_558 : memref<512xi32, #tpu.memory_space<vmem>>) semaphore(%arg14 : memref<!tpu.dma_semaphore, #tpu.memory_space<semaphore_mem>>)
    %dma_wait3A_562 = arith.constant 12800 : i32
    %dma_wait3A_563 = tpu.memref_slice %arg6[%dma_wait3A_562] : memref<25600xi32, #tpu.memory_space<vmem>> -> memref<512xi32, #tpu.memory_space<vmem>>
    %dma_wait3A_564 = arith.constant 0 : i32
    %dma_wait3A_565 = arith.constant 0 : i32
    %dma_wait3A_566 = tpu.memref_slice %arg5[%dma_wait3A_564, %dma_wait3A_565] : memref<16384x32xf32, #tpu.memory_space<vmem_shared>> -> memref<16384x32xf32, #tpu.memory_space<vmem_shared>>
    tpu.wait_indirect_dma semaphore(%arg12 : memref<!tpu.dma_semaphore, #tpu.memory_space<semaphore_mem>>) src(%dma_wait3A_566 : memref<16384x32xf32, #tpu.memory_space<vmem_shared>>) dst(%arg8 : memref<512x32xf32, #tpu.memory_space<vmem>>)
    %add3A_567 = arith.constant 12800 : i32
    %add3A_568 = arith.addi %mul3A_2, %add3A_567 : i32
    %dma_start3A_569 = arith.constant 0 : i32
    %dma_start3A_570 = tpu.memref_slice %arg4[%add3A_568, %dma_start3A_569] : memref<819200x32xf32, #tpu.memory_space<hbm>> -> memref<512x32xf32, #tpu.memory_space<hbm>>
    %dma_start3A_571 = arith.constant 0 : i32
    %dma_start3A_572 = tpu.memref_slice %arg4[%add3A_568, %dma_start3A_571] : memref<819200x32xf32, #tpu.memory_space<hbm>> -> memref<512x32xf32, #tpu.memory_space<hbm>>
    tpu.enqueue_dma source(%arg8 : memref<512x32xf32, #tpu.memory_space<vmem>>) target(%dma_start3A_572 : memref<512x32xf32, #tpu.memory_space<hbm>>) target_semaphore(%arg16 : memref<!tpu.dma_semaphore, #tpu.memory_space<semaphore_mem>>)
    %add3A_573 = arith.constant 12288 : i32
    %add3A_574 = arith.addi %mul3A_2, %add3A_573 : i32
    %dma_wait3A_575 = arith.constant 0 : i32
    %dma_wait3A_576 = tpu.memref_slice %arg4[%add3A_574, %dma_wait3A_575] : memref<819200x32xf32, #tpu.memory_space<hbm>> -> memref<512x32xf32, #tpu.memory_space<hbm>>
    %dma_wait3A_577 = arith.constant 0 : i32
    %dma_wait3A_578 = tpu.memref_slice %arg4[%add3A_574, %dma_wait3A_577] : memref<819200x32xf32, #tpu.memory_space<hbm>> -> memref<512x32xf32, #tpu.memory_space<hbm>>
    tpu.wait_dma2 semaphore(%arg15 : memref<!tpu.dma_semaphore, #tpu.memory_space<semaphore_mem>>) src(%arg7 : memref<512x32xf32, #tpu.memory_space<vmem>>) dst(%dma_wait3A_578 : memref<512x32xf32, #tpu.memory_space<hbm>>)
    %dma_start3A_579 = arith.constant 14336 : i32
    %dma_start3A_580 = tpu.memref_slice %arg6[%dma_start3A_579] : memref<25600xi32, #tpu.memory_space<vmem>> -> memref<512xi32, #tpu.memory_space<vmem>>
    %dma_start3A_581 = arith.constant 0 : i32
    %dma_start3A_582 = arith.constant 0 : i32
    %dma_start3A_583 = tpu.memref_slice %arg5[%dma_start3A_581, %dma_start3A_582] : memref<16384x32xf32, #tpu.memory_space<vmem_shared>> -> memref<16384x32xf32, #tpu.memory_space<vmem_shared>>
    tpu.enqueue_indirect_dma source(%dma_start3A_583 : memref<16384x32xf32, #tpu.memory_space<vmem_shared>>) target(%arg7 : memref<512x32xf32, #tpu.memory_space<vmem>>) offsets(%dma_start3A_580 : memref<512xi32, #tpu.memory_space<vmem>>) semaphore(%arg11 : memref<!tpu.dma_semaphore, #tpu.memory_space<semaphore_mem>>)
    %dma_wait3A_584 = arith.constant 13312 : i32
    %dma_wait3A_585 = tpu.memref_slice %arg6[%dma_wait3A_584] : memref<25600xi32, #tpu.memory_space<vmem>> -> memref<512xi32, #tpu.memory_space<vmem>>
    %dma_wait3A_586 = arith.constant 0 : i32
    %dma_wait3A_587 = arith.constant 0 : i32
    %dma_wait3A_588 = tpu.memref_slice %arg5[%dma_wait3A_586, %dma_wait3A_587] : memref<16384x32xf32, #tpu.memory_space<vmem_shared>> -> memref<16384x32xf32, #tpu.memory_space<vmem_shared>>
    tpu.wait_indirect_dma semaphore(%arg13 : memref<!tpu.dma_semaphore, #tpu.memory_space<semaphore_mem>>) src(%dma_wait3A_588 : memref<16384x32xf32, #tpu.memory_space<vmem_shared>>) dst(%arg9 : memref<512x32xf32, #tpu.memory_space<vmem>>)
    %add3A_589 = arith.constant 13312 : i32
    %add3A_590 = arith.addi %mul3A_2, %add3A_589 : i32
    %dma_start3A_591 = arith.constant 0 : i32
    %dma_start3A_592 = tpu.memref_slice %arg4[%add3A_590, %dma_start3A_591] : memref<819200x32xf32, #tpu.memory_space<hbm>> -> memref<512x32xf32, #tpu.memory_space<hbm>>
    %dma_start3A_593 = arith.constant 0 : i32
    %dma_start3A_594 = tpu.memref_slice %arg4[%add3A_590, %dma_start3A_593] : memref<819200x32xf32, #tpu.memory_space<hbm>> -> memref<512x32xf32, #tpu.memory_space<hbm>>
    tpu.enqueue_dma source(%arg9 : memref<512x32xf32, #tpu.memory_space<vmem>>) target(%dma_start3A_594 : memref<512x32xf32, #tpu.memory_space<hbm>>) target_semaphore(%arg17 : memref<!tpu.dma_semaphore, #tpu.memory_space<semaphore_mem>>)
    %add3A_595 = arith.constant 12800 : i32
    %add3A_596 = arith.addi %mul3A_2, %add3A_595 : i32
    %dma_wait3A_597 = arith.constant 0 : i32
    %dma_wait3A_598 = tpu.memref_slice %arg4[%add3A_596, %dma_wait3A_597] : memref<819200x32xf32, #tpu.memory_space<hbm>> -> memref<512x32xf32, #tpu.memory_space<hbm>>
    %dma_wait3A_599 = arith.constant 0 : i32
    %dma_wait3A_600 = tpu.memref_slice %arg4[%add3A_596, %dma_wait3A_599] : memref<819200x32xf32, #tpu.memory_space<hbm>> -> memref<512x32xf32, #tpu.memory_space<hbm>>
    tpu.wait_dma2 semaphore(%arg16 : memref<!tpu.dma_semaphore, #tpu.memory_space<semaphore_mem>>) src(%arg8 : memref<512x32xf32, #tpu.memory_space<vmem>>) dst(%dma_wait3A_600 : memref<512x32xf32, #tpu.memory_space<hbm>>)
    %dma_start3A_601 = arith.constant 14848 : i32
    %dma_start3A_602 = tpu.memref_slice %arg6[%dma_start3A_601] : memref<25600xi32, #tpu.memory_space<vmem>> -> memref<512xi32, #tpu.memory_space<vmem>>
    %dma_start3A_603 = arith.constant 0 : i32
    %dma_start3A_604 = arith.constant 0 : i32
    %dma_start3A_605 = tpu.memref_slice %arg5[%dma_start3A_603, %dma_start3A_604] : memref<16384x32xf32, #tpu.memory_space<vmem_shared>> -> memref<16384x32xf32, #tpu.memory_space<vmem_shared>>
    tpu.enqueue_indirect_dma source(%dma_start3A_605 : memref<16384x32xf32, #tpu.memory_space<vmem_shared>>) target(%arg8 : memref<512x32xf32, #tpu.memory_space<vmem>>) offsets(%dma_start3A_602 : memref<512xi32, #tpu.memory_space<vmem>>) semaphore(%arg12 : memref<!tpu.dma_semaphore, #tpu.memory_space<semaphore_mem>>)
    %dma_wait3A_606 = arith.constant 13824 : i32
    %dma_wait3A_607 = tpu.memref_slice %arg6[%dma_wait3A_606] : memref<25600xi32, #tpu.memory_space<vmem>> -> memref<512xi32, #tpu.memory_space<vmem>>
    %dma_wait3A_608 = arith.constant 0 : i32
    %dma_wait3A_609 = arith.constant 0 : i32
    %dma_wait3A_610 = tpu.memref_slice %arg5[%dma_wait3A_608, %dma_wait3A_609] : memref<16384x32xf32, #tpu.memory_space<vmem_shared>> -> memref<16384x32xf32, #tpu.memory_space<vmem_shared>>
    tpu.wait_indirect_dma semaphore(%arg14 : memref<!tpu.dma_semaphore, #tpu.memory_space<semaphore_mem>>) src(%dma_wait3A_610 : memref<16384x32xf32, #tpu.memory_space<vmem_shared>>) dst(%arg10 : memref<512x32xf32, #tpu.memory_space<vmem>>)
    %add3A_611 = arith.constant 13824 : i32
    %add3A_612 = arith.addi %mul3A_2, %add3A_611 : i32
    %dma_start3A_613 = arith.constant 0 : i32
    %dma_start3A_614 = tpu.memref_slice %arg4[%add3A_612, %dma_start3A_613] : memref<819200x32xf32, #tpu.memory_space<hbm>> -> memref<512x32xf32, #tpu.memory_space<hbm>>
    %dma_start3A_615 = arith.constant 0 : i32
    %dma_start3A_616 = tpu.memref_slice %arg4[%add3A_612, %dma_start3A_615] : memref<819200x32xf32, #tpu.memory_space<hbm>> -> memref<512x32xf32, #tpu.memory_space<hbm>>
    tpu.enqueue_dma source(%arg10 : memref<512x32xf32, #tpu.memory_space<vmem>>) target(%dma_start3A_616 : memref<512x32xf32, #tpu.memory_space<hbm>>) target_semaphore(%arg18 : memref<!tpu.dma_semaphore, #tpu.memory_space<semaphore_mem>>)
    %add3A_617 = arith.constant 13312 : i32
    %add3A_618 = arith.addi %mul3A_2, %add3A_617 : i32
    %dma_wait3A_619 = arith.constant 0 : i32
    %dma_wait3A_620 = tpu.memref_slice %arg4[%add3A_618, %dma_wait3A_619] : memref<819200x32xf32, #tpu.memory_space<hbm>> -> memref<512x32xf32, #tpu.memory_space<hbm>>
    %dma_wait3A_621 = arith.constant 0 : i32
    %dma_wait3A_622 = tpu.memref_slice %arg4[%add3A_618, %dma_wait3A_621] : memref<819200x32xf32, #tpu.memory_space<hbm>> -> memref<512x32xf32, #tpu.memory_space<hbm>>
    tpu.wait_dma2 semaphore(%arg17 : memref<!tpu.dma_semaphore, #tpu.memory_space<semaphore_mem>>) src(%arg9 : memref<512x32xf32, #tpu.memory_space<vmem>>) dst(%dma_wait3A_622 : memref<512x32xf32, #tpu.memory_space<hbm>>)
    %dma_start3A_623 = arith.constant 15360 : i32
    %dma_start3A_624 = tpu.memref_slice %arg6[%dma_start3A_623] : memref<25600xi32, #tpu.memory_space<vmem>> -> memref<512xi32, #tpu.memory_space<vmem>>
    %dma_start3A_625 = arith.constant 0 : i32
    %dma_start3A_626 = arith.constant 0 : i32
    %dma_start3A_627 = tpu.memref_slice %arg5[%dma_start3A_625, %dma_start3A_626] : memref<16384x32xf32, #tpu.memory_space<vmem_shared>> -> memref<16384x32xf32, #tpu.memory_space<vmem_shared>>
    tpu.enqueue_indirect_dma source(%dma_start3A_627 : memref<16384x32xf32, #tpu.memory_space<vmem_shared>>) target(%arg9 : memref<512x32xf32, #tpu.memory_space<vmem>>) offsets(%dma_start3A_624 : memref<512xi32, #tpu.memory_space<vmem>>) semaphore(%arg13 : memref<!tpu.dma_semaphore, #tpu.memory_space<semaphore_mem>>)
    %dma_wait3A_628 = arith.constant 14336 : i32
    %dma_wait3A_629 = tpu.memref_slice %arg6[%dma_wait3A_628] : memref<25600xi32, #tpu.memory_space<vmem>> -> memref<512xi32, #tpu.memory_space<vmem>>
    %dma_wait3A_630 = arith.constant 0 : i32
    %dma_wait3A_631 = arith.constant 0 : i32
    %dma_wait3A_632 = tpu.memref_slice %arg5[%dma_wait3A_630, %dma_wait3A_631] : memref<16384x32xf32, #tpu.memory_space<vmem_shared>> -> memref<16384x32xf32, #tpu.memory_space<vmem_shared>>
    tpu.wait_indirect_dma semaphore(%arg11 : memref<!tpu.dma_semaphore, #tpu.memory_space<semaphore_mem>>) src(%dma_wait3A_632 : memref<16384x32xf32, #tpu.memory_space<vmem_shared>>) dst(%arg7 : memref<512x32xf32, #tpu.memory_space<vmem>>)
    %add3A_633 = arith.constant 14336 : i32
    %add3A_634 = arith.addi %mul3A_2, %add3A_633 : i32
    %dma_start3A_635 = arith.constant 0 : i32
    %dma_start3A_636 = tpu.memref_slice %arg4[%add3A_634, %dma_start3A_635] : memref<819200x32xf32, #tpu.memory_space<hbm>> -> memref<512x32xf32, #tpu.memory_space<hbm>>
    %dma_start3A_637 = arith.constant 0 : i32
    %dma_start3A_638 = tpu.memref_slice %arg4[%add3A_634, %dma_start3A_637] : memref<819200x32xf32, #tpu.memory_space<hbm>> -> memref<512x32xf32, #tpu.memory_space<hbm>>
    tpu.enqueue_dma source(%arg7 : memref<512x32xf32, #tpu.memory_space<vmem>>) target(%dma_start3A_638 : memref<512x32xf32, #tpu.memory_space<hbm>>) target_semaphore(%arg15 : memref<!tpu.dma_semaphore, #tpu.memory_space<semaphore_mem>>)
    %add3A_639 = arith.constant 13824 : i32
    %add3A_640 = arith.addi %mul3A_2, %add3A_639 : i32
    %dma_wait3A_641 = arith.constant 0 : i32
    %dma_wait3A_642 = tpu.memref_slice %arg4[%add3A_640, %dma_wait3A_641] : memref<819200x32xf32, #tpu.memory_space<hbm>> -> memref<512x32xf32, #tpu.memory_space<hbm>>
    %dma_wait3A_643 = arith.constant 0 : i32
    %dma_wait3A_644 = tpu.memref_slice %arg4[%add3A_640, %dma_wait3A_643] : memref<819200x32xf32, #tpu.memory_space<hbm>> -> memref<512x32xf32, #tpu.memory_space<hbm>>
    tpu.wait_dma2 semaphore(%arg18 : memref<!tpu.dma_semaphore, #tpu.memory_space<semaphore_mem>>) src(%arg10 : memref<512x32xf32, #tpu.memory_space<vmem>>) dst(%dma_wait3A_644 : memref<512x32xf32, #tpu.memory_space<hbm>>)
    %dma_start3A_645 = arith.constant 15872 : i32
    %dma_start3A_646 = tpu.memref_slice %arg6[%dma_start3A_645] : memref<25600xi32, #tpu.memory_space<vmem>> -> memref<512xi32, #tpu.memory_space<vmem>>
    %dma_start3A_647 = arith.constant 0 : i32
    %dma_start3A_648 = arith.constant 0 : i32
    %dma_start3A_649 = tpu.memref_slice %arg5[%dma_start3A_647, %dma_start3A_648] : memref<16384x32xf32, #tpu.memory_space<vmem_shared>> -> memref<16384x32xf32, #tpu.memory_space<vmem_shared>>
    tpu.enqueue_indirect_dma source(%dma_start3A_649 : memref<16384x32xf32, #tpu.memory_space<vmem_shared>>) target(%arg10 : memref<512x32xf32, #tpu.memory_space<vmem>>) offsets(%dma_start3A_646 : memref<512xi32, #tpu.memory_space<vmem>>) semaphore(%arg14 : memref<!tpu.dma_semaphore, #tpu.memory_space<semaphore_mem>>)
    %dma_wait3A_650 = arith.constant 14848 : i32
    %dma_wait3A_651 = tpu.memref_slice %arg6[%dma_wait3A_650] : memref<25600xi32, #tpu.memory_space<vmem>> -> memref<512xi32, #tpu.memory_space<vmem>>
    %dma_wait3A_652 = arith.constant 0 : i32
    %dma_wait3A_653 = arith.constant 0 : i32
    %dma_wait3A_654 = tpu.memref_slice %arg5[%dma_wait3A_652, %dma_wait3A_653] : memref<16384x32xf32, #tpu.memory_space<vmem_shared>> -> memref<16384x32xf32, #tpu.memory_space<vmem_shared>>
    tpu.wait_indirect_dma semaphore(%arg12 : memref<!tpu.dma_semaphore, #tpu.memory_space<semaphore_mem>>) src(%dma_wait3A_654 : memref<16384x32xf32, #tpu.memory_space<vmem_shared>>) dst(%arg8 : memref<512x32xf32, #tpu.memory_space<vmem>>)
    %add3A_655 = arith.constant 14848 : i32
    %add3A_656 = arith.addi %mul3A_2, %add3A_655 : i32
    %dma_start3A_657 = arith.constant 0 : i32
    %dma_start3A_658 = tpu.memref_slice %arg4[%add3A_656, %dma_start3A_657] : memref<819200x32xf32, #tpu.memory_space<hbm>> -> memref<512x32xf32, #tpu.memory_space<hbm>>
    %dma_start3A_659 = arith.constant 0 : i32
    %dma_start3A_660 = tpu.memref_slice %arg4[%add3A_656, %dma_start3A_659] : memref<819200x32xf32, #tpu.memory_space<hbm>> -> memref<512x32xf32, #tpu.memory_space<hbm>>
    tpu.enqueue_dma source(%arg8 : memref<512x32xf32, #tpu.memory_space<vmem>>) target(%dma_start3A_660 : memref<512x32xf32, #tpu.memory_space<hbm>>) target_semaphore(%arg16 : memref<!tpu.dma_semaphore, #tpu.memory_space<semaphore_mem>>)
    %add3A_661 = arith.constant 14336 : i32
    %add3A_662 = arith.addi %mul3A_2, %add3A_661 : i32
    %dma_wait3A_663 = arith.constant 0 : i32
    %dma_wait3A_664 = tpu.memref_slice %arg4[%add3A_662, %dma_wait3A_663] : memref<819200x32xf32, #tpu.memory_space<hbm>> -> memref<512x32xf32, #tpu.memory_space<hbm>>
    %dma_wait3A_665 = arith.constant 0 : i32
    %dma_wait3A_666 = tpu.memref_slice %arg4[%add3A_662, %dma_wait3A_665] : memref<819200x32xf32, #tpu.memory_space<hbm>> -> memref<512x32xf32, #tpu.memory_space<hbm>>
    tpu.wait_dma2 semaphore(%arg15 : memref<!tpu.dma_semaphore, #tpu.memory_space<semaphore_mem>>) src(%arg7 : memref<512x32xf32, #tpu.memory_space<vmem>>) dst(%dma_wait3A_666 : memref<512x32xf32, #tpu.memory_space<hbm>>)
    %dma_start3A_667 = arith.constant 16384 : i32
    %dma_start3A_668 = tpu.memref_slice %arg6[%dma_start3A_667] : memref<25600xi32, #tpu.memory_space<vmem>> -> memref<512xi32, #tpu.memory_space<vmem>>
    %dma_start3A_669 = arith.constant 0 : i32
    %dma_start3A_670 = arith.constant 0 : i32
    %dma_start3A_671 = tpu.memref_slice %arg5[%dma_start3A_669, %dma_start3A_670] : memref<16384x32xf32, #tpu.memory_space<vmem_shared>> -> memref<16384x32xf32, #tpu.memory_space<vmem_shared>>
    tpu.enqueue_indirect_dma source(%dma_start3A_671 : memref<16384x32xf32, #tpu.memory_space<vmem_shared>>) target(%arg7 : memref<512x32xf32, #tpu.memory_space<vmem>>) offsets(%dma_start3A_668 : memref<512xi32, #tpu.memory_space<vmem>>) semaphore(%arg11 : memref<!tpu.dma_semaphore, #tpu.memory_space<semaphore_mem>>)
    %dma_wait3A_672 = arith.constant 15360 : i32
    %dma_wait3A_673 = tpu.memref_slice %arg6[%dma_wait3A_672] : memref<25600xi32, #tpu.memory_space<vmem>> -> memref<512xi32, #tpu.memory_space<vmem>>
    %dma_wait3A_674 = arith.constant 0 : i32
    %dma_wait3A_675 = arith.constant 0 : i32
    %dma_wait3A_676 = tpu.memref_slice %arg5[%dma_wait3A_674, %dma_wait3A_675] : memref<16384x32xf32, #tpu.memory_space<vmem_shared>> -> memref<16384x32xf32, #tpu.memory_space<vmem_shared>>
    tpu.wait_indirect_dma semaphore(%arg13 : memref<!tpu.dma_semaphore, #tpu.memory_space<semaphore_mem>>) src(%dma_wait3A_676 : memref<16384x32xf32, #tpu.memory_space<vmem_shared>>) dst(%arg9 : memref<512x32xf32, #tpu.memory_space<vmem>>)
    %add3A_677 = arith.constant 15360 : i32
    %add3A_678 = arith.addi %mul3A_2, %add3A_677 : i32
    %dma_start3A_679 = arith.constant 0 : i32
    %dma_start3A_680 = tpu.memref_slice %arg4[%add3A_678, %dma_start3A_679] : memref<819200x32xf32, #tpu.memory_space<hbm>> -> memref<512x32xf32, #tpu.memory_space<hbm>>
    %dma_start3A_681 = arith.constant 0 : i32
    %dma_start3A_682 = tpu.memref_slice %arg4[%add3A_678, %dma_start3A_681] : memref<819200x32xf32, #tpu.memory_space<hbm>> -> memref<512x32xf32, #tpu.memory_space<hbm>>
    tpu.enqueue_dma source(%arg9 : memref<512x32xf32, #tpu.memory_space<vmem>>) target(%dma_start3A_682 : memref<512x32xf32, #tpu.memory_space<hbm>>) target_semaphore(%arg17 : memref<!tpu.dma_semaphore, #tpu.memory_space<semaphore_mem>>)
    %add3A_683 = arith.constant 14848 : i32
    %add3A_684 = arith.addi %mul3A_2, %add3A_683 : i32
    %dma_wait3A_685 = arith.constant 0 : i32
    %dma_wait3A_686 = tpu.memref_slice %arg4[%add3A_684, %dma_wait3A_685] : memref<819200x32xf32, #tpu.memory_space<hbm>> -> memref<512x32xf32, #tpu.memory_space<hbm>>
    %dma_wait3A_687 = arith.constant 0 : i32
    %dma_wait3A_688 = tpu.memref_slice %arg4[%add3A_684, %dma_wait3A_687] : memref<819200x32xf32, #tpu.memory_space<hbm>> -> memref<512x32xf32, #tpu.memory_space<hbm>>
    tpu.wait_dma2 semaphore(%arg16 : memref<!tpu.dma_semaphore, #tpu.memory_space<semaphore_mem>>) src(%arg8 : memref<512x32xf32, #tpu.memory_space<vmem>>) dst(%dma_wait3A_688 : memref<512x32xf32, #tpu.memory_space<hbm>>)
    %dma_start3A_689 = arith.constant 16896 : i32
    %dma_start3A_690 = tpu.memref_slice %arg6[%dma_start3A_689] : memref<25600xi32, #tpu.memory_space<vmem>> -> memref<512xi32, #tpu.memory_space<vmem>>
    %dma_start3A_691 = arith.constant 0 : i32
    %dma_start3A_692 = arith.constant 0 : i32
    %dma_start3A_693 = tpu.memref_slice %arg5[%dma_start3A_691, %dma_start3A_692] : memref<16384x32xf32, #tpu.memory_space<vmem_shared>> -> memref<16384x32xf32, #tpu.memory_space<vmem_shared>>
    tpu.enqueue_indirect_dma source(%dma_start3A_693 : memref<16384x32xf32, #tpu.memory_space<vmem_shared>>) target(%arg8 : memref<512x32xf32, #tpu.memory_space<vmem>>) offsets(%dma_start3A_690 : memref<512xi32, #tpu.memory_space<vmem>>) semaphore(%arg12 : memref<!tpu.dma_semaphore, #tpu.memory_space<semaphore_mem>>)
    %dma_wait3A_694 = arith.constant 15872 : i32
    %dma_wait3A_695 = tpu.memref_slice %arg6[%dma_wait3A_694] : memref<25600xi32, #tpu.memory_space<vmem>> -> memref<512xi32, #tpu.memory_space<vmem>>
    %dma_wait3A_696 = arith.constant 0 : i32
    %dma_wait3A_697 = arith.constant 0 : i32
    %dma_wait3A_698 = tpu.memref_slice %arg5[%dma_wait3A_696, %dma_wait3A_697] : memref<16384x32xf32, #tpu.memory_space<vmem_shared>> -> memref<16384x32xf32, #tpu.memory_space<vmem_shared>>
    tpu.wait_indirect_dma semaphore(%arg14 : memref<!tpu.dma_semaphore, #tpu.memory_space<semaphore_mem>>) src(%dma_wait3A_698 : memref<16384x32xf32, #tpu.memory_space<vmem_shared>>) dst(%arg10 : memref<512x32xf32, #tpu.memory_space<vmem>>)
    %add3A_699 = arith.constant 15872 : i32
    %add3A_700 = arith.addi %mul3A_2, %add3A_699 : i32
    %dma_start3A_701 = arith.constant 0 : i32
    %dma_start3A_702 = tpu.memref_slice %arg4[%add3A_700, %dma_start3A_701] : memref<819200x32xf32, #tpu.memory_space<hbm>> -> memref<512x32xf32, #tpu.memory_space<hbm>>
    %dma_start3A_703 = arith.constant 0 : i32
    %dma_start3A_704 = tpu.memref_slice %arg4[%add3A_700, %dma_start3A_703] : memref<819200x32xf32, #tpu.memory_space<hbm>> -> memref<512x32xf32, #tpu.memory_space<hbm>>
    tpu.enqueue_dma source(%arg10 : memref<512x32xf32, #tpu.memory_space<vmem>>) target(%dma_start3A_704 : memref<512x32xf32, #tpu.memory_space<hbm>>) target_semaphore(%arg18 : memref<!tpu.dma_semaphore, #tpu.memory_space<semaphore_mem>>)
    %add3A_705 = arith.constant 15360 : i32
    %add3A_706 = arith.addi %mul3A_2, %add3A_705 : i32
    %dma_wait3A_707 = arith.constant 0 : i32
    %dma_wait3A_708 = tpu.memref_slice %arg4[%add3A_706, %dma_wait3A_707] : memref<819200x32xf32, #tpu.memory_space<hbm>> -> memref<512x32xf32, #tpu.memory_space<hbm>>
    %dma_wait3A_709 = arith.constant 0 : i32
    %dma_wait3A_710 = tpu.memref_slice %arg4[%add3A_706, %dma_wait3A_709] : memref<819200x32xf32, #tpu.memory_space<hbm>> -> memref<512x32xf32, #tpu.memory_space<hbm>>
    tpu.wait_dma2 semaphore(%arg17 : memref<!tpu.dma_semaphore, #tpu.memory_space<semaphore_mem>>) src(%arg9 : memref<512x32xf32, #tpu.memory_space<vmem>>) dst(%dma_wait3A_710 : memref<512x32xf32, #tpu.memory_space<hbm>>)
    %dma_start3A_711 = arith.constant 17408 : i32
    %dma_start3A_712 = tpu.memref_slice %arg6[%dma_start3A_711] : memref<25600xi32, #tpu.memory_space<vmem>> -> memref<512xi32, #tpu.memory_space<vmem>>
    %dma_start3A_713 = arith.constant 0 : i32
    %dma_start3A_714 = arith.constant 0 : i32
    %dma_start3A_715 = tpu.memref_slice %arg5[%dma_start3A_713, %dma_start3A_714] : memref<16384x32xf32, #tpu.memory_space<vmem_shared>> -> memref<16384x32xf32, #tpu.memory_space<vmem_shared>>
    tpu.enqueue_indirect_dma source(%dma_start3A_715 : memref<16384x32xf32, #tpu.memory_space<vmem_shared>>) target(%arg9 : memref<512x32xf32, #tpu.memory_space<vmem>>) offsets(%dma_start3A_712 : memref<512xi32, #tpu.memory_space<vmem>>) semaphore(%arg13 : memref<!tpu.dma_semaphore, #tpu.memory_space<semaphore_mem>>)
    %dma_wait3A_716 = arith.constant 16384 : i32
    %dma_wait3A_717 = tpu.memref_slice %arg6[%dma_wait3A_716] : memref<25600xi32, #tpu.memory_space<vmem>> -> memref<512xi32, #tpu.memory_space<vmem>>
    %dma_wait3A_718 = arith.constant 0 : i32
    %dma_wait3A_719 = arith.constant 0 : i32
    %dma_wait3A_720 = tpu.memref_slice %arg5[%dma_wait3A_718, %dma_wait3A_719] : memref<16384x32xf32, #tpu.memory_space<vmem_shared>> -> memref<16384x32xf32, #tpu.memory_space<vmem_shared>>
    tpu.wait_indirect_dma semaphore(%arg11 : memref<!tpu.dma_semaphore, #tpu.memory_space<semaphore_mem>>) src(%dma_wait3A_720 : memref<16384x32xf32, #tpu.memory_space<vmem_shared>>) dst(%arg7 : memref<512x32xf32, #tpu.memory_space<vmem>>)
    %add3A_721 = arith.constant 16384 : i32
    %add3A_722 = arith.addi %mul3A_2, %add3A_721 : i32
    %dma_start3A_723 = arith.constant 0 : i32
    %dma_start3A_724 = tpu.memref_slice %arg4[%add3A_722, %dma_start3A_723] : memref<819200x32xf32, #tpu.memory_space<hbm>> -> memref<512x32xf32, #tpu.memory_space<hbm>>
    %dma_start3A_725 = arith.constant 0 : i32
    %dma_start3A_726 = tpu.memref_slice %arg4[%add3A_722, %dma_start3A_725] : memref<819200x32xf32, #tpu.memory_space<hbm>> -> memref<512x32xf32, #tpu.memory_space<hbm>>
    tpu.enqueue_dma source(%arg7 : memref<512x32xf32, #tpu.memory_space<vmem>>) target(%dma_start3A_726 : memref<512x32xf32, #tpu.memory_space<hbm>>) target_semaphore(%arg15 : memref<!tpu.dma_semaphore, #tpu.memory_space<semaphore_mem>>)
    %add3A_727 = arith.constant 15872 : i32
    %add3A_728 = arith.addi %mul3A_2, %add3A_727 : i32
    %dma_wait3A_729 = arith.constant 0 : i32
    %dma_wait3A_730 = tpu.memref_slice %arg4[%add3A_728, %dma_wait3A_729] : memref<819200x32xf32, #tpu.memory_space<hbm>> -> memref<512x32xf32, #tpu.memory_space<hbm>>
    %dma_wait3A_731 = arith.constant 0 : i32
    %dma_wait3A_732 = tpu.memref_slice %arg4[%add3A_728, %dma_wait3A_731] : memref<819200x32xf32, #tpu.memory_space<hbm>> -> memref<512x32xf32, #tpu.memory_space<hbm>>
    tpu.wait_dma2 semaphore(%arg18 : memref<!tpu.dma_semaphore, #tpu.memory_space<semaphore_mem>>) src(%arg10 : memref<512x32xf32, #tpu.memory_space<vmem>>) dst(%dma_wait3A_732 : memref<512x32xf32, #tpu.memory_space<hbm>>)
    %dma_start3A_733 = arith.constant 17920 : i32
    %dma_start3A_734 = tpu.memref_slice %arg6[%dma_start3A_733] : memref<25600xi32, #tpu.memory_space<vmem>> -> memref<512xi32, #tpu.memory_space<vmem>>
    %dma_start3A_735 = arith.constant 0 : i32
    %dma_start3A_736 = arith.constant 0 : i32
    %dma_start3A_737 = tpu.memref_slice %arg5[%dma_start3A_735, %dma_start3A_736] : memref<16384x32xf32, #tpu.memory_space<vmem_shared>> -> memref<16384x32xf32, #tpu.memory_space<vmem_shared>>
    tpu.enqueue_indirect_dma source(%dma_start3A_737 : memref<16384x32xf32, #tpu.memory_space<vmem_shared>>) target(%arg10 : memref<512x32xf32, #tpu.memory_space<vmem>>) offsets(%dma_start3A_734 : memref<512xi32, #tpu.memory_space<vmem>>) semaphore(%arg14 : memref<!tpu.dma_semaphore, #tpu.memory_space<semaphore_mem>>)
    %dma_wait3A_738 = arith.constant 16896 : i32
    %dma_wait3A_739 = tpu.memref_slice %arg6[%dma_wait3A_738] : memref<25600xi32, #tpu.memory_space<vmem>> -> memref<512xi32, #tpu.memory_space<vmem>>
    %dma_wait3A_740 = arith.constant 0 : i32
    %dma_wait3A_741 = arith.constant 0 : i32
    %dma_wait3A_742 = tpu.memref_slice %arg5[%dma_wait3A_740, %dma_wait3A_741] : memref<16384x32xf32, #tpu.memory_space<vmem_shared>> -> memref<16384x32xf32, #tpu.memory_space<vmem_shared>>
    tpu.wait_indirect_dma semaphore(%arg12 : memref<!tpu.dma_semaphore, #tpu.memory_space<semaphore_mem>>) src(%dma_wait3A_742 : memref<16384x32xf32, #tpu.memory_space<vmem_shared>>) dst(%arg8 : memref<512x32xf32, #tpu.memory_space<vmem>>)
    %add3A_743 = arith.constant 16896 : i32
    %add3A_744 = arith.addi %mul3A_2, %add3A_743 : i32
    %dma_start3A_745 = arith.constant 0 : i32
    %dma_start3A_746 = tpu.memref_slice %arg4[%add3A_744, %dma_start3A_745] : memref<819200x32xf32, #tpu.memory_space<hbm>> -> memref<512x32xf32, #tpu.memory_space<hbm>>
    %dma_start3A_747 = arith.constant 0 : i32
    %dma_start3A_748 = tpu.memref_slice %arg4[%add3A_744, %dma_start3A_747] : memref<819200x32xf32, #tpu.memory_space<hbm>> -> memref<512x32xf32, #tpu.memory_space<hbm>>
    tpu.enqueue_dma source(%arg8 : memref<512x32xf32, #tpu.memory_space<vmem>>) target(%dma_start3A_748 : memref<512x32xf32, #tpu.memory_space<hbm>>) target_semaphore(%arg16 : memref<!tpu.dma_semaphore, #tpu.memory_space<semaphore_mem>>)
    %add3A_749 = arith.constant 16384 : i32
    %add3A_750 = arith.addi %mul3A_2, %add3A_749 : i32
    %dma_wait3A_751 = arith.constant 0 : i32
    %dma_wait3A_752 = tpu.memref_slice %arg4[%add3A_750, %dma_wait3A_751] : memref<819200x32xf32, #tpu.memory_space<hbm>> -> memref<512x32xf32, #tpu.memory_space<hbm>>
    %dma_wait3A_753 = arith.constant 0 : i32
    %dma_wait3A_754 = tpu.memref_slice %arg4[%add3A_750, %dma_wait3A_753] : memref<819200x32xf32, #tpu.memory_space<hbm>> -> memref<512x32xf32, #tpu.memory_space<hbm>>
    tpu.wait_dma2 semaphore(%arg15 : memref<!tpu.dma_semaphore, #tpu.memory_space<semaphore_mem>>) src(%arg7 : memref<512x32xf32, #tpu.memory_space<vmem>>) dst(%dma_wait3A_754 : memref<512x32xf32, #tpu.memory_space<hbm>>)
    %dma_start3A_755 = arith.constant 18432 : i32
    %dma_start3A_756 = tpu.memref_slice %arg6[%dma_start3A_755] : memref<25600xi32, #tpu.memory_space<vmem>> -> memref<512xi32, #tpu.memory_space<vmem>>
    %dma_start3A_757 = arith.constant 0 : i32
    %dma_start3A_758 = arith.constant 0 : i32
    %dma_start3A_759 = tpu.memref_slice %arg5[%dma_start3A_757, %dma_start3A_758] : memref<16384x32xf32, #tpu.memory_space<vmem_shared>> -> memref<16384x32xf32, #tpu.memory_space<vmem_shared>>
    tpu.enqueue_indirect_dma source(%dma_start3A_759 : memref<16384x32xf32, #tpu.memory_space<vmem_shared>>) target(%arg7 : memref<512x32xf32, #tpu.memory_space<vmem>>) offsets(%dma_start3A_756 : memref<512xi32, #tpu.memory_space<vmem>>) semaphore(%arg11 : memref<!tpu.dma_semaphore, #tpu.memory_space<semaphore_mem>>)
    %dma_wait3A_760 = arith.constant 17408 : i32
    %dma_wait3A_761 = tpu.memref_slice %arg6[%dma_wait3A_760] : memref<25600xi32, #tpu.memory_space<vmem>> -> memref<512xi32, #tpu.memory_space<vmem>>
    %dma_wait3A_762 = arith.constant 0 : i32
    %dma_wait3A_763 = arith.constant 0 : i32
    %dma_wait3A_764 = tpu.memref_slice %arg5[%dma_wait3A_762, %dma_wait3A_763] : memref<16384x32xf32, #tpu.memory_space<vmem_shared>> -> memref<16384x32xf32, #tpu.memory_space<vmem_shared>>
    tpu.wait_indirect_dma semaphore(%arg13 : memref<!tpu.dma_semaphore, #tpu.memory_space<semaphore_mem>>) src(%dma_wait3A_764 : memref<16384x32xf32, #tpu.memory_space<vmem_shared>>) dst(%arg9 : memref<512x32xf32, #tpu.memory_space<vmem>>)
    %add3A_765 = arith.constant 17408 : i32
    %add3A_766 = arith.addi %mul3A_2, %add3A_765 : i32
    %dma_start3A_767 = arith.constant 0 : i32
    %dma_start3A_768 = tpu.memref_slice %arg4[%add3A_766, %dma_start3A_767] : memref<819200x32xf32, #tpu.memory_space<hbm>> -> memref<512x32xf32, #tpu.memory_space<hbm>>
    %dma_start3A_769 = arith.constant 0 : i32
    %dma_start3A_770 = tpu.memref_slice %arg4[%add3A_766, %dma_start3A_769] : memref<819200x32xf32, #tpu.memory_space<hbm>> -> memref<512x32xf32, #tpu.memory_space<hbm>>
    tpu.enqueue_dma source(%arg9 : memref<512x32xf32, #tpu.memory_space<vmem>>) target(%dma_start3A_770 : memref<512x32xf32, #tpu.memory_space<hbm>>) target_semaphore(%arg17 : memref<!tpu.dma_semaphore, #tpu.memory_space<semaphore_mem>>)
    %add3A_771 = arith.constant 16896 : i32
    %add3A_772 = arith.addi %mul3A_2, %add3A_771 : i32
    %dma_wait3A_773 = arith.constant 0 : i32
    %dma_wait3A_774 = tpu.memref_slice %arg4[%add3A_772, %dma_wait3A_773] : memref<819200x32xf32, #tpu.memory_space<hbm>> -> memref<512x32xf32, #tpu.memory_space<hbm>>
    %dma_wait3A_775 = arith.constant 0 : i32
    %dma_wait3A_776 = tpu.memref_slice %arg4[%add3A_772, %dma_wait3A_775] : memref<819200x32xf32, #tpu.memory_space<hbm>> -> memref<512x32xf32, #tpu.memory_space<hbm>>
    tpu.wait_dma2 semaphore(%arg16 : memref<!tpu.dma_semaphore, #tpu.memory_space<semaphore_mem>>) src(%arg8 : memref<512x32xf32, #tpu.memory_space<vmem>>) dst(%dma_wait3A_776 : memref<512x32xf32, #tpu.memory_space<hbm>>)
    %dma_start3A_777 = arith.constant 18944 : i32
    %dma_start3A_778 = tpu.memref_slice %arg6[%dma_start3A_777] : memref<25600xi32, #tpu.memory_space<vmem>> -> memref<512xi32, #tpu.memory_space<vmem>>
    %dma_start3A_779 = arith.constant 0 : i32
    %dma_start3A_780 = arith.constant 0 : i32
    %dma_start3A_781 = tpu.memref_slice %arg5[%dma_start3A_779, %dma_start3A_780] : memref<16384x32xf32, #tpu.memory_space<vmem_shared>> -> memref<16384x32xf32, #tpu.memory_space<vmem_shared>>
    tpu.enqueue_indirect_dma source(%dma_start3A_781 : memref<16384x32xf32, #tpu.memory_space<vmem_shared>>) target(%arg8 : memref<512x32xf32, #tpu.memory_space<vmem>>) offsets(%dma_start3A_778 : memref<512xi32, #tpu.memory_space<vmem>>) semaphore(%arg12 : memref<!tpu.dma_semaphore, #tpu.memory_space<semaphore_mem>>)
    %dma_wait3A_782 = arith.constant 17920 : i32
    %dma_wait3A_783 = tpu.memref_slice %arg6[%dma_wait3A_782] : memref<25600xi32, #tpu.memory_space<vmem>> -> memref<512xi32, #tpu.memory_space<vmem>>
    %dma_wait3A_784 = arith.constant 0 : i32
    %dma_wait3A_785 = arith.constant 0 : i32
    %dma_wait3A_786 = tpu.memref_slice %arg5[%dma_wait3A_784, %dma_wait3A_785] : memref<16384x32xf32, #tpu.memory_space<vmem_shared>> -> memref<16384x32xf32, #tpu.memory_space<vmem_shared>>
    tpu.wait_indirect_dma semaphore(%arg14 : memref<!tpu.dma_semaphore, #tpu.memory_space<semaphore_mem>>) src(%dma_wait3A_786 : memref<16384x32xf32, #tpu.memory_space<vmem_shared>>) dst(%arg10 : memref<512x32xf32, #tpu.memory_space<vmem>>)
    %add3A_787 = arith.constant 17920 : i32
    %add3A_788 = arith.addi %mul3A_2, %add3A_787 : i32
    %dma_start3A_789 = arith.constant 0 : i32
    %dma_start3A_790 = tpu.memref_slice %arg4[%add3A_788, %dma_start3A_789] : memref<819200x32xf32, #tpu.memory_space<hbm>> -> memref<512x32xf32, #tpu.memory_space<hbm>>
    %dma_start3A_791 = arith.constant 0 : i32
    %dma_start3A_792 = tpu.memref_slice %arg4[%add3A_788, %dma_start3A_791] : memref<819200x32xf32, #tpu.memory_space<hbm>> -> memref<512x32xf32, #tpu.memory_space<hbm>>
    tpu.enqueue_dma source(%arg10 : memref<512x32xf32, #tpu.memory_space<vmem>>) target(%dma_start3A_792 : memref<512x32xf32, #tpu.memory_space<hbm>>) target_semaphore(%arg18 : memref<!tpu.dma_semaphore, #tpu.memory_space<semaphore_mem>>)
    %add3A_793 = arith.constant 17408 : i32
    %add3A_794 = arith.addi %mul3A_2, %add3A_793 : i32
    %dma_wait3A_795 = arith.constant 0 : i32
    %dma_wait3A_796 = tpu.memref_slice %arg4[%add3A_794, %dma_wait3A_795] : memref<819200x32xf32, #tpu.memory_space<hbm>> -> memref<512x32xf32, #tpu.memory_space<hbm>>
    %dma_wait3A_797 = arith.constant 0 : i32
    %dma_wait3A_798 = tpu.memref_slice %arg4[%add3A_794, %dma_wait3A_797] : memref<819200x32xf32, #tpu.memory_space<hbm>> -> memref<512x32xf32, #tpu.memory_space<hbm>>
    tpu.wait_dma2 semaphore(%arg17 : memref<!tpu.dma_semaphore, #tpu.memory_space<semaphore_mem>>) src(%arg9 : memref<512x32xf32, #tpu.memory_space<vmem>>) dst(%dma_wait3A_798 : memref<512x32xf32, #tpu.memory_space<hbm>>)
    %dma_start3A_799 = arith.constant 19456 : i32
    %dma_start3A_800 = tpu.memref_slice %arg6[%dma_start3A_799] : memref<25600xi32, #tpu.memory_space<vmem>> -> memref<512xi32, #tpu.memory_space<vmem>>
    %dma_start3A_801 = arith.constant 0 : i32
    %dma_start3A_802 = arith.constant 0 : i32
    %dma_start3A_803 = tpu.memref_slice %arg5[%dma_start3A_801, %dma_start3A_802] : memref<16384x32xf32, #tpu.memory_space<vmem_shared>> -> memref<16384x32xf32, #tpu.memory_space<vmem_shared>>
    tpu.enqueue_indirect_dma source(%dma_start3A_803 : memref<16384x32xf32, #tpu.memory_space<vmem_shared>>) target(%arg9 : memref<512x32xf32, #tpu.memory_space<vmem>>) offsets(%dma_start3A_800 : memref<512xi32, #tpu.memory_space<vmem>>) semaphore(%arg13 : memref<!tpu.dma_semaphore, #tpu.memory_space<semaphore_mem>>)
    %dma_wait3A_804 = arith.constant 18432 : i32
    %dma_wait3A_805 = tpu.memref_slice %arg6[%dma_wait3A_804] : memref<25600xi32, #tpu.memory_space<vmem>> -> memref<512xi32, #tpu.memory_space<vmem>>
    %dma_wait3A_806 = arith.constant 0 : i32
    %dma_wait3A_807 = arith.constant 0 : i32
    %dma_wait3A_808 = tpu.memref_slice %arg5[%dma_wait3A_806, %dma_wait3A_807] : memref<16384x32xf32, #tpu.memory_space<vmem_shared>> -> memref<16384x32xf32, #tpu.memory_space<vmem_shared>>
    tpu.wait_indirect_dma semaphore(%arg11 : memref<!tpu.dma_semaphore, #tpu.memory_space<semaphore_mem>>) src(%dma_wait3A_808 : memref<16384x32xf32, #tpu.memory_space<vmem_shared>>) dst(%arg7 : memref<512x32xf32, #tpu.memory_space<vmem>>)
    %add3A_809 = arith.constant 18432 : i32
    %add3A_810 = arith.addi %mul3A_2, %add3A_809 : i32
    %dma_start3A_811 = arith.constant 0 : i32
    %dma_start3A_812 = tpu.memref_slice %arg4[%add3A_810, %dma_start3A_811] : memref<819200x32xf32, #tpu.memory_space<hbm>> -> memref<512x32xf32, #tpu.memory_space<hbm>>
    %dma_start3A_813 = arith.constant 0 : i32
    %dma_start3A_814 = tpu.memref_slice %arg4[%add3A_810, %dma_start3A_813] : memref<819200x32xf32, #tpu.memory_space<hbm>> -> memref<512x32xf32, #tpu.memory_space<hbm>>
    tpu.enqueue_dma source(%arg7 : memref<512x32xf32, #tpu.memory_space<vmem>>) target(%dma_start3A_814 : memref<512x32xf32, #tpu.memory_space<hbm>>) target_semaphore(%arg15 : memref<!tpu.dma_semaphore, #tpu.memory_space<semaphore_mem>>)
    %add3A_815 = arith.constant 17920 : i32
    %add3A_816 = arith.addi %mul3A_2, %add3A_815 : i32
    %dma_wait3A_817 = arith.constant 0 : i32
    %dma_wait3A_818 = tpu.memref_slice %arg4[%add3A_816, %dma_wait3A_817] : memref<819200x32xf32, #tpu.memory_space<hbm>> -> memref<512x32xf32, #tpu.memory_space<hbm>>
    %dma_wait3A_819 = arith.constant 0 : i32
    %dma_wait3A_820 = tpu.memref_slice %arg4[%add3A_816, %dma_wait3A_819] : memref<819200x32xf32, #tpu.memory_space<hbm>> -> memref<512x32xf32, #tpu.memory_space<hbm>>
    tpu.wait_dma2 semaphore(%arg18 : memref<!tpu.dma_semaphore, #tpu.memory_space<semaphore_mem>>) src(%arg10 : memref<512x32xf32, #tpu.memory_space<vmem>>) dst(%dma_wait3A_820 : memref<512x32xf32, #tpu.memory_space<hbm>>)
    %dma_start3A_821 = arith.constant 19968 : i32
    %dma_start3A_822 = tpu.memref_slice %arg6[%dma_start3A_821] : memref<25600xi32, #tpu.memory_space<vmem>> -> memref<512xi32, #tpu.memory_space<vmem>>
    %dma_start3A_823 = arith.constant 0 : i32
    %dma_start3A_824 = arith.constant 0 : i32
    %dma_start3A_825 = tpu.memref_slice %arg5[%dma_start3A_823, %dma_start3A_824] : memref<16384x32xf32, #tpu.memory_space<vmem_shared>> -> memref<16384x32xf32, #tpu.memory_space<vmem_shared>>
    tpu.enqueue_indirect_dma source(%dma_start3A_825 : memref<16384x32xf32, #tpu.memory_space<vmem_shared>>) target(%arg10 : memref<512x32xf32, #tpu.memory_space<vmem>>) offsets(%dma_start3A_822 : memref<512xi32, #tpu.memory_space<vmem>>) semaphore(%arg14 : memref<!tpu.dma_semaphore, #tpu.memory_space<semaphore_mem>>)
    %dma_wait3A_826 = arith.constant 18944 : i32
    %dma_wait3A_827 = tpu.memref_slice %arg6[%dma_wait3A_826] : memref<25600xi32, #tpu.memory_space<vmem>> -> memref<512xi32, #tpu.memory_space<vmem>>
    %dma_wait3A_828 = arith.constant 0 : i32
    %dma_wait3A_829 = arith.constant 0 : i32
    %dma_wait3A_830 = tpu.memref_slice %arg5[%dma_wait3A_828, %dma_wait3A_829] : memref<16384x32xf32, #tpu.memory_space<vmem_shared>> -> memref<16384x32xf32, #tpu.memory_space<vmem_shared>>
    tpu.wait_indirect_dma semaphore(%arg12 : memref<!tpu.dma_semaphore, #tpu.memory_space<semaphore_mem>>) src(%dma_wait3A_830 : memref<16384x32xf32, #tpu.memory_space<vmem_shared>>) dst(%arg8 : memref<512x32xf32, #tpu.memory_space<vmem>>)
    %add3A_831 = arith.constant 18944 : i32
    %add3A_832 = arith.addi %mul3A_2, %add3A_831 : i32
    %dma_start3A_833 = arith.constant 0 : i32
    %dma_start3A_834 = tpu.memref_slice %arg4[%add3A_832, %dma_start3A_833] : memref<819200x32xf32, #tpu.memory_space<hbm>> -> memref<512x32xf32, #tpu.memory_space<hbm>>
    %dma_start3A_835 = arith.constant 0 : i32
    %dma_start3A_836 = tpu.memref_slice %arg4[%add3A_832, %dma_start3A_835] : memref<819200x32xf32, #tpu.memory_space<hbm>> -> memref<512x32xf32, #tpu.memory_space<hbm>>
    tpu.enqueue_dma source(%arg8 : memref<512x32xf32, #tpu.memory_space<vmem>>) target(%dma_start3A_836 : memref<512x32xf32, #tpu.memory_space<hbm>>) target_semaphore(%arg16 : memref<!tpu.dma_semaphore, #tpu.memory_space<semaphore_mem>>)
    %add3A_837 = arith.constant 18432 : i32
    %add3A_838 = arith.addi %mul3A_2, %add3A_837 : i32
    %dma_wait3A_839 = arith.constant 0 : i32
    %dma_wait3A_840 = tpu.memref_slice %arg4[%add3A_838, %dma_wait3A_839] : memref<819200x32xf32, #tpu.memory_space<hbm>> -> memref<512x32xf32, #tpu.memory_space<hbm>>
    %dma_wait3A_841 = arith.constant 0 : i32
    %dma_wait3A_842 = tpu.memref_slice %arg4[%add3A_838, %dma_wait3A_841] : memref<819200x32xf32, #tpu.memory_space<hbm>> -> memref<512x32xf32, #tpu.memory_space<hbm>>
    tpu.wait_dma2 semaphore(%arg15 : memref<!tpu.dma_semaphore, #tpu.memory_space<semaphore_mem>>) src(%arg7 : memref<512x32xf32, #tpu.memory_space<vmem>>) dst(%dma_wait3A_842 : memref<512x32xf32, #tpu.memory_space<hbm>>)
    %dma_start3A_843 = arith.constant 20480 : i32
    %dma_start3A_844 = tpu.memref_slice %arg6[%dma_start3A_843] : memref<25600xi32, #tpu.memory_space<vmem>> -> memref<512xi32, #tpu.memory_space<vmem>>
    %dma_start3A_845 = arith.constant 0 : i32
    %dma_start3A_846 = arith.constant 0 : i32
    %dma_start3A_847 = tpu.memref_slice %arg5[%dma_start3A_845, %dma_start3A_846] : memref<16384x32xf32, #tpu.memory_space<vmem_shared>> -> memref<16384x32xf32, #tpu.memory_space<vmem_shared>>
    tpu.enqueue_indirect_dma source(%dma_start3A_847 : memref<16384x32xf32, #tpu.memory_space<vmem_shared>>) target(%arg7 : memref<512x32xf32, #tpu.memory_space<vmem>>) offsets(%dma_start3A_844 : memref<512xi32, #tpu.memory_space<vmem>>) semaphore(%arg11 : memref<!tpu.dma_semaphore, #tpu.memory_space<semaphore_mem>>)
    %dma_wait3A_848 = arith.constant 19456 : i32
    %dma_wait3A_849 = tpu.memref_slice %arg6[%dma_wait3A_848] : memref<25600xi32, #tpu.memory_space<vmem>> -> memref<512xi32, #tpu.memory_space<vmem>>
    %dma_wait3A_850 = arith.constant 0 : i32
    %dma_wait3A_851 = arith.constant 0 : i32
    %dma_wait3A_852 = tpu.memref_slice %arg5[%dma_wait3A_850, %dma_wait3A_851] : memref<16384x32xf32, #tpu.memory_space<vmem_shared>> -> memref<16384x32xf32, #tpu.memory_space<vmem_shared>>
    tpu.wait_indirect_dma semaphore(%arg13 : memref<!tpu.dma_semaphore, #tpu.memory_space<semaphore_mem>>) src(%dma_wait3A_852 : memref<16384x32xf32, #tpu.memory_space<vmem_shared>>) dst(%arg9 : memref<512x32xf32, #tpu.memory_space<vmem>>)
    %add3A_853 = arith.constant 19456 : i32
    %add3A_854 = arith.addi %mul3A_2, %add3A_853 : i32
    %dma_start3A_855 = arith.constant 0 : i32
    %dma_start3A_856 = tpu.memref_slice %arg4[%add3A_854, %dma_start3A_855] : memref<819200x32xf32, #tpu.memory_space<hbm>> -> memref<512x32xf32, #tpu.memory_space<hbm>>
    %dma_start3A_857 = arith.constant 0 : i32
    %dma_start3A_858 = tpu.memref_slice %arg4[%add3A_854, %dma_start3A_857] : memref<819200x32xf32, #tpu.memory_space<hbm>> -> memref<512x32xf32, #tpu.memory_space<hbm>>
    tpu.enqueue_dma source(%arg9 : memref<512x32xf32, #tpu.memory_space<vmem>>) target(%dma_start3A_858 : memref<512x32xf32, #tpu.memory_space<hbm>>) target_semaphore(%arg17 : memref<!tpu.dma_semaphore, #tpu.memory_space<semaphore_mem>>)
    %add3A_859 = arith.constant 18944 : i32
    %add3A_860 = arith.addi %mul3A_2, %add3A_859 : i32
    %dma_wait3A_861 = arith.constant 0 : i32
    %dma_wait3A_862 = tpu.memref_slice %arg4[%add3A_860, %dma_wait3A_861] : memref<819200x32xf32, #tpu.memory_space<hbm>> -> memref<512x32xf32, #tpu.memory_space<hbm>>
    %dma_wait3A_863 = arith.constant 0 : i32
    %dma_wait3A_864 = tpu.memref_slice %arg4[%add3A_860, %dma_wait3A_863] : memref<819200x32xf32, #tpu.memory_space<hbm>> -> memref<512x32xf32, #tpu.memory_space<hbm>>
    tpu.wait_dma2 semaphore(%arg16 : memref<!tpu.dma_semaphore, #tpu.memory_space<semaphore_mem>>) src(%arg8 : memref<512x32xf32, #tpu.memory_space<vmem>>) dst(%dma_wait3A_864 : memref<512x32xf32, #tpu.memory_space<hbm>>)
    %dma_start3A_865 = arith.constant 20992 : i32
    %dma_start3A_866 = tpu.memref_slice %arg6[%dma_start3A_865] : memref<25600xi32, #tpu.memory_space<vmem>> -> memref<512xi32, #tpu.memory_space<vmem>>
    %dma_start3A_867 = arith.constant 0 : i32
    %dma_start3A_868 = arith.constant 0 : i32
    %dma_start3A_869 = tpu.memref_slice %arg5[%dma_start3A_867, %dma_start3A_868] : memref<16384x32xf32, #tpu.memory_space<vmem_shared>> -> memref<16384x32xf32, #tpu.memory_space<vmem_shared>>
    tpu.enqueue_indirect_dma source(%dma_start3A_869 : memref<16384x32xf32, #tpu.memory_space<vmem_shared>>) target(%arg8 : memref<512x32xf32, #tpu.memory_space<vmem>>) offsets(%dma_start3A_866 : memref<512xi32, #tpu.memory_space<vmem>>) semaphore(%arg12 : memref<!tpu.dma_semaphore, #tpu.memory_space<semaphore_mem>>)
    %dma_wait3A_870 = arith.constant 19968 : i32
    %dma_wait3A_871 = tpu.memref_slice %arg6[%dma_wait3A_870] : memref<25600xi32, #tpu.memory_space<vmem>> -> memref<512xi32, #tpu.memory_space<vmem>>
    %dma_wait3A_872 = arith.constant 0 : i32
    %dma_wait3A_873 = arith.constant 0 : i32
    %dma_wait3A_874 = tpu.memref_slice %arg5[%dma_wait3A_872, %dma_wait3A_873] : memref<16384x32xf32, #tpu.memory_space<vmem_shared>> -> memref<16384x32xf32, #tpu.memory_space<vmem_shared>>
    tpu.wait_indirect_dma semaphore(%arg14 : memref<!tpu.dma_semaphore, #tpu.memory_space<semaphore_mem>>) src(%dma_wait3A_874 : memref<16384x32xf32, #tpu.memory_space<vmem_shared>>) dst(%arg10 : memref<512x32xf32, #tpu.memory_space<vmem>>)
    %add3A_875 = arith.constant 19968 : i32
    %add3A_876 = arith.addi %mul3A_2, %add3A_875 : i32
    %dma_start3A_877 = arith.constant 0 : i32
    %dma_start3A_878 = tpu.memref_slice %arg4[%add3A_876, %dma_start3A_877] : memref<819200x32xf32, #tpu.memory_space<hbm>> -> memref<512x32xf32, #tpu.memory_space<hbm>>
    %dma_start3A_879 = arith.constant 0 : i32
    %dma_start3A_880 = tpu.memref_slice %arg4[%add3A_876, %dma_start3A_879] : memref<819200x32xf32, #tpu.memory_space<hbm>> -> memref<512x32xf32, #tpu.memory_space<hbm>>
    tpu.enqueue_dma source(%arg10 : memref<512x32xf32, #tpu.memory_space<vmem>>) target(%dma_start3A_880 : memref<512x32xf32, #tpu.memory_space<hbm>>) target_semaphore(%arg18 : memref<!tpu.dma_semaphore, #tpu.memory_space<semaphore_mem>>)
    %add3A_881 = arith.constant 19456 : i32
    %add3A_882 = arith.addi %mul3A_2, %add3A_881 : i32
    %dma_wait3A_883 = arith.constant 0 : i32
    %dma_wait3A_884 = tpu.memref_slice %arg4[%add3A_882, %dma_wait3A_883] : memref<819200x32xf32, #tpu.memory_space<hbm>> -> memref<512x32xf32, #tpu.memory_space<hbm>>
    %dma_wait3A_885 = arith.constant 0 : i32
    %dma_wait3A_886 = tpu.memref_slice %arg4[%add3A_882, %dma_wait3A_885] : memref<819200x32xf32, #tpu.memory_space<hbm>> -> memref<512x32xf32, #tpu.memory_space<hbm>>
    tpu.wait_dma2 semaphore(%arg17 : memref<!tpu.dma_semaphore, #tpu.memory_space<semaphore_mem>>) src(%arg9 : memref<512x32xf32, #tpu.memory_space<vmem>>) dst(%dma_wait3A_886 : memref<512x32xf32, #tpu.memory_space<hbm>>)
    %dma_start3A_887 = arith.constant 21504 : i32
    %dma_start3A_888 = tpu.memref_slice %arg6[%dma_start3A_887] : memref<25600xi32, #tpu.memory_space<vmem>> -> memref<512xi32, #tpu.memory_space<vmem>>
    %dma_start3A_889 = arith.constant 0 : i32
    %dma_start3A_890 = arith.constant 0 : i32
    %dma_start3A_891 = tpu.memref_slice %arg5[%dma_start3A_889, %dma_start3A_890] : memref<16384x32xf32, #tpu.memory_space<vmem_shared>> -> memref<16384x32xf32, #tpu.memory_space<vmem_shared>>
    tpu.enqueue_indirect_dma source(%dma_start3A_891 : memref<16384x32xf32, #tpu.memory_space<vmem_shared>>) target(%arg9 : memref<512x32xf32, #tpu.memory_space<vmem>>) offsets(%dma_start3A_888 : memref<512xi32, #tpu.memory_space<vmem>>) semaphore(%arg13 : memref<!tpu.dma_semaphore, #tpu.memory_space<semaphore_mem>>)
    %dma_wait3A_892 = arith.constant 20480 : i32
    %dma_wait3A_893 = tpu.memref_slice %arg6[%dma_wait3A_892] : memref<25600xi32, #tpu.memory_space<vmem>> -> memref<512xi32, #tpu.memory_space<vmem>>
    %dma_wait3A_894 = arith.constant 0 : i32
    %dma_wait3A_895 = arith.constant 0 : i32
    %dma_wait3A_896 = tpu.memref_slice %arg5[%dma_wait3A_894, %dma_wait3A_895] : memref<16384x32xf32, #tpu.memory_space<vmem_shared>> -> memref<16384x32xf32, #tpu.memory_space<vmem_shared>>
    tpu.wait_indirect_dma semaphore(%arg11 : memref<!tpu.dma_semaphore, #tpu.memory_space<semaphore_mem>>) src(%dma_wait3A_896 : memref<16384x32xf32, #tpu.memory_space<vmem_shared>>) dst(%arg7 : memref<512x32xf32, #tpu.memory_space<vmem>>)
    %add3A_897 = arith.constant 20480 : i32
    %add3A_898 = arith.addi %mul3A_2, %add3A_897 : i32
    %dma_start3A_899 = arith.constant 0 : i32
    %dma_start3A_900 = tpu.memref_slice %arg4[%add3A_898, %dma_start3A_899] : memref<819200x32xf32, #tpu.memory_space<hbm>> -> memref<512x32xf32, #tpu.memory_space<hbm>>
    %dma_start3A_901 = arith.constant 0 : i32
    %dma_start3A_902 = tpu.memref_slice %arg4[%add3A_898, %dma_start3A_901] : memref<819200x32xf32, #tpu.memory_space<hbm>> -> memref<512x32xf32, #tpu.memory_space<hbm>>
    tpu.enqueue_dma source(%arg7 : memref<512x32xf32, #tpu.memory_space<vmem>>) target(%dma_start3A_902 : memref<512x32xf32, #tpu.memory_space<hbm>>) target_semaphore(%arg15 : memref<!tpu.dma_semaphore, #tpu.memory_space<semaphore_mem>>)
    %add3A_903 = arith.constant 19968 : i32
    %add3A_904 = arith.addi %mul3A_2, %add3A_903 : i32
    %dma_wait3A_905 = arith.constant 0 : i32
    %dma_wait3A_906 = tpu.memref_slice %arg4[%add3A_904, %dma_wait3A_905] : memref<819200x32xf32, #tpu.memory_space<hbm>> -> memref<512x32xf32, #tpu.memory_space<hbm>>
    %dma_wait3A_907 = arith.constant 0 : i32
    %dma_wait3A_908 = tpu.memref_slice %arg4[%add3A_904, %dma_wait3A_907] : memref<819200x32xf32, #tpu.memory_space<hbm>> -> memref<512x32xf32, #tpu.memory_space<hbm>>
    tpu.wait_dma2 semaphore(%arg18 : memref<!tpu.dma_semaphore, #tpu.memory_space<semaphore_mem>>) src(%arg10 : memref<512x32xf32, #tpu.memory_space<vmem>>) dst(%dma_wait3A_908 : memref<512x32xf32, #tpu.memory_space<hbm>>)
    %dma_start3A_909 = arith.constant 22016 : i32
    %dma_start3A_910 = tpu.memref_slice %arg6[%dma_start3A_909] : memref<25600xi32, #tpu.memory_space<vmem>> -> memref<512xi32, #tpu.memory_space<vmem>>
    %dma_start3A_911 = arith.constant 0 : i32
    %dma_start3A_912 = arith.constant 0 : i32
    %dma_start3A_913 = tpu.memref_slice %arg5[%dma_start3A_911, %dma_start3A_912] : memref<16384x32xf32, #tpu.memory_space<vmem_shared>> -> memref<16384x32xf32, #tpu.memory_space<vmem_shared>>
    tpu.enqueue_indirect_dma source(%dma_start3A_913 : memref<16384x32xf32, #tpu.memory_space<vmem_shared>>) target(%arg10 : memref<512x32xf32, #tpu.memory_space<vmem>>) offsets(%dma_start3A_910 : memref<512xi32, #tpu.memory_space<vmem>>) semaphore(%arg14 : memref<!tpu.dma_semaphore, #tpu.memory_space<semaphore_mem>>)
    %dma_wait3A_914 = arith.constant 20992 : i32
    %dma_wait3A_915 = tpu.memref_slice %arg6[%dma_wait3A_914] : memref<25600xi32, #tpu.memory_space<vmem>> -> memref<512xi32, #tpu.memory_space<vmem>>
    %dma_wait3A_916 = arith.constant 0 : i32
    %dma_wait3A_917 = arith.constant 0 : i32
    %dma_wait3A_918 = tpu.memref_slice %arg5[%dma_wait3A_916, %dma_wait3A_917] : memref<16384x32xf32, #tpu.memory_space<vmem_shared>> -> memref<16384x32xf32, #tpu.memory_space<vmem_shared>>
    tpu.wait_indirect_dma semaphore(%arg12 : memref<!tpu.dma_semaphore, #tpu.memory_space<semaphore_mem>>) src(%dma_wait3A_918 : memref<16384x32xf32, #tpu.memory_space<vmem_shared>>) dst(%arg8 : memref<512x32xf32, #tpu.memory_space<vmem>>)
    %add3A_919 = arith.constant 20992 : i32
    %add3A_920 = arith.addi %mul3A_2, %add3A_919 : i32
    %dma_start3A_921 = arith.constant 0 : i32
    %dma_start3A_922 = tpu.memref_slice %arg4[%add3A_920, %dma_start3A_921] : memref<819200x32xf32, #tpu.memory_space<hbm>> -> memref<512x32xf32, #tpu.memory_space<hbm>>
    %dma_start3A_923 = arith.constant 0 : i32
    %dma_start3A_924 = tpu.memref_slice %arg4[%add3A_920, %dma_start3A_923] : memref<819200x32xf32, #tpu.memory_space<hbm>> -> memref<512x32xf32, #tpu.memory_space<hbm>>
    tpu.enqueue_dma source(%arg8 : memref<512x32xf32, #tpu.memory_space<vmem>>) target(%dma_start3A_924 : memref<512x32xf32, #tpu.memory_space<hbm>>) target_semaphore(%arg16 : memref<!tpu.dma_semaphore, #tpu.memory_space<semaphore_mem>>)
    %add3A_925 = arith.constant 20480 : i32
    %add3A_926 = arith.addi %mul3A_2, %add3A_925 : i32
    %dma_wait3A_927 = arith.constant 0 : i32
    %dma_wait3A_928 = tpu.memref_slice %arg4[%add3A_926, %dma_wait3A_927] : memref<819200x32xf32, #tpu.memory_space<hbm>> -> memref<512x32xf32, #tpu.memory_space<hbm>>
    %dma_wait3A_929 = arith.constant 0 : i32
    %dma_wait3A_930 = tpu.memref_slice %arg4[%add3A_926, %dma_wait3A_929] : memref<819200x32xf32, #tpu.memory_space<hbm>> -> memref<512x32xf32, #tpu.memory_space<hbm>>
    tpu.wait_dma2 semaphore(%arg15 : memref<!tpu.dma_semaphore, #tpu.memory_space<semaphore_mem>>) src(%arg7 : memref<512x32xf32, #tpu.memory_space<vmem>>) dst(%dma_wait3A_930 : memref<512x32xf32, #tpu.memory_space<hbm>>)
    %dma_start3A_931 = arith.constant 22528 : i32
    %dma_start3A_932 = tpu.memref_slice %arg6[%dma_start3A_931] : memref<25600xi32, #tpu.memory_space<vmem>> -> memref<512xi32, #tpu.memory_space<vmem>>
    %dma_start3A_933 = arith.constant 0 : i32
    %dma_start3A_934 = arith.constant 0 : i32
    %dma_start3A_935 = tpu.memref_slice %arg5[%dma_start3A_933, %dma_start3A_934] : memref<16384x32xf32, #tpu.memory_space<vmem_shared>> -> memref<16384x32xf32, #tpu.memory_space<vmem_shared>>
    tpu.enqueue_indirect_dma source(%dma_start3A_935 : memref<16384x32xf32, #tpu.memory_space<vmem_shared>>) target(%arg7 : memref<512x32xf32, #tpu.memory_space<vmem>>) offsets(%dma_start3A_932 : memref<512xi32, #tpu.memory_space<vmem>>) semaphore(%arg11 : memref<!tpu.dma_semaphore, #tpu.memory_space<semaphore_mem>>)
    %dma_wait3A_936 = arith.constant 21504 : i32
    %dma_wait3A_937 = tpu.memref_slice %arg6[%dma_wait3A_936] : memref<25600xi32, #tpu.memory_space<vmem>> -> memref<512xi32, #tpu.memory_space<vmem>>
    %dma_wait3A_938 = arith.constant 0 : i32
    %dma_wait3A_939 = arith.constant 0 : i32
    %dma_wait3A_940 = tpu.memref_slice %arg5[%dma_wait3A_938, %dma_wait3A_939] : memref<16384x32xf32, #tpu.memory_space<vmem_shared>> -> memref<16384x32xf32, #tpu.memory_space<vmem_shared>>
    tpu.wait_indirect_dma semaphore(%arg13 : memref<!tpu.dma_semaphore, #tpu.memory_space<semaphore_mem>>) src(%dma_wait3A_940 : memref<16384x32xf32, #tpu.memory_space<vmem_shared>>) dst(%arg9 : memref<512x32xf32, #tpu.memory_space<vmem>>)
    %add3A_941 = arith.constant 21504 : i32
    %add3A_942 = arith.addi %mul3A_2, %add3A_941 : i32
    %dma_start3A_943 = arith.constant 0 : i32
    %dma_start3A_944 = tpu.memref_slice %arg4[%add3A_942, %dma_start3A_943] : memref<819200x32xf32, #tpu.memory_space<hbm>> -> memref<512x32xf32, #tpu.memory_space<hbm>>
    %dma_start3A_945 = arith.constant 0 : i32
    %dma_start3A_946 = tpu.memref_slice %arg4[%add3A_942, %dma_start3A_945] : memref<819200x32xf32, #tpu.memory_space<hbm>> -> memref<512x32xf32, #tpu.memory_space<hbm>>
    tpu.enqueue_dma source(%arg9 : memref<512x32xf32, #tpu.memory_space<vmem>>) target(%dma_start3A_946 : memref<512x32xf32, #tpu.memory_space<hbm>>) target_semaphore(%arg17 : memref<!tpu.dma_semaphore, #tpu.memory_space<semaphore_mem>>)
    %add3A_947 = arith.constant 20992 : i32
    %add3A_948 = arith.addi %mul3A_2, %add3A_947 : i32
    %dma_wait3A_949 = arith.constant 0 : i32
    %dma_wait3A_950 = tpu.memref_slice %arg4[%add3A_948, %dma_wait3A_949] : memref<819200x32xf32, #tpu.memory_space<hbm>> -> memref<512x32xf32, #tpu.memory_space<hbm>>
    %dma_wait3A_951 = arith.constant 0 : i32
    %dma_wait3A_952 = tpu.memref_slice %arg4[%add3A_948, %dma_wait3A_951] : memref<819200x32xf32, #tpu.memory_space<hbm>> -> memref<512x32xf32, #tpu.memory_space<hbm>>
    tpu.wait_dma2 semaphore(%arg16 : memref<!tpu.dma_semaphore, #tpu.memory_space<semaphore_mem>>) src(%arg8 : memref<512x32xf32, #tpu.memory_space<vmem>>) dst(%dma_wait3A_952 : memref<512x32xf32, #tpu.memory_space<hbm>>)
    %dma_start3A_953 = arith.constant 23040 : i32
    %dma_start3A_954 = tpu.memref_slice %arg6[%dma_start3A_953] : memref<25600xi32, #tpu.memory_space<vmem>> -> memref<512xi32, #tpu.memory_space<vmem>>
    %dma_start3A_955 = arith.constant 0 : i32
    %dma_start3A_956 = arith.constant 0 : i32
    %dma_start3A_957 = tpu.memref_slice %arg5[%dma_start3A_955, %dma_start3A_956] : memref<16384x32xf32, #tpu.memory_space<vmem_shared>> -> memref<16384x32xf32, #tpu.memory_space<vmem_shared>>
    tpu.enqueue_indirect_dma source(%dma_start3A_957 : memref<16384x32xf32, #tpu.memory_space<vmem_shared>>) target(%arg8 : memref<512x32xf32, #tpu.memory_space<vmem>>) offsets(%dma_start3A_954 : memref<512xi32, #tpu.memory_space<vmem>>) semaphore(%arg12 : memref<!tpu.dma_semaphore, #tpu.memory_space<semaphore_mem>>)
    %dma_wait3A_958 = arith.constant 22016 : i32
    %dma_wait3A_959 = tpu.memref_slice %arg6[%dma_wait3A_958] : memref<25600xi32, #tpu.memory_space<vmem>> -> memref<512xi32, #tpu.memory_space<vmem>>
    %dma_wait3A_960 = arith.constant 0 : i32
    %dma_wait3A_961 = arith.constant 0 : i32
    %dma_wait3A_962 = tpu.memref_slice %arg5[%dma_wait3A_960, %dma_wait3A_961] : memref<16384x32xf32, #tpu.memory_space<vmem_shared>> -> memref<16384x32xf32, #tpu.memory_space<vmem_shared>>
    tpu.wait_indirect_dma semaphore(%arg14 : memref<!tpu.dma_semaphore, #tpu.memory_space<semaphore_mem>>) src(%dma_wait3A_962 : memref<16384x32xf32, #tpu.memory_space<vmem_shared>>) dst(%arg10 : memref<512x32xf32, #tpu.memory_space<vmem>>)
    %add3A_963 = arith.constant 22016 : i32
    %add3A_964 = arith.addi %mul3A_2, %add3A_963 : i32
    %dma_start3A_965 = arith.constant 0 : i32
    %dma_start3A_966 = tpu.memref_slice %arg4[%add3A_964, %dma_start3A_965] : memref<819200x32xf32, #tpu.memory_space<hbm>> -> memref<512x32xf32, #tpu.memory_space<hbm>>
    %dma_start3A_967 = arith.constant 0 : i32
    %dma_start3A_968 = tpu.memref_slice %arg4[%add3A_964, %dma_start3A_967] : memref<819200x32xf32, #tpu.memory_space<hbm>> -> memref<512x32xf32, #tpu.memory_space<hbm>>
    tpu.enqueue_dma source(%arg10 : memref<512x32xf32, #tpu.memory_space<vmem>>) target(%dma_start3A_968 : memref<512x32xf32, #tpu.memory_space<hbm>>) target_semaphore(%arg18 : memref<!tpu.dma_semaphore, #tpu.memory_space<semaphore_mem>>)
    %add3A_969 = arith.constant 21504 : i32
    %add3A_970 = arith.addi %mul3A_2, %add3A_969 : i32
    %dma_wait3A_971 = arith.constant 0 : i32
    %dma_wait3A_972 = tpu.memref_slice %arg4[%add3A_970, %dma_wait3A_971] : memref<819200x32xf32, #tpu.memory_space<hbm>> -> memref<512x32xf32, #tpu.memory_space<hbm>>
    %dma_wait3A_973 = arith.constant 0 : i32
    %dma_wait3A_974 = tpu.memref_slice %arg4[%add3A_970, %dma_wait3A_973] : memref<819200x32xf32, #tpu.memory_space<hbm>> -> memref<512x32xf32, #tpu.memory_space<hbm>>
    tpu.wait_dma2 semaphore(%arg17 : memref<!tpu.dma_semaphore, #tpu.memory_space<semaphore_mem>>) src(%arg9 : memref<512x32xf32, #tpu.memory_space<vmem>>) dst(%dma_wait3A_974 : memref<512x32xf32, #tpu.memory_space<hbm>>)
    %dma_start3A_975 = arith.constant 23552 : i32
    %dma_start3A_976 = tpu.memref_slice %arg6[%dma_start3A_975] : memref<25600xi32, #tpu.memory_space<vmem>> -> memref<512xi32, #tpu.memory_space<vmem>>
    %dma_start3A_977 = arith.constant 0 : i32
    %dma_start3A_978 = arith.constant 0 : i32
    %dma_start3A_979 = tpu.memref_slice %arg5[%dma_start3A_977, %dma_start3A_978] : memref<16384x32xf32, #tpu.memory_space<vmem_shared>> -> memref<16384x32xf32, #tpu.memory_space<vmem_shared>>
    tpu.enqueue_indirect_dma source(%dma_start3A_979 : memref<16384x32xf32, #tpu.memory_space<vmem_shared>>) target(%arg9 : memref<512x32xf32, #tpu.memory_space<vmem>>) offsets(%dma_start3A_976 : memref<512xi32, #tpu.memory_space<vmem>>) semaphore(%arg13 : memref<!tpu.dma_semaphore, #tpu.memory_space<semaphore_mem>>)
    %dma_wait3A_980 = arith.constant 22528 : i32
    %dma_wait3A_981 = tpu.memref_slice %arg6[%dma_wait3A_980] : memref<25600xi32, #tpu.memory_space<vmem>> -> memref<512xi32, #tpu.memory_space<vmem>>
    %dma_wait3A_982 = arith.constant 0 : i32
    %dma_wait3A_983 = arith.constant 0 : i32
    %dma_wait3A_984 = tpu.memref_slice %arg5[%dma_wait3A_982, %dma_wait3A_983] : memref<16384x32xf32, #tpu.memory_space<vmem_shared>> -> memref<16384x32xf32, #tpu.memory_space<vmem_shared>>
    tpu.wait_indirect_dma semaphore(%arg11 : memref<!tpu.dma_semaphore, #tpu.memory_space<semaphore_mem>>) src(%dma_wait3A_984 : memref<16384x32xf32, #tpu.memory_space<vmem_shared>>) dst(%arg7 : memref<512x32xf32, #tpu.memory_space<vmem>>)
    %add3A_985 = arith.constant 22528 : i32
    %add3A_986 = arith.addi %mul3A_2, %add3A_985 : i32
    %dma_start3A_987 = arith.constant 0 : i32
    %dma_start3A_988 = tpu.memref_slice %arg4[%add3A_986, %dma_start3A_987] : memref<819200x32xf32, #tpu.memory_space<hbm>> -> memref<512x32xf32, #tpu.memory_space<hbm>>
    %dma_start3A_989 = arith.constant 0 : i32
    %dma_start3A_990 = tpu.memref_slice %arg4[%add3A_986, %dma_start3A_989] : memref<819200x32xf32, #tpu.memory_space<hbm>> -> memref<512x32xf32, #tpu.memory_space<hbm>>
    tpu.enqueue_dma source(%arg7 : memref<512x32xf32, #tpu.memory_space<vmem>>) target(%dma_start3A_990 : memref<512x32xf32, #tpu.memory_space<hbm>>) target_semaphore(%arg15 : memref<!tpu.dma_semaphore, #tpu.memory_space<semaphore_mem>>)
    %add3A_991 = arith.constant 22016 : i32
    %add3A_992 = arith.addi %mul3A_2, %add3A_991 : i32
    %dma_wait3A_993 = arith.constant 0 : i32
    %dma_wait3A_994 = tpu.memref_slice %arg4[%add3A_992, %dma_wait3A_993] : memref<819200x32xf32, #tpu.memory_space<hbm>> -> memref<512x32xf32, #tpu.memory_space<hbm>>
    %dma_wait3A_995 = arith.constant 0 : i32
    %dma_wait3A_996 = tpu.memref_slice %arg4[%add3A_992, %dma_wait3A_995] : memref<819200x32xf32, #tpu.memory_space<hbm>> -> memref<512x32xf32, #tpu.memory_space<hbm>>
    tpu.wait_dma2 semaphore(%arg18 : memref<!tpu.dma_semaphore, #tpu.memory_space<semaphore_mem>>) src(%arg10 : memref<512x32xf32, #tpu.memory_space<vmem>>) dst(%dma_wait3A_996 : memref<512x32xf32, #tpu.memory_space<hbm>>)
    %dma_start3A_997 = arith.constant 24064 : i32
    %dma_start3A_998 = tpu.memref_slice %arg6[%dma_start3A_997] : memref<25600xi32, #tpu.memory_space<vmem>> -> memref<512xi32, #tpu.memory_space<vmem>>
    %dma_start3A_999 = arith.constant 0 : i32
    %dma_start3A_1000 = arith.constant 0 : i32
    %dma_start3A_1001 = tpu.memref_slice %arg5[%dma_start3A_999, %dma_start3A_1000] : memref<16384x32xf32, #tpu.memory_space<vmem_shared>> -> memref<16384x32xf32, #tpu.memory_space<vmem_shared>>
    tpu.enqueue_indirect_dma source(%dma_start3A_1001 : memref<16384x32xf32, #tpu.memory_space<vmem_shared>>) target(%arg10 : memref<512x32xf32, #tpu.memory_space<vmem>>) offsets(%dma_start3A_998 : memref<512xi32, #tpu.memory_space<vmem>>) semaphore(%arg14 : memref<!tpu.dma_semaphore, #tpu.memory_space<semaphore_mem>>)
    %dma_wait3A_1002 = arith.constant 23040 : i32
    %dma_wait3A_1003 = tpu.memref_slice %arg6[%dma_wait3A_1002] : memref<25600xi32, #tpu.memory_space<vmem>> -> memref<512xi32, #tpu.memory_space<vmem>>
    %dma_wait3A_1004 = arith.constant 0 : i32
    %dma_wait3A_1005 = arith.constant 0 : i32
    %dma_wait3A_1006 = tpu.memref_slice %arg5[%dma_wait3A_1004, %dma_wait3A_1005] : memref<16384x32xf32, #tpu.memory_space<vmem_shared>> -> memref<16384x32xf32, #tpu.memory_space<vmem_shared>>
    tpu.wait_indirect_dma semaphore(%arg12 : memref<!tpu.dma_semaphore, #tpu.memory_space<semaphore_mem>>) src(%dma_wait3A_1006 : memref<16384x32xf32, #tpu.memory_space<vmem_shared>>) dst(%arg8 : memref<512x32xf32, #tpu.memory_space<vmem>>)
    %add3A_1007 = arith.constant 23040 : i32
    %add3A_1008 = arith.addi %mul3A_2, %add3A_1007 : i32
    %dma_start3A_1009 = arith.constant 0 : i32
    %dma_start3A_1010 = tpu.memref_slice %arg4[%add3A_1008, %dma_start3A_1009] : memref<819200x32xf32, #tpu.memory_space<hbm>> -> memref<512x32xf32, #tpu.memory_space<hbm>>
    %dma_start3A_1011 = arith.constant 0 : i32
    %dma_start3A_1012 = tpu.memref_slice %arg4[%add3A_1008, %dma_start3A_1011] : memref<819200x32xf32, #tpu.memory_space<hbm>> -> memref<512x32xf32, #tpu.memory_space<hbm>>
    tpu.enqueue_dma source(%arg8 : memref<512x32xf32, #tpu.memory_space<vmem>>) target(%dma_start3A_1012 : memref<512x32xf32, #tpu.memory_space<hbm>>) target_semaphore(%arg16 : memref<!tpu.dma_semaphore, #tpu.memory_space<semaphore_mem>>)
    %add3A_1013 = arith.constant 22528 : i32
    %add3A_1014 = arith.addi %mul3A_2, %add3A_1013 : i32
    %dma_wait3A_1015 = arith.constant 0 : i32
    %dma_wait3A_1016 = tpu.memref_slice %arg4[%add3A_1014, %dma_wait3A_1015] : memref<819200x32xf32, #tpu.memory_space<hbm>> -> memref<512x32xf32, #tpu.memory_space<hbm>>
    %dma_wait3A_1017 = arith.constant 0 : i32
    %dma_wait3A_1018 = tpu.memref_slice %arg4[%add3A_1014, %dma_wait3A_1017] : memref<819200x32xf32, #tpu.memory_space<hbm>> -> memref<512x32xf32, #tpu.memory_space<hbm>>
    tpu.wait_dma2 semaphore(%arg15 : memref<!tpu.dma_semaphore, #tpu.memory_space<semaphore_mem>>) src(%arg7 : memref<512x32xf32, #tpu.memory_space<vmem>>) dst(%dma_wait3A_1018 : memref<512x32xf32, #tpu.memory_space<hbm>>)
    %dma_start3A_1019 = arith.constant 24576 : i32
    %dma_start3A_1020 = tpu.memref_slice %arg6[%dma_start3A_1019] : memref<25600xi32, #tpu.memory_space<vmem>> -> memref<512xi32, #tpu.memory_space<vmem>>
    %dma_start3A_1021 = arith.constant 0 : i32
    %dma_start3A_1022 = arith.constant 0 : i32
    %dma_start3A_1023 = tpu.memref_slice %arg5[%dma_start3A_1021, %dma_start3A_1022] : memref<16384x32xf32, #tpu.memory_space<vmem_shared>> -> memref<16384x32xf32, #tpu.memory_space<vmem_shared>>
    tpu.enqueue_indirect_dma source(%dma_start3A_1023 : memref<16384x32xf32, #tpu.memory_space<vmem_shared>>) target(%arg7 : memref<512x32xf32, #tpu.memory_space<vmem>>) offsets(%dma_start3A_1020 : memref<512xi32, #tpu.memory_space<vmem>>) semaphore(%arg11 : memref<!tpu.dma_semaphore, #tpu.memory_space<semaphore_mem>>)
    %dma_wait3A_1024 = arith.constant 23552 : i32
    %dma_wait3A_1025 = tpu.memref_slice %arg6[%dma_wait3A_1024] : memref<25600xi32, #tpu.memory_space<vmem>> -> memref<512xi32, #tpu.memory_space<vmem>>
    %dma_wait3A_1026 = arith.constant 0 : i32
    %dma_wait3A_1027 = arith.constant 0 : i32
    %dma_wait3A_1028 = tpu.memref_slice %arg5[%dma_wait3A_1026, %dma_wait3A_1027] : memref<16384x32xf32, #tpu.memory_space<vmem_shared>> -> memref<16384x32xf32, #tpu.memory_space<vmem_shared>>
    tpu.wait_indirect_dma semaphore(%arg13 : memref<!tpu.dma_semaphore, #tpu.memory_space<semaphore_mem>>) src(%dma_wait3A_1028 : memref<16384x32xf32, #tpu.memory_space<vmem_shared>>) dst(%arg9 : memref<512x32xf32, #tpu.memory_space<vmem>>)
    %add3A_1029 = arith.constant 23552 : i32
    %add3A_1030 = arith.addi %mul3A_2, %add3A_1029 : i32
    %dma_start3A_1031 = arith.constant 0 : i32
    %dma_start3A_1032 = tpu.memref_slice %arg4[%add3A_1030, %dma_start3A_1031] : memref<819200x32xf32, #tpu.memory_space<hbm>> -> memref<512x32xf32, #tpu.memory_space<hbm>>
    %dma_start3A_1033 = arith.constant 0 : i32
    %dma_start3A_1034 = tpu.memref_slice %arg4[%add3A_1030, %dma_start3A_1033] : memref<819200x32xf32, #tpu.memory_space<hbm>> -> memref<512x32xf32, #tpu.memory_space<hbm>>
    tpu.enqueue_dma source(%arg9 : memref<512x32xf32, #tpu.memory_space<vmem>>) target(%dma_start3A_1034 : memref<512x32xf32, #tpu.memory_space<hbm>>) target_semaphore(%arg17 : memref<!tpu.dma_semaphore, #tpu.memory_space<semaphore_mem>>)
    %add3A_1035 = arith.constant 23040 : i32
    %add3A_1036 = arith.addi %mul3A_2, %add3A_1035 : i32
    %dma_wait3A_1037 = arith.constant 0 : i32
    %dma_wait3A_1038 = tpu.memref_slice %arg4[%add3A_1036, %dma_wait3A_1037] : memref<819200x32xf32, #tpu.memory_space<hbm>> -> memref<512x32xf32, #tpu.memory_space<hbm>>
    %dma_wait3A_1039 = arith.constant 0 : i32
    %dma_wait3A_1040 = tpu.memref_slice %arg4[%add3A_1036, %dma_wait3A_1039] : memref<819200x32xf32, #tpu.memory_space<hbm>> -> memref<512x32xf32, #tpu.memory_space<hbm>>
    tpu.wait_dma2 semaphore(%arg16 : memref<!tpu.dma_semaphore, #tpu.memory_space<semaphore_mem>>) src(%arg8 : memref<512x32xf32, #tpu.memory_space<vmem>>) dst(%dma_wait3A_1040 : memref<512x32xf32, #tpu.memory_space<hbm>>)
    %dma_start3A_1041 = arith.constant 25088 : i32
    %dma_start3A_1042 = tpu.memref_slice %arg6[%dma_start3A_1041] : memref<25600xi32, #tpu.memory_space<vmem>> -> memref<512xi32, #tpu.memory_space<vmem>>
    %dma_start3A_1043 = arith.constant 0 : i32
    %dma_start3A_1044 = arith.constant 0 : i32
    %dma_start3A_1045 = tpu.memref_slice %arg5[%dma_start3A_1043, %dma_start3A_1044] : memref<16384x32xf32, #tpu.memory_space<vmem_shared>> -> memref<16384x32xf32, #tpu.memory_space<vmem_shared>>
    tpu.enqueue_indirect_dma source(%dma_start3A_1045 : memref<16384x32xf32, #tpu.memory_space<vmem_shared>>) target(%arg8 : memref<512x32xf32, #tpu.memory_space<vmem>>) offsets(%dma_start3A_1042 : memref<512xi32, #tpu.memory_space<vmem>>) semaphore(%arg12 : memref<!tpu.dma_semaphore, #tpu.memory_space<semaphore_mem>>)
    %dma_wait3A_1046 = arith.constant 24064 : i32
    %dma_wait3A_1047 = tpu.memref_slice %arg6[%dma_wait3A_1046] : memref<25600xi32, #tpu.memory_space<vmem>> -> memref<512xi32, #tpu.memory_space<vmem>>
    %dma_wait3A_1048 = arith.constant 0 : i32
    %dma_wait3A_1049 = arith.constant 0 : i32
    %dma_wait3A_1050 = tpu.memref_slice %arg5[%dma_wait3A_1048, %dma_wait3A_1049] : memref<16384x32xf32, #tpu.memory_space<vmem_shared>> -> memref<16384x32xf32, #tpu.memory_space<vmem_shared>>
    tpu.wait_indirect_dma semaphore(%arg14 : memref<!tpu.dma_semaphore, #tpu.memory_space<semaphore_mem>>) src(%dma_wait3A_1050 : memref<16384x32xf32, #tpu.memory_space<vmem_shared>>) dst(%arg10 : memref<512x32xf32, #tpu.memory_space<vmem>>)
    %add3A_1051 = arith.constant 24064 : i32
    %add3A_1052 = arith.addi %mul3A_2, %add3A_1051 : i32
    %dma_start3A_1053 = arith.constant 0 : i32
    %dma_start3A_1054 = tpu.memref_slice %arg4[%add3A_1052, %dma_start3A_1053] : memref<819200x32xf32, #tpu.memory_space<hbm>> -> memref<512x32xf32, #tpu.memory_space<hbm>>
    %dma_start3A_1055 = arith.constant 0 : i32
    %dma_start3A_1056 = tpu.memref_slice %arg4[%add3A_1052, %dma_start3A_1055] : memref<819200x32xf32, #tpu.memory_space<hbm>> -> memref<512x32xf32, #tpu.memory_space<hbm>>
    tpu.enqueue_dma source(%arg10 : memref<512x32xf32, #tpu.memory_space<vmem>>) target(%dma_start3A_1056 : memref<512x32xf32, #tpu.memory_space<hbm>>) target_semaphore(%arg18 : memref<!tpu.dma_semaphore, #tpu.memory_space<semaphore_mem>>)
    %dma_wait3A_1057 = arith.constant 24576 : i32
    %dma_wait3A_1058 = tpu.memref_slice %arg6[%dma_wait3A_1057] : memref<25600xi32, #tpu.memory_space<vmem>> -> memref<512xi32, #tpu.memory_space<vmem>>
    %dma_wait3A_1059 = arith.constant 0 : i32
    %dma_wait3A_1060 = arith.constant 0 : i32
    %dma_wait3A_1061 = tpu.memref_slice %arg5[%dma_wait3A_1059, %dma_wait3A_1060] : memref<16384x32xf32, #tpu.memory_space<vmem_shared>> -> memref<16384x32xf32, #tpu.memory_space<vmem_shared>>
    tpu.wait_indirect_dma semaphore(%arg11 : memref<!tpu.dma_semaphore, #tpu.memory_space<semaphore_mem>>) src(%dma_wait3A_1061 : memref<16384x32xf32, #tpu.memory_space<vmem_shared>>) dst(%arg7 : memref<512x32xf32, #tpu.memory_space<vmem>>)
    %add3A_1062 = arith.constant 24576 : i32
    %add3A_1063 = arith.addi %mul3A_2, %add3A_1062 : i32
    %dma_start3A_1064 = arith.constant 0 : i32
    %dma_start3A_1065 = tpu.memref_slice %arg4[%add3A_1063, %dma_start3A_1064] : memref<819200x32xf32, #tpu.memory_space<hbm>> -> memref<512x32xf32, #tpu.memory_space<hbm>>
    %dma_start3A_1066 = arith.constant 0 : i32
    %dma_start3A_1067 = tpu.memref_slice %arg4[%add3A_1063, %dma_start3A_1066] : memref<819200x32xf32, #tpu.memory_space<hbm>> -> memref<512x32xf32, #tpu.memory_space<hbm>>
    tpu.enqueue_dma source(%arg7 : memref<512x32xf32, #tpu.memory_space<vmem>>) target(%dma_start3A_1067 : memref<512x32xf32, #tpu.memory_space<hbm>>) target_semaphore(%arg15 : memref<!tpu.dma_semaphore, #tpu.memory_space<semaphore_mem>>)
    %dma_wait3A_1068 = arith.constant 25088 : i32
    %dma_wait3A_1069 = tpu.memref_slice %arg6[%dma_wait3A_1068] : memref<25600xi32, #tpu.memory_space<vmem>> -> memref<512xi32, #tpu.memory_space<vmem>>
    %dma_wait3A_1070 = arith.constant 0 : i32
    %dma_wait3A_1071 = arith.constant 0 : i32
    %dma_wait3A_1072 = tpu.memref_slice %arg5[%dma_wait3A_1070, %dma_wait3A_1071] : memref<16384x32xf32, #tpu.memory_space<vmem_shared>> -> memref<16384x32xf32, #tpu.memory_space<vmem_shared>>
    tpu.wait_indirect_dma semaphore(%arg12 : memref<!tpu.dma_semaphore, #tpu.memory_space<semaphore_mem>>) src(%dma_wait3A_1072 : memref<16384x32xf32, #tpu.memory_space<vmem_shared>>) dst(%arg8 : memref<512x32xf32, #tpu.memory_space<vmem>>)
    %add3A_1073 = arith.constant 25088 : i32
    %add3A_1074 = arith.addi %mul3A_2, %add3A_1073 : i32
    %dma_start3A_1075 = arith.constant 0 : i32
    %dma_start3A_1076 = tpu.memref_slice %arg4[%add3A_1074, %dma_start3A_1075] : memref<819200x32xf32, #tpu.memory_space<hbm>> -> memref<512x32xf32, #tpu.memory_space<hbm>>
    %dma_start3A_1077 = arith.constant 0 : i32
    %dma_start3A_1078 = tpu.memref_slice %arg4[%add3A_1074, %dma_start3A_1077] : memref<819200x32xf32, #tpu.memory_space<hbm>> -> memref<512x32xf32, #tpu.memory_space<hbm>>
    tpu.enqueue_dma source(%arg8 : memref<512x32xf32, #tpu.memory_space<vmem>>) target(%dma_start3A_1078 : memref<512x32xf32, #tpu.memory_space<hbm>>) target_semaphore(%arg16 : memref<!tpu.dma_semaphore, #tpu.memory_space<semaphore_mem>>)
    %add3A_1079 = arith.constant 23552 : i32
    %add3A_1080 = arith.addi %mul3A_2, %add3A_1079 : i32
    %dma_wait3A_1081 = arith.constant 0 : i32
    %dma_wait3A_1082 = tpu.memref_slice %arg4[%add3A_1080, %dma_wait3A_1081] : memref<819200x32xf32, #tpu.memory_space<hbm>> -> memref<512x32xf32, #tpu.memory_space<hbm>>
    %dma_wait3A_1083 = arith.constant 0 : i32
    %dma_wait3A_1084 = tpu.memref_slice %arg4[%add3A_1080, %dma_wait3A_1083] : memref<819200x32xf32, #tpu.memory_space<hbm>> -> memref<512x32xf32, #tpu.memory_space<hbm>>
    tpu.wait_dma2 semaphore(%arg17 : memref<!tpu.dma_semaphore, #tpu.memory_space<semaphore_mem>>) src(%arg9 : memref<512x32xf32, #tpu.memory_space<vmem>>) dst(%dma_wait3A_1084 : memref<512x32xf32, #tpu.memory_space<hbm>>)
    %add3A_1085 = arith.constant 24064 : i32
    %add3A_1086 = arith.addi %mul3A_2, %add3A_1085 : i32
    %dma_wait3A_1087 = arith.constant 0 : i32
    %dma_wait3A_1088 = tpu.memref_slice %arg4[%add3A_1086, %dma_wait3A_1087] : memref<819200x32xf32, #tpu.memory_space<hbm>> -> memref<512x32xf32, #tpu.memory_space<hbm>>
    %dma_wait3A_1089 = arith.constant 0 : i32
    %dma_wait3A_1090 = tpu.memref_slice %arg4[%add3A_1086, %dma_wait3A_1089] : memref<819200x32xf32, #tpu.memory_space<hbm>> -> memref<512x32xf32, #tpu.memory_space<hbm>>
    tpu.wait_dma2 semaphore(%arg18 : memref<!tpu.dma_semaphore, #tpu.memory_space<semaphore_mem>>) src(%arg10 : memref<512x32xf32, #tpu.memory_space<vmem>>) dst(%dma_wait3A_1090 : memref<512x32xf32, #tpu.memory_space<hbm>>)
    %add3A_1091 = arith.constant 24576 : i32
    %add3A_1092 = arith.addi %mul3A_2, %add3A_1091 : i32
    %dma_wait3A_1093 = arith.constant 0 : i32
    %dma_wait3A_1094 = tpu.memref_slice %arg4[%add3A_1092, %dma_wait3A_1093] : memref<819200x32xf32, #tpu.memory_space<hbm>> -> memref<512x32xf32, #tpu.memory_space<hbm>>
    %dma_wait3A_1095 = arith.constant 0 : i32
    %dma_wait3A_1096 = tpu.memref_slice %arg4[%add3A_1092, %dma_wait3A_1095] : memref<819200x32xf32, #tpu.memory_space<hbm>> -> memref<512x32xf32, #tpu.memory_space<hbm>>
    tpu.wait_dma2 semaphore(%arg15 : memref<!tpu.dma_semaphore, #tpu.memory_space<semaphore_mem>>) src(%arg7 : memref<512x32xf32, #tpu.memory_space<vmem>>) dst(%dma_wait3A_1096 : memref<512x32xf32, #tpu.memory_space<hbm>>)
    %add3A_1097 = arith.constant 25088 : i32
    %add3A_1098 = arith.addi %mul3A_2, %add3A_1097 : i32
    %dma_wait3A_1099 = arith.constant 0 : i32
    %dma_wait3A_1100 = tpu.memref_slice %arg4[%add3A_1098, %dma_wait3A_1099] : memref<819200x32xf32, #tpu.memory_space<hbm>> -> memref<512x32xf32, #tpu.memory_space<hbm>>
    %dma_wait3A_1101 = arith.constant 0 : i32
    %dma_wait3A_1102 = tpu.memref_slice %arg4[%add3A_1098, %dma_wait3A_1101] : memref<819200x32xf32, #tpu.memory_space<hbm>> -> memref<512x32xf32, #tpu.memory_space<hbm>>
    tpu.wait_dma2 semaphore(%arg16 : memref<!tpu.dma_semaphore, #tpu.memory_space<semaphore_mem>>) src(%arg8 : memref<512x32xf32, #tpu.memory_space<vmem>>) dst(%dma_wait3A_1102 : memref<512x32xf32, #tpu.memory_space<hbm>>)
    return
  }
}

</mosaic_0001>

<sc_bundles>
// kernel: kernel.3.cloned.1.call-start
scs
__scs_entry_jumppad:
0x0: {  	(pc) =	sbr.rel $0x88, $3  }
0x1: {  	(tag) =	ssettag $0x0;
	lr =	simm.s32 $0x1  }
0x2: {  	[smem:$0x3F9F] =	sst lr;
	_ =	strace $0xD0000000  }
0x3: {  	_ = 	snop  }
0x4: {  	_ = 	snop  }
0x5: {  	_ = 	snop  }
0x6: {  	_ = 	snop  }
0x7: {  	_ = 	snop  }
__scs_overlays_trampoline_lowered:
0x8: {  	[smem:$0x3FAE] =	sst s0  }
0x9: {  	[smem:$0x3FAF] =	sst s1  }
0xa: {  	[smem:$0x3FB0] =	sst s2  }
0xb: {  	[smem:$0x3FB1] =	sst s3  }
0xc: {  	[smem:$0x3FB2] =	sst s4  }
0xd: {  	[smem:$0x3FB3] =	sst s5  }
0xe: {  	[smem:$0x3FB4] =	sst s6  }
0xf: {  	[smem:$0x3FB5] =	sst s7  }
0x10: {  	[smem:$0x3FB6] =	sst s8  }
0x11: {  	[smem:$0x3FB7] =	sst s9;
	s0 =	simm.s32 @!p0 $0x0  }
0x12: {  	s1 =	sld [smem:$0x3F9D];
	s0 =	simm.s32 @p0 $0x1  }
0x13: {  	[smem:$0x3FB8] =	sst s0;
	s0 =	simm.s32 @!p1 $0x0  }
0x14: {  	s2 =	sld [smem:$0x3F9C];
	s0 =	simm.s32 @p1 $0x1  }
0x15: {  	[smem:$0x3FB9] =	sst s0;
	s0 =	simm.s32 @!p2 $0x0  }
0x16: {  	s3 =	sld [smem:$0x3FDB];
	s0 =	simm.s32 @p2 $0x1  }
0x17: {  	s4 =	simm.s32 $0x1BF5;
	[smem:$0x3FBB] =	sst s0  }
0x18: {  	s0 =	sld [smem:$0x3F9E];
	_ =	swait.ge [sflag:s4], $0x0  }
0x19: {  	s7 =	sld [smem:$0x3F9F]  }
0x1a: {  	s8 =	sadd.s32 $0xFFFFE003, lr  }
0x1b: {  	s9 =	sadd.s32 $0xFFFFFEF7, lr;
	s5 =	simm.s32 $0xFFFFFFFF;
	p2 =	slt.u32 s8, $0xFFFFF086  }
0x1c: {  	p1 =	slt.u32 s9, $0xF7A;
	s5 =	simm.s32 @!p2 $0x0  }
0x1d: {  	s5 =	simm.s32 @p1 $0x1;
	p0 =	seq.s32 s7, s2  }
0x1e: {  	s7 =	smul.u32 @!p0 $0xF7A, s2;
	p2 =	seq.s32 @!p0 s5, $0x0  }
0x1f: {  	s9 =	smul.u32 $0xF7A, s1;
	s8 =	simm.s32 @!p0 $0x1BF5;
	p2 =	por !p2, p0  }
0x20: {  	[sflag:s8] =	ssyncset.s32 @!p0 $0xFFFFF086;
	s6 =	sadd.s32 @!p0 s3, s7;
	s7 =	simm.s32 @!p0 $0x108  }
0x21: {  	s3 =	sadd.s32 s3, s9;
	s6 =	sadd.s32 @!p0 $0x88, s6;
	s7 =	simm.s32 @p2 $0x1082  }
0x22: {  	[simem:s7], [sflag:s8] =	dma.local @!p0 [hbm:s6], $0xF7A  }
0x23: {  	s9 =	sor.u32 $0xD0000000, s2;
	s6 =	simm.s32 $0x108;
	_ =	swait.ge @!p0 [sflag:s8], $0x0  }
0x24: {  	s3 =	sadd.s32 $0x88, s3;
	s6 =	simm.s32 @!p1 $0x1082;
	[sflag:s4] =	ssyncset.s32 $0xFFFFF086  }
0x25: {  	[simem:s6], [sflag:s4] =	dma.local [hbm:s3], $0xF7A  }
0x26: {  	[smem:$0x3F9F] =	sst s1;
	(tag) =	ssettag s2;
	_ =	strace s9  }
0x27: {  	s1 =	sld [smem:$0x3FAF]  }
0x28: {  	s2 =	sld [smem:$0x3FB0]  }
0x29: {  	s4 =	sld [smem:$0x3FB2]  }
0x2a: {  	p0 =	seq.s32 s5, $0x0;
	s5 =	sld [smem:$0x3FB3]  }
0x2b: {  	s6 =	sld [smem:$0x3FB4]  }
0x2c: {  	s7 =	sld [smem:$0x3FB5]  }
0x2d: {  	s3 =	simm.s32 $0x108;
	s8 =	sld [smem:$0x3FB6]  }
0x2e: {  	s3 =	simm.s32 @!p0 $0x1082;
	s9 =	sld [smem:$0x3FB7]  }
0x2f: {  	lr =	sadd.s32 s0, s3;
	s0 =	sld [smem:$0x3FAE]  }
0x30: {  	s3 =	sld [smem:$0x3FB1]  }
0x31: {  	[smem:$0x3FBA] =	sst s10  }
0x32: {  	s10 =	sld [smem:$0x3FB8];
	_ =	sdelay $0x3  }
0x33: {  	p0 =	seq.s32 s10, $0x1;
	s10 =	sld [smem:$0x3FBA];
	_ =	sdelay $0x3  }
0x34: {  	[smem:$0x3FBA] =	sst s10  }
0x35: {  	s10 =	sld [smem:$0x3FB9];
	_ =	sdelay $0x3  }
0x36: {  	p1 =	seq.s32 s10, $0x1;
	s10 =	sld [smem:$0x3FBA];
	_ =	sdelay $0x3  }
0x37: {  	[smem:$0x3FBA] =	sst s10  }
0x38: {  	s10 =	sld [smem:$0x3FBB]  }
0x39: {  	_ = 	snop;
	(pc) =	sbr.ind lr, $3  }
0x3a: {  	_ = 	snop  }
0x3b: {  	_ = 	snop  }
0x3c: {  	p2 =	seq.s32 s10, $0x1;
	s10 =	sld [smem:$0x3FBA]  }
0x3d: {  	_ =	shalt  }
0x3e: {  	_ =	shalt  }
0x3f: {  	_ =	shalt  }
0x40: {  	_ =	shalt  }
0x41: {  	_ =	shalt  }
0x42: {  	_ =	shalt  }
0x43: {  	_ =	shalt  }
0x44: {  	_ =	shalt  }
0x45: {  	_ =	shalt  }
0x46: {  	_ =	shalt  }
0x47: {  	_ =	shalt  }
0x48: {  	_ =	shalt  }
0x49: {  	_ =	shalt  }
0x4a: {  	_ =	shalt  }
0x4b: {  	_ =	shalt  }
0x4c: {  	_ =	shalt  }
0x4d: {  	_ =	shalt  }
0x4e: {  	_ =	shalt  }
0x4f: {  	_ =	shalt  }
0x50: {  	_ =	shalt  }
0x51: {  	_ =	shalt  }
0x52: {  	_ =	shalt  }
0x53: {  	_ =	shalt  }
0x54: {  	_ =	shalt  }
0x55: {  	_ =	shalt  }
0x56: {  	_ =	shalt  }
0x57: {  	_ =	shalt  }
0x58: {  	_ =	shalt  }
0x59: {  	_ =	shalt  }
0x5a: {  	_ =	shalt  }
0x5b: {  	_ =	shalt  }
0x5c: {  	_ =	shalt  }
0x5d: {  	_ =	shalt  }
0x5e: {  	_ =	shalt  }
0x5f: {  	_ =	shalt  }
0x60: {  	_ =	shalt  }
0x61: {  	_ =	shalt  }
0x62: {  	_ =	shalt  }
0x63: {  	_ =	shalt  }
0x64: {  	_ =	shalt  }
0x65: {  	_ =	shalt  }
0x66: {  	_ =	shalt  }
0x67: {  	_ =	shalt  }
0x68: {  	_ =	shalt  }
0x69: {  	_ =	shalt  }
0x6a: {  	_ =	shalt  }
0x6b: {  	_ =	shalt  }
0x6c: {  	_ =	shalt  }
0x6d: {  	_ =	shalt  }
0x6e: {  	_ =	shalt  }
0x6f: {  	_ =	shalt  }
0x70: {  	_ =	shalt  }
0x71: {  	_ =	shalt  }
0x72: {  	_ =	shalt  }
0x73: {  	_ =	shalt  }
0x74: {  	_ =	shalt  }
0x75: {  	_ =	shalt  }
0x76: {  	_ =	shalt  }
0x77: {  	_ =	shalt  }
0x78: {  	_ =	shalt  }
0x79: {  	_ =	shalt  }
0x7a: {  	_ =	shalt  }
0x7b: {  	_ =	shalt  }
0x7c: {  	_ =	shalt  }
0x7d: {  	_ =	shalt  }
0x7e: {  	_ =	shalt  }
0x7f: {  	_ =	shalt  }
0x80: {  	_ =	shalt  }
0x81: {  	_ =	shalt  }
0x82: {  	_ =	shalt  }
0x83: {  	_ =	shalt  }
0x84: {  	_ =	shalt  }
0x85: {  	_ =	shalt  }
0x86: {  	_ =	shalt  }
0x87: {  	_ =	shalt  }
.Lfunc_end0:
.L_simem_size_0:
called_computation.1_lowered:
.L_overlay_start_0:
0x88: {  	s2 =	sld [smem:$0x3FD9]  }
0x89: {  	s3 =	sld [smem:$0x3FFE];
	_ =	sdelay $0x1  }
0x8a: {  	s1 =	srdreg.scid  }
0x8b: {  	s0 =	sand.u32 $0x1, s1  }
0x8c: {  	s17 =	sshll.u32 s0, $0xA;
	s2 =	sadd.s32 s3, s2  }
0x8d: {  	s2 =	sadd.s32 s2, s17  }
0x8e: {  	[smem:$0x3FC6] =	sst s2  }
0x8f: {  	_ = 	snop  }
0x90: {  	s2 =	sld [smem:$0x3FD0];
	(tm) =	ssettm $0x1  }
0x91: {  	s18 =	sld [smem:$0x3FFB];
	_ =	sdelay $0x3  }
0x92: {  	_ =	strace s18  }
0x93: {  	s3 =	sld [smem:$0x3FFC];
	_ =	sdelay $0x3  }
0x94: {  	_ =	strace s3  }
0x95: {  	s3 =	sld [smem:$0x3FFD];
	_ =	sdelay $0x3  }
0x96: {  	_ =	strace s3  }
0x97: {  	_ =	strace $0x8FFFFFFF  }
0x98: {  	s19 =	sld [smem:$0x3FDB];
	_ =	sdelay $0x1  }
0x99: {  	s4 =	simm.s32 $_scs_section_size  }
0x9a: {  	s5 =	simm.s32 $_size__tile_overlayer_lowered;
	s6 =	simm.s32 $_tile_overlayer_lowered  }
0x9b: {  	s22 =	simm.s32 $0x1BFF;
	s21 =	sshll.u32 s6, $0x1;
	s3 =	sadd.s32 s4, s19  }
0x9c: {  	s7 =	simm.s32 $0x0;
	s20 =	sshll.u32 s5, $0x1;
	s5 =	sadd.s32 s21, s3  }
0x9d: {  	[timem:s7], [sflag:s22] =	dma.local [hbm:s5], s20  }
0x9e: {  	_ =	swait.ge [sflag:s22], s20  }
0x9f: {  	s4 =	ssub.s32 $0x0, s20;
	[sflag:s22] =	ssyncset.done $0x0  }
0xa0: {  	[sflag:s22] =	ssyncadd.s32 s4;
	_ =	sdelay $0x1  }
0xa1: {  	s23 =	simm.s32 $0x1B8B  }
0xa2: {  	_ =	swait.ge [sflag:s23], $0x1  }
0xa3: {  	[sflag:s23] =	ssyncset.done $0x0  }
0xa4: {  	s25 =	simm.s32 $0x1B8E;
	s24 =	sld [smem:$0x3FFE];
	[sflag:s23] =	ssyncadd.s32 $0xFFFFFFFF  }
0xa5: {  	s26 =	simm.s32 $execute0_lowered;
	[smem:$0x3FD2] =	sst s25  }
0xa6: {  	s5 =	sshll.u32 s26, $0x1;
	_ =	strace $0x80000046;
	[dreg:$0x1] =	wrdreg $0xFFFFFFFF  }
0xa7: {  	s28 =	simm.s32 $_size_execute0_lowered;
	s3 =	sadd.s32 s3, s5;
	[dreg:$0x0] =	wrdreg $0x0  }
0xa8: {  	s5 =	sshll.u32 s28, $0x1;
	[dreg:$0x2] =	wrdreg s3  }
0xa9: {  	[dreg:$0x3] =	wrdreg s5  }
0xaa: {  	[dreg:$0x4] =	wrdreg $0xC0  }
0xab: {  	_ =	task [dreg:s7], $0x5FFFF  }
0xac: {  	[dreg:$0x1] =	wrdreg $0xFFFFFFFF  }
0xad: {  	[dreg:$0x0] =	wrdreg $0x60  }
0xae: {  	[dreg:$0x2] =	wrdreg s24  }
0xaf: {  	[dreg:$0x3] =	wrdreg s2  }
0xb0: {  	[dreg:$0x4] =	wrdreg $0x0  }
0xb1: {  	[dreg:$0x5] =	wrdreg $0x9  }
0xb2: {  	_ =	task.clear_ibuf [dreg:s7], $0x6FFFF;
	_ =	strace $0x90000046  }
0xb3: {  	s29 =	simm.s32 $0x9;
	_ =	strace $0x80000048  }
0xb4: {  	_ =	swait.ge [sflag:s29], $0x1  }
0xb5: {  	[sflag:s29] =	ssyncadd.s32 $0xFFFFFFFF  }
0xb6: {  	_ =	strace $0x90000048  }
0xb7: {  	_ =	sfence  }
0xb8: {  	s30 =	sld [smem:$0x0];
	_ =	sdelay $0x2  }
0xb9: {  	s31 =	sshll.u32 s1, $0xD;
	s1 =	sshrl.u32 s1, $0x2  }
0xba: {  	s3 =	sand.u32 $0x4000, s31;
	s1 =	sadd.s32 s1, s30  }
0xbb: {  	s0 =	sor.u32 s3, s0;
	s1 =	sshll.u32 s1, $0x11  }
0xbc: {  	s0 =	sor.u32 s1, s0  }
0xbd: {  	s0 =	sadd.s32 $0x8F2B, s0  }
0xbe: {  	[sflag:s0] =	ssyncadd.remote.s32 $0x1  }
0xbf: {  	_ =	sfence.sel $0xFFFF  }
0xc0: {  	[dreg:$0x0] =	wrdreg $0xFFFFFFFF;
	(pc) =	sbr.abs _section_cstart, $3  }
0xc1: {  	[dreg:$0x1] =	wrdreg $0xFFFFFFFF  }
0xc2: {  	_ =	task.clear_ibuf [dreg:s7], $0x2FFFF;
	_ =	strace $0x9FFFFFFF  }
0xc3: {  	(tm) =	ssettm $0x7FFFFFFF  }
tec
execute0_lowered:
.L_overlay_start_1:
0x0: {  	(tag) =	ssettag $0x1  }
0x1: {  	s0 =	rddreg [dreg:$0x0]  }
0x2: {  	s1 =	srdreg.scid;
	s3 =	stileid.u32  }
0x3: {  	s5 =	rddreg [dreg:$0x1];
	s4 =	sand.u32 $0x1, s1;
	s24 =	sshll.u32 s3, $0x1  }
0x4: {  	s2 =	rddreg [dreg:$0x2];
	s6 =	sor.u32 s4, s24  }
0x5: {  	s29 =	rddreg [dreg:$0x3];
	s1 =	simm.s32 $0x0;
	s7 =	smul.u32 $0xC80, s6  }
0x6: {  	s9 =	sadd.s32 $0x19A00, s0;
	[smem:$0x7FF] =	sst s1;
	s8 =	smul.u32 $0x19000, s6  }
0x7: {  	_ =	strace $0x80000047;
	s6 =	smul.u32 $0xC8000, s6;
	s0 =	sadd.s32 s7, s0  }
0x8: {  	[dreg:$0x4] =	wrdreg s9;
	s24 =	sadd.s32 s5, s8;
	s0 =	sadd.s32 $0xA00, s0  }
0x9: {  	s6 =	sshrl.u32 s6, $0x3;
	s25 =	sadd.s32 $0x800, s24;
	[dreg:$0x5] =	wrdreg s0  }
0xa: {  	s5 =	sadd.s32 s5, s6;
	[dreg:$0x6] =	wrdreg s25  }
0xb: {  	s26 =	sadd.s32 $0x1000, s5;
	s0 =	rddreg [dreg:$0x4]  }
0xc: {  	s30 =	sadd.s32 $0x1800, s5;
	[dreg:$0x7] =	wrdreg s26  }
0xd: {  	s31 =	sadd.s32 $0x2000, s5;
	[dreg:$0x8] =	wrdreg s30  }
0xe: {  	s6 =	sadd.s32 $0x2800, s5;
	[dreg:$0x9] =	wrdreg s31  }
0xf: {  	s7 =	sadd.s32 $0x3000, s5;
	[dreg:$0xa] =	wrdreg s6  }
0x10: {  	s8 =	sadd.s32 $0x3800, s5;
	[dreg:$0xb] =	wrdreg s7  }
0x11: {  	s9 =	sadd.s32 $0x4000, s5;
	[dreg:$0xc] =	wrdreg s8  }
0x12: {  	s10 =	sadd.s32 $0x4800, s5;
	[dreg:$0xd] =	wrdreg s9  }
0x13: {  	s11 =	sadd.s32 $0x5000, s5;
	[dreg:$0xe] =	wrdreg s10  }
0x14: {  	s12 =	sadd.s32 $0x5800, s5;
	[dreg:$0xf] =	wrdreg s11  }
0x15: {  	s13 =	sadd.s32 $0x6000, s5;
	[dreg:$0x10] =	wrdreg s12  }
0x16: {  	s14 =	sadd.s32 $0x6800, s5;
	[dreg:$0x11] =	wrdreg s13  }
0x17: {  	s15 =	sadd.s32 $0x7000, s5;
	[dreg:$0x12] =	wrdreg s14  }
0x18: {  	s16 =	sadd.s32 $0x7800, s5;
	[dreg:$0x13] =	wrdreg s15  }
0x19: {  	s17 =	sadd.s32 $0x8000, s5;
	[dreg:$0x14] =	wrdreg s16  }
0x1a: {  	s18 =	sadd.s32 $0x8800, s5;
	[dreg:$0x15] =	wrdreg s17  }
0x1b: {  	s19 =	sadd.s32 $0x9000, s5;
	[dreg:$0x16] =	wrdreg s18  }
0x1c: {  	s20 =	sadd.s32 $0x9800, s5;
	[dreg:$0x17] =	wrdreg s19  }
0x1d: {  	s21 =	sadd.s32 $0xA000, s5;
	[dreg:$0x18] =	wrdreg s20  }
0x1e: {  	s22 =	sadd.s32 $0xA800, s5;
	[dreg:$0x19] =	wrdreg s21  }
0x1f: {  	s23 =	sadd.s32 $0xB000, s5;
	[dreg:$0x1a] =	wrdreg s22  }
0x20: {  	s25 =	sadd.s32 $0xB800, s5;
	[dreg:$0x1b] =	wrdreg s23  }
0x21: {  	[dreg:$0x1c] =	wrdreg s25;
	s26 =	sadd.s32 $0xC000, s5  }
0x22: {  	s30 =	sadd.s32 $0xC800, s5;
	[dreg:$0x1d] =	wrdreg s26  }
0x23: {  	s31 =	sadd.s32 $0xD000, s5;
	[dreg:$0x1e] =	wrdreg s30  }
0x24: {  	s6 =	sadd.s32 $0xD800, s5;
	[dreg:$0x1f] =	wrdreg s31  }
0x25: {  	s7 =	sadd.s32 $0xE000, s5;
	[smem:$0x7BE] =	sst s6  }
0x26: {  	s8 =	sadd.s32 $0xE800, s5;
	[smem:$0x7BF] =	sst s7  }
0x27: {  	s9 =	sadd.s32 $0xF000, s5;
	[smem:$0x7C0] =	sst s8  }
0x28: {  	s10 =	sadd.s32 $0xF800, s5;
	[smem:$0x7C1] =	sst s9  }
0x29: {  	s11 =	sadd.s32 $0x10000, s5;
	[smem:$0x7C2] =	sst s10  }
0x2a: {  	s12 =	sadd.s32 $0x10800, s5;
	[smem:$0x7C3] =	sst s11  }
0x2b: {  	s13 =	sadd.s32 $0x11000, s5;
	[smem:$0x7C4] =	sst s12  }
0x2c: {  	s14 =	sadd.s32 $0x11800, s5;
	[smem:$0x7C5] =	sst s13  }
0x2d: {  	s15 =	sadd.s32 $0x12000, s5;
	[smem:$0x7C6] =	sst s14  }
0x2e: {  	s16 =	sadd.s32 $0x12800, s5;
	[smem:$0x7C7] =	sst s15  }
0x2f: {  	s17 =	sadd.s32 $0x13000, s5;
	[smem:$0x7C8] =	sst s16  }
0x30: {  	s18 =	sadd.s32 $0x13800, s5;
	[smem:$0x7C9] =	sst s17  }
0x31: {  	s19 =	sadd.s32 $0x14000, s5;
	[smem:$0x7CA] =	sst s18  }
0x32: {  	s20 =	sadd.s32 $0x14800, s5;
	[smem:$0x7CB] =	sst s19  }
0x33: {  	s21 =	sadd.s32 $0x15000, s5;
	[smem:$0x7CC] =	sst s20  }
0x34: {  	s22 =	sadd.s32 $0x15800, s5;
	[smem:$0x7CD] =	sst s21  }
0x35: {  	s23 =	sadd.s32 $0x16000, s5;
	[smem:$0x7CE] =	sst s22  }
0x36: {  	s25 =	sadd.s32 $0x16800, s5;
	[smem:$0x7CF] =	sst s23  }
0x37: {  	[smem:$0x7D0] =	sst s25;
	s26 =	sadd.s32 $0x17000, s5  }
0x38: {  	s30 =	sadd.s32 $0x17800, s5;
	[smem:$0x7D1] =	sst s26  }
0x39: {  	s31 =	sadd.s32 $0x18000, s5;
	[smem:$0x7D2] =	sst s30  }
0x3a: {  	s5 =	sadd.s32 $0x18800, s5;
	[smem:$0x7D3] =	sst s31  }
0x3b: {  	s6 =	simm.s32 $0x8200;
	[smem:$0x7D4] =	sst s5  }
0x3c: {  	s7 =	simm.s32 $0x8400;
	[smem:$0x7D5] =	sst s6  }
0x3d: {  	s8 =	simm.s32 $0x8600;
	[smem:$0x7D6] =	sst s7  }
0x3e: {  	s9 =	simm.s32 $0x8800;
	[smem:$0x7D7] =	sst s8  }
0x3f: {  	s10 =	simm.s32 $0x8A00;
	[smem:$0x7D8] =	sst s9  }
0x40: {  	s11 =	simm.s32 $0x8C00;
	[smem:$0x7D9] =	sst s10  }
0x41: {  	s12 =	simm.s32 $0x8E00;
	[smem:$0x7DA] =	sst s11  }
0x42: {  	s13 =	simm.s32 $0x9000;
	[smem:$0x7DB] =	sst s12  }
0x43: {  	s14 =	simm.s32 $0x9200;
	[smem:$0x7DC] =	sst s13  }
0x44: {  	s15 =	simm.s32 $0x9400;
	[smem:$0x7DD] =	sst s14  }
0x45: {  	s16 =	simm.s32 $0x9600;
	[smem:$0x7DE] =	sst s15  }
0x46: {  	s17 =	simm.s32 $0x9800;
	[smem:$0x7DF] =	sst s16  }
0x47: {  	s18 =	simm.s32 $0x9A00;
	[smem:$0x7E0] =	sst s17  }
0x48: {  	s19 =	simm.s32 $0x9C00;
	[smem:$0x7E1] =	sst s18  }
0x49: {  	s20 =	simm.s32 $0x9E00;
	[smem:$0x7E2] =	sst s19  }
0x4a: {  	s21 =	simm.s32 $0xA000;
	[smem:$0x7E3] =	sst s20  }
0x4b: {  	s22 =	simm.s32 $0xA200;
	[smem:$0x7E4] =	sst s21  }
0x4c: {  	s23 =	simm.s32 $0xA400;
	[smem:$0x7E5] =	sst s22  }
0x4d: {  	s25 =	simm.s32 $0xA600;
	[smem:$0x7E6] =	sst s23  }
0x4e: {  	[smem:$0x7E7] =	sst s25;
	s26 =	simm.s32 $0xA800  }
0x4f: {  	p1 =	por $0x0, $0x0;
	s30 =	simm.s32 $0xAA00;
	[smem:$0x7E8] =	sst s26  }
0x50: {  	p0 =	sne.s32 s3, $0x0;
	s31 =	simm.s32 $0xAC00;
	[smem:$0x7E9] =	sst s30  }
0x51: {  	s3 =	simm.s32 $0x12400;
	s5 =	simm.s32 $0xAE00;
	[smem:$0x7EA] =	sst s31  }
0x52: {  	s4 =	ssub.s32 $0x2, s4;
	s7 =	simm.s32 $0xB000;
	[smem:$0x7EB] =	sst s5  }
0x53: {  	s28 =	sshrl.u32 @!p0 s2, $0x3;
	s8 =	simm.s32 $0xB200;
	[smem:$0x7EC] =	sst s7  }
0x54: {  	s6 =	sshrl.u32 s4, $0x1;
	s9 =	simm.s32 $0xB400;
	[smem:$0x7ED] =	sst s8  }
0x55: {  	s10 =	simm.s32 $0xB600;
	s25 =	simm.s32 $0x8000;
	[smem:$0x7EE] =	sst s9  }
0x56: {  	s11 =	simm.s32 $0xB800;
	s12 =	simm.s32 $0xBA00;
	[smem:$0x7EF] =	sst s10  }
0x57: {  	s13 =	simm.s32 $0xBC00;
	s14 =	simm.s32 $0xBE00;
	[smem:$0x7F0] =	sst s11  }
0x58: {  	s15 =	simm.s32 $0xC000;
	s17 =	simm.s32 $0xC200;
	[smem:$0x7F1] =	sst s12  }
0x59: {  	s18 =	simm.s32 $0xC400;
	s19 =	simm.s32 $0xC600;
	[smem:$0x7F2] =	sst s13  }
0x5a: {  	s20 =	simm.s32 $0xC800;
	s21 =	simm.s32 $0xCA00;
	[smem:$0x7F3] =	sst s14  }
0x5b: {  	s22 =	simm.s32 $0xCC00;
	s23 =	simm.s32 $0xCE00;
	[smem:$0x7F4] =	sst s15  }
0x5c: {  	s4 =	ssub.s32 s4, s6;
	s26 =	simm.s32 $0x9;
	[smem:$0x7F5] =	sst s17  }
0x5d: {  	s6 =	simm.s32 $0x200;
	s11 =	simm.s32 $0x16400;
	[smem:$0x7F6] =	sst s18  }
0x5e: {  	s8 =	simm.s32 $0x1;
	s10 =	simm.s32 $0x1A400;
	[smem:$0x7F7] =	sst s19  }
0x5f: {  	s9 =	simm.s32 $0x2;
	s5 =	simm.s32 $0x5;
	[smem:$0x7F8] =	sst s20  }
0x60: {  	s15 =	simm.s32 $0x3;
	[smem:$0x7F9] =	sst s21;
	s16 =	smax.u32 s4, $0x1  }
0x61: {  	s7 =	simm.s32 $0x6;
	[smem:$0x7FA] =	sst s22;
	s16 =	sadd.s32 $0xFFFFFFFF, s16  }
0x62: {  	s14 =	simm.s32 $0x4;
	[smem:$0x7FB] =	sst s23;
	p2 =	sne.s32 s16, $0x0  }
.Ltmp0:
0x63: {  	s30 =	simm.s32 $0xD000;
	s12 =	simm.s32 $0x7;
	(pc) =	sbr.rel @!p2 .LBB2_1-.Ltmp0, $4  }
0x64: {  	s31 =	simm.s32 $0xD200;
	s13 =	simm.s32 $0x8;
	s23 =	simm.s32 $0xD400  }
0x65: {  	s22 =	simm.s32 $0xD600;
	s21 =	simm.s32 $0xD800;
	s20 =	simm.s32 $0xDA00  }
0x66: {  	s19 =	simm.s32 $0xDC00;
	s18 =	simm.s32 $0xDE00;
	[smem:$0x7FC] =	sst s30  }
0x67: {  	s17 =	simm.s32 $0xE000;
	s4 =	simm.s32 $0xE400;
	[smem:$0x7FD] =	sst s31  }
0x68: {  	s29 =	simm.s32 @!p0 $0x1C09;
	s30 =	simm.s32 @!p0 $0x9  }
0x69: {  	[spmem:s28], [sflag:s29] =	dma.local @!p0 [hbm:s0], $0x10000  }
0x6a: {  	_ =	swait.ge @!p0 [sflag:s30], $0x10000  }
0x6b: {  	[sflag:s30] =	ssyncset.done @!p0 $0x0  }
0x6c: {  	s0 =	rddreg [dreg:$0x5];
	[sflag:s30] =	ssyncadd.s32 @!p0 $0xFFFF0000  }
0x6d: {  	[tilespmem:s25], [sflag:$0x9] =	stream.linear.gather [hbm4b:s0+s1], $0x6400, $0x38;
	[tilespmem:$0x1E400] =	vst v63  }
0x6e: {  	_ =	swait.ge [sflag:s26], $0x6400  }
0x6f: {  	[sflag:s26] =	ssyncset.done $0x0  }
0x70: {  	[sflag:s26] =	ssyncadd.s32 $0xFFFF9C00  }
0x71: {  	[bflag:$0x0] =	sbarrier.arrive $0xFFFF  }
0x72: {  	s0 =	sld [smem:$0x7D5]  }
0x73: {  	[tilespmem:s4], [sflag:$0x1] =	stream.indirect.gather [spmem:s2], $0x20, s25, s6, $0xb8;
	[tilespmem:$0x1E400] =	vst v63  }
0x74: {  	s31 =	sld [smem:$0x7D6]  }
0x75: {  	[tilespmem:s3], [sflag:$0x2] =	stream.indirect.gather [spmem:s2], $0x20, s0, s6, $0xb8;
	[tilespmem:$0x1E400] =	vst v63  }
0x76: {  	_ = 	snop  }
0x77: {  	[tilespmem:s11], [sflag:$0x3] =	stream.indirect.gather [spmem:s2], $0x20, s31, s6, $0xb8;
	[tilespmem:$0x1E400] =	vst v63  }
0x78: {  	_ =	swait.ge [sflag:s8], $0x4000  }
0x79: {  	[sflag:s8] =	ssyncset.done $0x0  }
0x7a: {  	s0 =	sld [smem:$0x7D7];
	[sflag:s8] =	ssyncadd.s32 $0xFFFFC000  }
0x7b: {  	[hbm4b:s24+s1] =	stream.linear.scatter [tilespmem:s4], [sflag:$0x5], $0x4000, $0x38;
	[tilespmem:$0x1E400] =	vst v63  }
0x7c: {  	_ = 	snop  }
0x7d: {  	[tilespmem:s10], [sflag:$0x4] =	stream.indirect.gather [spmem:s2], $0x20, s0, s6, $0xb8;
	[tilespmem:$0x1E400] =	vst v63  }
0x7e: {  	_ =	swait.ge [sflag:s9], $0x4000  }
0x7f: {  	[sflag:s9] =	ssyncset.done $0x0  }
0x80: {  	s0 =	rddreg [dreg:$0x6];
	[sflag:s9] =	ssyncadd.s32 $0xFFFFC000  }
0x81: {  	[hbm4b:s0+s1] =	stream.linear.scatter [tilespmem:s3], [sflag:$0x6], $0x4000, $0x38;
	[tilespmem:$0x1E400] =	vst v63  }
0x82: {  	_ =	swait.ge [sflag:s5], $0x4000  }
0x83: {  	s0 =	sld [smem:$0x7D8]  }
0x84: {  	[sflag:s5] =	ssyncset.done $0x0  }
0x85: {  	[sflag:s5] =	ssyncadd.s32 $0xFFFFC000  }
0x86: {  	[tilespmem:s4], [sflag:$0x1] =	stream.indirect.gather [spmem:s2], $0x20, s0, s6, $0xb8;
	[tilespmem:$0x1E400] =	vst v63  }
0x87: {  	_ =	swait.ge [sflag:s15], $0x4000  }
0x88: {  	[sflag:s15] =	ssyncset.done $0x0  }
0x89: {  	s0 =	rddreg [dreg:$0x7];
	[sflag:s15] =	ssyncadd.s32 $0xFFFFC000  }
0x8a: {  	[hbm4b:s0+s1] =	stream.linear.scatter [tilespmem:s11], [sflag:$0x7], $0x4000, $0x38;
	[tilespmem:$0x1E400] =	vst v63  }
0x8b: {  	_ =	swait.ge [sflag:s7], $0x4000  }
0x8c: {  	s0 =	sld [smem:$0x7D9]  }
0x8d: {  	[sflag:s7] =	ssyncset.done $0x0  }
0x8e: {  	[sflag:s7] =	ssyncadd.s32 $0xFFFFC000  }
0x8f: {  	[tilespmem:s3], [sflag:$0x2] =	stream.indirect.gather [spmem:s2], $0x20, s0, s6, $0xb8;
	[tilespmem:$0x1E400] =	vst v63  }
0x90: {  	_ =	swait.ge [sflag:s14], $0x4000  }
0x91: {  	[sflag:s14] =	ssyncset.done $0x0  }
0x92: {  	s0 =	rddreg [dreg:$0x8];
	[sflag:s14] =	ssyncadd.s32 $0xFFFFC000  }
0x93: {  	[hbm4b:s0+s1] =	stream.linear.scatter [tilespmem:s10], [sflag:$0x8], $0x4000, $0x38;
	[tilespmem:$0x1E400] =	vst v63  }
0x94: {  	_ =	swait.ge [sflag:s12], $0x4000  }
0x95: {  	s0 =	sld [smem:$0x7DA]  }
0x96: {  	[sflag:s12] =	ssyncset.done $0x0  }
0x97: {  	[sflag:s12] =	ssyncadd.s32 $0xFFFFC000  }
0x98: {  	[tilespmem:s11], [sflag:$0x3] =	stream.indirect.gather [spmem:s2], $0x20, s0, s6, $0xb8;
	[tilespmem:$0x1E400] =	vst v63  }
0x99: {  	_ =	swait.ge [sflag:s8], $0x4000  }
0x9a: {  	[sflag:s8] =	ssyncset.done $0x0  }
0x9b: {  	s0 =	rddreg [dreg:$0x9];
	[sflag:s8] =	ssyncadd.s32 $0xFFFFC000  }
0x9c: {  	[hbm4b:s0+s1] =	stream.linear.scatter [tilespmem:s4], [sflag:$0x5], $0x4000, $0x38;
	[tilespmem:$0x1E400] =	vst v63  }
0x9d: {  	_ =	swait.ge [sflag:s13], $0x4000  }
0x9e: {  	s0 =	sld [smem:$0x7DB]  }
0x9f: {  	[sflag:s13] =	ssyncset.done $0x0  }
0xa0: {  	[sflag:s13] =	ssyncadd.s32 $0xFFFFC000  }
0xa1: {  	[tilespmem:s10], [sflag:$0x4] =	stream.indirect.gather [spmem:s2], $0x20, s0, s6, $0xb8;
	[tilespmem:$0x1E400] =	vst v63  }
0xa2: {  	_ =	swait.ge [sflag:s9], $0x4000  }
0xa3: {  	[sflag:s9] =	ssyncset.done $0x0  }
0xa4: {  	s0 =	rddreg [dreg:$0xa];
	[sflag:s9] =	ssyncadd.s32 $0xFFFFC000  }
0xa5: {  	[hbm4b:s0+s1] =	stream.linear.scatter [tilespmem:s3], [sflag:$0x6], $0x4000, $0x38;
	[tilespmem:$0x1E400] =	vst v63  }
0xa6: {  	_ =	swait.ge [sflag:s5], $0x4000  }
0xa7: {  	s0 =	sld [smem:$0x7DC]  }
0xa8: {  	[sflag:s5] =	ssyncset.done $0x0  }
0xa9: {  	[sflag:s5] =	ssyncadd.s32 $0xFFFFC000  }
0xaa: {  	[tilespmem:s4], [sflag:$0x1] =	stream.indirect.gather [spmem:s2], $0x20, s0, s6, $0xb8;
	[tilespmem:$0x1E400] =	vst v63  }
0xab: {  	_ =	swait.ge [sflag:s15], $0x4000  }
0xac: {  	[sflag:s15] =	ssyncset.done $0x0  }
0xad: {  	s0 =	rddreg [dreg:$0xb];
	[sflag:s15] =	ssyncadd.s32 $0xFFFFC000  }
0xae: {  	[hbm4b:s0+s1] =	stream.linear.scatter [tilespmem:s11], [sflag:$0x7], $0x4000, $0x38;
	[tilespmem:$0x1E400] =	vst v63  }
0xaf: {  	_ =	swait.ge [sflag:s7], $0x4000  }
0xb0: {  	s0 =	sld [smem:$0x7DD]  }
0xb1: {  	[sflag:s7] =	ssyncset.done $0x0  }
0xb2: {  	[sflag:s7] =	ssyncadd.s32 $0xFFFFC000  }
0xb3: {  	[tilespmem:s3], [sflag:$0x2] =	stream.indirect.gather [spmem:s2], $0x20, s0, s6, $0xb8;
	[tilespmem:$0x1E400] =	vst v63  }
0xb4: {  	_ =	swait.ge [sflag:s14], $0x4000  }
0xb5: {  	[sflag:s14] =	ssyncset.done $0x0  }
0xb6: {  	s0 =	rddreg [dreg:$0xc];
	[sflag:s14] =	ssyncadd.s32 $0xFFFFC000  }
0xb7: {  	[hbm4b:s0+s1] =	stream.linear.scatter [tilespmem:s10], [sflag:$0x8], $0x4000, $0x38;
	[tilespmem:$0x1E400] =	vst v63  }
0xb8: {  	_ =	swait.ge [sflag:s12], $0x4000  }
0xb9: {  	s0 =	sld [smem:$0x7DE]  }
0xba: {  	[sflag:s12] =	ssyncset.done $0x0  }
0xbb: {  	[sflag:s12] =	ssyncadd.s32 $0xFFFFC000  }
0xbc: {  	[tilespmem:s11], [sflag:$0x3] =	stream.indirect.gather [spmem:s2], $0x20, s0, s6, $0xb8;
	[tilespmem:$0x1E400] =	vst v63  }
0xbd: {  	_ =	swait.ge [sflag:s8], $0x4000  }
0xbe: {  	[sflag:s8] =	ssyncset.done $0x0  }
0xbf: {  	s0 =	rddreg [dreg:$0xd];
	[sflag:s8] =	ssyncadd.s32 $0xFFFFC000  }
0xc0: {  	[hbm4b:s0+s1] =	stream.linear.scatter [tilespmem:s4], [sflag:$0x5], $0x4000, $0x38;
	[tilespmem:$0x1E400] =	vst v63  }
0xc1: {  	_ =	swait.ge [sflag:s13], $0x4000  }
0xc2: {  	s0 =	sld [smem:$0x7DF]  }
0xc3: {  	[sflag:s13] =	ssyncset.done $0x0  }
0xc4: {  	[sflag:s13] =	ssyncadd.s32 $0xFFFFC000  }
0xc5: {  	[tilespmem:s10], [sflag:$0x4] =	stream.indirect.gather [spmem:s2], $0x20, s0, s6, $0xb8;
	[tilespmem:$0x1E400] =	vst v63  }
0xc6: {  	_ =	swait.ge [sflag:s9], $0x4000  }
0xc7: {  	[sflag:s9] =	ssyncset.done $0x0  }
0xc8: {  	s0 =	rddreg [dreg:$0xe];
	[sflag:s9] =	ssyncadd.s32 $0xFFFFC000  }
0xc9: {  	[hbm4b:s0+s1] =	stream.linear.scatter [tilespmem:s3], [sflag:$0x6], $0x4000, $0x38;
	[tilespmem:$0x1E400] =	vst v63  }
0xca: {  	_ =	swait.ge [sflag:s5], $0x4000  }
0xcb: {  	s0 =	sld [smem:$0x7E0]  }
0xcc: {  	[sflag:s5] =	ssyncset.done $0x0  }
0xcd: {  	[sflag:s5] =	ssyncadd.s32 $0xFFFFC000  }
0xce: {  	[tilespmem:s4], [sflag:$0x1] =	stream.indirect.gather [spmem:s2], $0x20, s0, s6, $0xb8;
	[tilespmem:$0x1E400] =	vst v63  }
0xcf: {  	_ =	swait.ge [sflag:s15], $0x4000  }
0xd0: {  	[sflag:s15] =	ssyncset.done $0x0  }
0xd1: {  	s0 =	rddreg [dreg:$0xf];
	[sflag:s15] =	ssyncadd.s32 $0xFFFFC000  }
0xd2: {  	[hbm4b:s0+s1] =	stream.linear.scatter [tilespmem:s11], [sflag:$0x7], $0x4000, $0x38;
	[tilespmem:$0x1E400] =	vst v63  }
0xd3: {  	_ =	swait.ge [sflag:s7], $0x4000  }
0xd4: {  	s0 =	sld [smem:$0x7E1]  }
0xd5: {  	[sflag:s7] =	ssyncset.done $0x0  }
0xd6: {  	[sflag:s7] =	ssyncadd.s32 $0xFFFFC000  }
0xd7: {  	[tilespmem:s3], [sflag:$0x2] =	stream.indirect.gather [spmem:s2], $0x20, s0, s6, $0xb8;
	[tilespmem:$0x1E400] =	vst v63  }
0xd8: {  	_ =	swait.ge [sflag:s14], $0x4000  }
0xd9: {  	[sflag:s14] =	ssyncset.done $0x0  }
0xda: {  	s0 =	rddreg [dreg:$0x10];
	[sflag:s14] =	ssyncadd.s32 $0xFFFFC000  }
0xdb: {  	[hbm4b:s0+s1] =	stream.linear.scatter [tilespmem:s10], [sflag:$0x8], $0x4000, $0x38;
	[tilespmem:$0x1E400] =	vst v63  }
0xdc: {  	_ =	swait.ge [sflag:s12], $0x4000  }
0xdd: {  	s0 =	sld [smem:$0x7E2]  }
0xde: {  	[sflag:s12] =	ssyncset.done $0x0  }
0xdf: {  	[sflag:s12] =	ssyncadd.s32 $0xFFFFC000  }
0xe0: {  	[tilespmem:s11], [sflag:$0x3] =	stream.indirect.gather [spmem:s2], $0x20, s0, s6, $0xb8;
	[tilespmem:$0x1E400] =	vst v63  }
0xe1: {  	_ =	swait.ge [sflag:s8], $0x4000  }
0xe2: {  	[sflag:s8] =	ssyncset.done $0x0  }
0xe3: {  	s0 =	rddreg [dreg:$0x11];
	[sflag:s8] =	ssyncadd.s32 $0xFFFFC000  }
0xe4: {  	[hbm4b:s0+s1] =	stream.linear.scatter [tilespmem:s4], [sflag:$0x5], $0x4000, $0x38;
	[tilespmem:$0x1E400] =	vst v63  }
0xe5: {  	_ =	swait.ge [sflag:s13], $0x4000  }
0xe6: {  	s0 =	sld [smem:$0x7E3]  }
0xe7: {  	[sflag:s13] =	ssyncset.done $0x0  }
0xe8: {  	[sflag:s13] =	ssyncadd.s32 $0xFFFFC000  }
0xe9: {  	[tilespmem:s10], [sflag:$0x4] =	stream.indirect.gather [spmem:s2], $0x20, s0, s6, $0xb8;
	[tilespmem:$0x1E400] =	vst v63  }
0xea: {  	_ =	swait.ge [sflag:s9], $0x4000  }
0xeb: {  	[sflag:s9] =	ssyncset.done $0x0  }
0xec: {  	s0 =	rddreg [dreg:$0x12];
	[sflag:s9] =	ssyncadd.s32 $0xFFFFC000  }
0xed: {  	[hbm4b:s0+s1] =	stream.linear.scatter [tilespmem:s3], [sflag:$0x6], $0x4000, $0x38;
	[tilespmem:$0x1E400] =	vst v63  }
0xee: {  	_ =	swait.ge [sflag:s5], $0x4000  }
0xef: {  	s0 =	sld [smem:$0x7E4]  }
0xf0: {  	[sflag:s5] =	ssyncset.done $0x0  }
0xf1: {  	[sflag:s5] =	ssyncadd.s32 $0xFFFFC000  }
0xf2: {  	[tilespmem:s4], [sflag:$0x1] =	stream.indirect.gather [spmem:s2], $0x20, s0, s6, $0xb8;
	[tilespmem:$0x1E400] =	vst v63  }
0xf3: {  	_ =	swait.ge [sflag:s15], $0x4000  }
0xf4: {  	[sflag:s15] =	ssyncset.done $0x0  }
0xf5: {  	s0 =	rddreg [dreg:$0x13];
	[sflag:s15] =	ssyncadd.s32 $0xFFFFC000  }
0xf6: {  	[hbm4b:s0+s1] =	stream.linear.scatter [tilespmem:s11], [sflag:$0x7], $0x4000, $0x38;
	[tilespmem:$0x1E400] =	vst v63  }
0xf7: {  	_ =	swait.ge [sflag:s7], $0x4000  }
0xf8: {  	s0 =	sld [smem:$0x7E5]  }
0xf9: {  	[sflag:s7] =	ssyncset.done $0x0  }
0xfa: {  	[sflag:s7] =	ssyncadd.s32 $0xFFFFC000  }
0xfb: {  	[tilespmem:s3], [sflag:$0x2] =	stream.indirect.gather [spmem:s2], $0x20, s0, s6, $0xb8;
	[tilespmem:$0x1E400] =	vst v63  }
0xfc: {  	_ =	swait.ge [sflag:s14], $0x4000  }
0xfd: {  	[sflag:s14] =	ssyncset.done $0x0  }
0xfe: {  	s0 =	rddreg [dreg:$0x14];
	[sflag:s14] =	ssyncadd.s32 $0xFFFFC000  }
0xff: {  	[hbm4b:s0+s1] =	stream.linear.scatter [tilespmem:s10], [sflag:$0x8], $0x4000, $0x38;
	[tilespmem:$0x1E400] =	vst v63  }
0x100: {  	_ =	swait.ge [sflag:s12], $0x4000  }
0x101: {  	s0 =	sld [smem:$0x7E6]  }
0x102: {  	[sflag:s12] =	ssyncset.done $0x0  }
0x103: {  	[sflag:s12] =	ssyncadd.s32 $0xFFFFC000  }
0x104: {  	[tilespmem:s11], [sflag:$0x3] =	stream.indirect.gather [spmem:s2], $0x20, s0, s6, $0xb8;
	[tilespmem:$0x1E400] =	vst v63  }
0x105: {  	_ =	swait.ge [sflag:s8], $0x4000  }
0x106: {  	[sflag:s8] =	ssyncset.done $0x0  }
0x107: {  	s0 =	rddreg [dreg:$0x15];
	[sflag:s8] =	ssyncadd.s32 $0xFFFFC000  }
0x108: {  	[hbm4b:s0+s1] =	stream.linear.scatter [tilespmem:s4], [sflag:$0x5], $0x4000, $0x38;
	[tilespmem:$0x1E400] =	vst v63  }
0x109: {  	_ =	swait.ge [sflag:s13], $0x4000  }
0x10a: {  	s0 =	sld [smem:$0x7E7]  }
0x10b: {  	[sflag:s13] =	ssyncset.done $0x0  }
0x10c: {  	[sflag:s13] =	ssyncadd.s32 $0xFFFFC000  }
0x10d: {  	[tilespmem:s10], [sflag:$0x4] =	stream.indirect.gather [spmem:s2], $0x20, s0, s6, $0xb8;
	[tilespmem:$0x1E400] =	vst v63  }
0x10e: {  	_ =	swait.ge [sflag:s9], $0x4000  }
0x10f: {  	[sflag:s9] =	ssyncset.done $0x0  }
0x110: {  	s0 =	rddreg [dreg:$0x16];
	[sflag:s9] =	ssyncadd.s32 $0xFFFFC000  }
0x111: {  	[hbm4b:s0+s1] =	stream.linear.scatter [tilespmem:s3], [sflag:$0x6], $0x4000, $0x38;
	[tilespmem:$0x1E400] =	vst v63  }
0x112: {  	_ =	swait.ge [sflag:s5], $0x4000  }
0x113: {  	s0 =	sld [smem:$0x7E8]  }
0x114: {  	[sflag:s5] =	ssyncset.done $0x0  }
0x115: {  	[sflag:s5] =	ssyncadd.s32 $0xFFFFC000  }
0x116: {  	[tilespmem:s4], [sflag:$0x1] =	stream.indirect.gather [spmem:s2], $0x20, s0, s6, $0xb8;
	[tilespmem:$0x1E400] =	vst v63  }
0x117: {  	_ =	swait.ge [sflag:s15], $0x4000  }
0x118: {  	[sflag:s15] =	ssyncset.done $0x0  }
0x119: {  	s0 =	rddreg [dreg:$0x17];
	[sflag:s15] =	ssyncadd.s32 $0xFFFFC000  }
0x11a: {  	[hbm4b:s0+s1] =	stream.linear.scatter [tilespmem:s11], [sflag:$0x7], $0x4000, $0x38;
	[tilespmem:$0x1E400] =	vst v63  }
0x11b: {  	_ =	swait.ge [sflag:s7], $0x4000  }
0x11c: {  	s0 =	sld [smem:$0x7E9]  }
0x11d: {  	[sflag:s7] =	ssyncset.done $0x0  }
0x11e: {  	[sflag:s7] =	ssyncadd.s32 $0xFFFFC000  }
0x11f: {  	[tilespmem:s3], [sflag:$0x2] =	stream.indirect.gather [spmem:s2], $0x20, s0, s6, $0xb8;
	[tilespmem:$0x1E400] =	vst v63  }
0x120: {  	_ =	swait.ge [sflag:s14], $0x4000  }
0x121: {  	[sflag:s14] =	ssyncset.done $0x0  }
0x122: {  	s0 =	rddreg [dreg:$0x18];
	[sflag:s14] =	ssyncadd.s32 $0xFFFFC000  }
0x123: {  	[hbm4b:s0+s1] =	stream.linear.scatter [tilespmem:s10], [sflag:$0x8], $0x4000, $0x38;
	[tilespmem:$0x1E400] =	vst v63  }
0x124: {  	_ =	swait.ge [sflag:s12], $0x4000  }
0x125: {  	s0 =	sld [smem:$0x7EA]  }
0x126: {  	[sflag:s12] =	ssyncset.done $0x0  }
0x127: {  	[sflag:s12] =	ssyncadd.s32 $0xFFFFC000  }
0x128: {  	[tilespmem:s11], [sflag:$0x3] =	stream.indirect.gather [spmem:s2], $0x20, s0, s6, $0xb8;
	[tilespmem:$0x1E400] =	vst v63  }
0x129: {  	_ =	swait.ge [sflag:s8], $0x4000  }
0x12a: {  	[sflag:s8] =	ssyncset.done $0x0  }
0x12b: {  	s0 =	rddreg [dreg:$0x19];
	[sflag:s8] =	ssyncadd.s32 $0xFFFFC000  }
0x12c: {  	[hbm4b:s0+s1] =	stream.linear.scatter [tilespmem:s4], [sflag:$0x5], $0x4000, $0x38;
	[tilespmem:$0x1E400] =	vst v63  }
0x12d: {  	_ =	swait.ge [sflag:s13], $0x4000  }
0x12e: {  	s0 =	sld [smem:$0x7EB]  }
0x12f: {  	[sflag:s13] =	ssyncset.done $0x0  }
0x130: {  	[sflag:s13] =	ssyncadd.s32 $0xFFFFC000  }
0x131: {  	[tilespmem:s10], [sflag:$0x4] =	stream.indirect.gather [spmem:s2], $0x20, s0, s6, $0xb8;
	[tilespmem:$0x1E400] =	vst v63  }
0x132: {  	_ =	swait.ge [sflag:s9], $0x4000  }
0x133: {  	[sflag:s9] =	ssyncset.done $0x0  }
0x134: {  	s0 =	rddreg [dreg:$0x1a];
	[sflag:s9] =	ssyncadd.s32 $0xFFFFC000  }
0x135: {  	[hbm4b:s0+s1] =	stream.linear.scatter [tilespmem:s3], [sflag:$0x6], $0x4000, $0x38;
	[tilespmem:$0x1E400] =	vst v63  }
0x136: {  	_ =	swait.ge [sflag:s5], $0x4000  }
0x137: {  	s0 =	sld [smem:$0x7EC]  }
0x138: {  	[sflag:s5] =	ssyncset.done $0x0  }
0x139: {  	[sflag:s5] =	ssyncadd.s32 $0xFFFFC000  }
0x13a: {  	[tilespmem:s4], [sflag:$0x1] =	stream.indirect.gather [spmem:s2], $0x20, s0, s6, $0xb8;
	[tilespmem:$0x1E400] =	vst v63  }
0x13b: {  	_ =	swait.ge [sflag:s15], $0x4000  }
0x13c: {  	[sflag:s15] =	ssyncset.done $0x0  }
0x13d: {  	s0 =	rddreg [dreg:$0x1b];
	[sflag:s15] =	ssyncadd.s32 $0xFFFFC000  }
0x13e: {  	[hbm4b:s0+s1] =	stream.linear.scatter [tilespmem:s11], [sflag:$0x7], $0x4000, $0x38;
	[tilespmem:$0x1E400] =	vst v63  }
0x13f: {  	_ =	swait.ge [sflag:s7], $0x4000  }
0x140: {  	s0 =	sld [smem:$0x7ED]  }
0x141: {  	[sflag:s7] =	ssyncset.done $0x0  }
0x142: {  	[sflag:s7] =	ssyncadd.s32 $0xFFFFC000  }
0x143: {  	[tilespmem:s3], [sflag:$0x2] =	stream.indirect.gather [spmem:s2], $0x20, s0, s6, $0xb8;
	[tilespmem:$0x1E400] =	vst v63  }
0x144: {  	_ =	swait.ge [sflag:s14], $0x4000  }
0x145: {  	[sflag:s14] =	ssyncset.done $0x0  }
0x146: {  	s0 =	rddreg [dreg:$0x1c];
	[sflag:s14] =	ssyncadd.s32 $0xFFFFC000  }
0x147: {  	[hbm4b:s0+s1] =	stream.linear.scatter [tilespmem:s10], [sflag:$0x8], $0x4000, $0x38;
	[tilespmem:$0x1E400] =	vst v63  }
0x148: {  	_ =	swait.ge [sflag:s12], $0x4000  }
0x149: {  	s0 =	sld [smem:$0x7EE]  }
0x14a: {  	[sflag:s12] =	ssyncset.done $0x0  }
0x14b: {  	[sflag:s12] =	ssyncadd.s32 $0xFFFFC000  }
0x14c: {  	[tilespmem:s11], [sflag:$0x3] =	stream.indirect.gather [spmem:s2], $0x20, s0, s6, $0xb8;
	[tilespmem:$0x1E400] =	vst v63  }
0x14d: {  	_ =	swait.ge [sflag:s8], $0x4000  }
0x14e: {  	[sflag:s8] =	ssyncset.done $0x0  }
0x14f: {  	s0 =	rddreg [dreg:$0x1d];
	[sflag:s8] =	ssyncadd.s32 $0xFFFFC000  }
0x150: {  	[hbm4b:s0+s1] =	stream.linear.scatter [tilespmem:s4], [sflag:$0x5], $0x4000, $0x38;
	[tilespmem:$0x1E400] =	vst v63  }
0x151: {  	_ =	swait.ge [sflag:s13], $0x4000  }
0x152: {  	s0 =	sld [smem:$0x7EF]  }
0x153: {  	[sflag:s13] =	ssyncset.done $0x0  }
0x154: {  	[sflag:s13] =	ssyncadd.s32 $0xFFFFC000  }
0x155: {  	[tilespmem:s10], [sflag:$0x4] =	stream.indirect.gather [spmem:s2], $0x20, s0, s6, $0xb8;
	[tilespmem:$0x1E400] =	vst v63  }
0x156: {  	_ =	swait.ge [sflag:s9], $0x4000  }
0x157: {  	[sflag:s9] =	ssyncset.done $0x0  }
0x158: {  	s0 =	rddreg [dreg:$0x1e];
	[sflag:s9] =	ssyncadd.s32 $0xFFFFC000  }
0x159: {  	[hbm4b:s0+s1] =	stream.linear.scatter [tilespmem:s3], [sflag:$0x6], $0x4000, $0x38;
	[tilespmem:$0x1E400] =	vst v63  }
0x15a: {  	_ =	swait.ge [sflag:s5], $0x4000  }
0x15b: {  	s0 =	sld [smem:$0x7F0]  }
0x15c: {  	[sflag:s5] =	ssyncset.done $0x0  }
0x15d: {  	[sflag:s5] =	ssyncadd.s32 $0xFFFFC000  }
0x15e: {  	[tilespmem:s4], [sflag:$0x1] =	stream.indirect.gather [spmem:s2], $0x20, s0, s6, $0xb8;
	[tilespmem:$0x1E400] =	vst v63  }
0x15f: {  	_ =	swait.ge [sflag:s15], $0x4000  }
0x160: {  	[sflag:s15] =	ssyncset.done $0x0  }
0x161: {  	s0 =	rddreg [dreg:$0x1f];
	[sflag:s15] =	ssyncadd.s32 $0xFFFFC000  }
0x162: {  	[hbm4b:s0+s1] =	stream.linear.scatter [tilespmem:s11], [sflag:$0x7], $0x4000, $0x38;
	[tilespmem:$0x1E400] =	vst v63  }
0x163: {  	_ =	swait.ge [sflag:s7], $0x4000  }
0x164: {  	s0 =	sld [smem:$0x7F1]  }
0x165: {  	[sflag:s7] =	ssyncset.done $0x0  }
0x166: {  	[sflag:s7] =	ssyncadd.s32 $0xFFFFC000  }
0x167: {  	[tilespmem:s3], [sflag:$0x2] =	stream.indirect.gather [spmem:s2], $0x20, s0, s6, $0xb8;
	[tilespmem:$0x1E400] =	vst v63  }
0x168: {  	_ =	swait.ge [sflag:s14], $0x4000  }
0x169: {  	s0 =	sld [smem:$0x7BE]  }
0x16a: {  	[sflag:s14] =	ssyncset.done $0x0  }
0x16b: {  	[sflag:s14] =	ssyncadd.s32 $0xFFFFC000  }
0x16c: {  	[hbm4b:s0+s1] =	stream.linear.scatter [tilespmem:s10], [sflag:$0x8], $0x4000, $0x38;
	[tilespmem:$0x1E400] =	vst v63  }
0x16d: {  	_ =	swait.ge [sflag:s12], $0x4000  }
0x16e: {  	s0 =	sld [smem:$0x7F2]  }
0x16f: {  	[sflag:s12] =	ssyncset.done $0x0  }
0x170: {  	[sflag:s12] =	ssyncadd.s32 $0xFFFFC000  }
0x171: {  	[tilespmem:s11], [sflag:$0x3] =	stream.indirect.gather [spmem:s2], $0x20, s0, s6, $0xb8;
	[tilespmem:$0x1E400] =	vst v63  }
0x172: {  	_ =	swait.ge [sflag:s8], $0x4000  }
0x173: {  	s0 =	sld [smem:$0x7BF]  }
0x174: {  	[sflag:s8] =	ssyncset.done $0x0  }
0x175: {  	[sflag:s8] =	ssyncadd.s32 $0xFFFFC000  }
0x176: {  	[hbm4b:s0+s1] =	stream.linear.scatter [tilespmem:s4], [sflag:$0x5], $0x4000, $0x38;
	[tilespmem:$0x1E400] =	vst v63  }
0x177: {  	_ =	swait.ge [sflag:s13], $0x4000  }
0x178: {  	s0 =	sld [smem:$0x7F3]  }
0x179: {  	[sflag:s13] =	ssyncset.done $0x0  }
0x17a: {  	[sflag:s13] =	ssyncadd.s32 $0xFFFFC000  }
0x17b: {  	[tilespmem:s10], [sflag:$0x4] =	stream.indirect.gather [spmem:s2], $0x20, s0, s6, $0xb8;
	[tilespmem:$0x1E400] =	vst v63  }
0x17c: {  	_ =	swait.ge [sflag:s9], $0x4000  }
0x17d: {  	s0 =	sld [smem:$0x7C0]  }
0x17e: {  	[sflag:s9] =	ssyncset.done $0x0  }
0x17f: {  	[sflag:s9] =	ssyncadd.s32 $0xFFFFC000  }
0x180: {  	[hbm4b:s0+s1] =	stream.linear.scatter [tilespmem:s3], [sflag:$0x6], $0x4000, $0x38;
	[tilespmem:$0x1E400] =	vst v63  }
0x181: {  	_ =	swait.ge [sflag:s5], $0x4000  }
0x182: {  	s0 =	sld [smem:$0x7F4]  }
0x183: {  	[sflag:s5] =	ssyncset.done $0x0  }
0x184: {  	[sflag:s5] =	ssyncadd.s32 $0xFFFFC000  }
0x185: {  	[tilespmem:s4], [sflag:$0x1] =	stream.indirect.gather [spmem:s2], $0x20, s0, s6, $0xb8;
	[tilespmem:$0x1E400] =	vst v63  }
0x186: {  	_ =	swait.ge [sflag:s15], $0x4000  }
0x187: {  	s0 =	sld [smem:$0x7C1]  }
0x188: {  	[sflag:s15] =	ssyncset.done $0x0  }
0x189: {  	[sflag:s15] =	ssyncadd.s32 $0xFFFFC000  }
0x18a: {  	[hbm4b:s0+s1] =	stream.linear.scatter [tilespmem:s11], [sflag:$0x7], $0x4000, $0x38;
	[tilespmem:$0x1E400] =	vst v63  }
0x18b: {  	_ =	swait.ge [sflag:s7], $0x4000  }
0x18c: {  	s0 =	sld [smem:$0x7F5]  }
0x18d: {  	[sflag:s7] =	ssyncset.done $0x0  }
0x18e: {  	[sflag:s7] =	ssyncadd.s32 $0xFFFFC000  }
0x18f: {  	[tilespmem:s3], [sflag:$0x2] =	stream.indirect.gather [spmem:s2], $0x20, s0, s6, $0xb8;
	[tilespmem:$0x1E400] =	vst v63  }
0x190: {  	_ =	swait.ge [sflag:s14], $0x4000  }
0x191: {  	s0 =	sld [smem:$0x7C2]  }
0x192: {  	[sflag:s14] =	ssyncset.done $0x0  }
0x193: {  	[sflag:s14] =	ssyncadd.s32 $0xFFFFC000  }
0x194: {  	[hbm4b:s0+s1] =	stream.linear.scatter [tilespmem:s10], [sflag:$0x8], $0x4000, $0x38;
	[tilespmem:$0x1E400] =	vst v63  }
0x195: {  	_ =	swait.ge [sflag:s12], $0x4000  }
0x196: {  	s0 =	sld [smem:$0x7F6]  }
0x197: {  	[sflag:s12] =	ssyncset.done $0x0  }
0x198: {  	[sflag:s12] =	ssyncadd.s32 $0xFFFFC000  }
0x199: {  	[tilespmem:s11], [sflag:$0x3] =	stream.indirect.gather [spmem:s2], $0x20, s0, s6, $0xb8;
	[tilespmem:$0x1E400] =	vst v63  }
0x19a: {  	_ =	swait.ge [sflag:s8], $0x4000  }
0x19b: {  	s0 =	sld [smem:$0x7C3]  }
0x19c: {  	[sflag:s8] =	ssyncset.done $0x0  }
0x19d: {  	[sflag:s8] =	ssyncadd.s32 $0xFFFFC000  }
0x19e: {  	[hbm4b:s0+s1] =	stream.linear.scatter [tilespmem:s4], [sflag:$0x5], $0x4000, $0x38;
	[tilespmem:$0x1E400] =	vst v63  }
0x19f: {  	_ =	swait.ge [sflag:s13], $0x4000  }
0x1a0: {  	s0 =	sld [smem:$0x7F7]  }
0x1a1: {  	[sflag:s13] =	ssyncset.done $0x0  }
0x1a2: {  	[sflag:s13] =	ssyncadd.s32 $0xFFFFC000  }
0x1a3: {  	[tilespmem:s10], [sflag:$0x4] =	stream.indirect.gather [spmem:s2], $0x20, s0, s6, $0xb8;
	[tilespmem:$0x1E400] =	vst v63  }
0x1a4: {  	_ =	swait.ge [sflag:s9], $0x4000  }
0x1a5: {  	s0 =	sld [smem:$0x7C4]  }
0x1a6: {  	[sflag:s9] =	ssyncset.done $0x0  }
0x1a7: {  	[sflag:s9] =	ssyncadd.s32 $0xFFFFC000  }
0x1a8: {  	[hbm4b:s0+s1] =	stream.linear.scatter [tilespmem:s3], [sflag:$0x6], $0x4000, $0x38;
	[tilespmem:$0x1E400] =	vst v63  }
0x1a9: {  	_ =	swait.ge [sflag:s5], $0x4000  }
0x1aa: {  	s0 =	sld [smem:$0x7F8]  }
0x1ab: {  	[sflag:s5] =	ssyncset.done $0x0  }
0x1ac: {  	[sflag:s5] =	ssyncadd.s32 $0xFFFFC000  }
0x1ad: {  	[tilespmem:s4], [sflag:$0x1] =	stream.indirect.gather [spmem:s2], $0x20, s0, s6, $0xb8;
	[tilespmem:$0x1E400] =	vst v63  }
0x1ae: {  	_ =	swait.ge [sflag:s15], $0x4000  }
0x1af: {  	s0 =	sld [smem:$0x7C5]  }
0x1b0: {  	[sflag:s15] =	ssyncset.done $0x0  }
0x1b1: {  	[sflag:s15] =	ssyncadd.s32 $0xFFFFC000  }
0x1b2: {  	[hbm4b:s0+s1] =	stream.linear.scatter [tilespmem:s11], [sflag:$0x7], $0x4000, $0x38;
	[tilespmem:$0x1E400] =	vst v63  }
0x1b3: {  	_ =	swait.ge [sflag:s7], $0x4000  }
0x1b4: {  	s0 =	sld [smem:$0x7F9]  }
0x1b5: {  	[sflag:s7] =	ssyncset.done $0x0  }
0x1b6: {  	[sflag:s7] =	ssyncadd.s32 $0xFFFFC000  }
0x1b7: {  	[tilespmem:s3], [sflag:$0x2] =	stream.indirect.gather [spmem:s2], $0x20, s0, s6, $0xb8;
	[tilespmem:$0x1E400] =	vst v63  }
0x1b8: {  	_ =	swait.ge [sflag:s14], $0x4000  }
0x1b9: {  	s0 =	sld [smem:$0x7C6]  }
0x1ba: {  	[sflag:s14] =	ssyncset.done $0x0  }
0x1bb: {  	[sflag:s14] =	ssyncadd.s32 $0xFFFFC000  }
0x1bc: {  	[hbm4b:s0+s1] =	stream.linear.scatter [tilespmem:s10], [sflag:$0x8], $0x4000, $0x38;
	[tilespmem:$0x1E400] =	vst v63  }
0x1bd: {  	_ =	swait.ge [sflag:s12], $0x4000  }
0x1be: {  	s0 =	sld [smem:$0x7FA]  }
0x1bf: {  	[sflag:s12] =	ssyncset.done $0x0  }
0x1c0: {  	[sflag:s12] =	ssyncadd.s32 $0xFFFFC000  }
0x1c1: {  	[tilespmem:s11], [sflag:$0x3] =	stream.indirect.gather [spmem:s2], $0x20, s0, s6, $0xb8;
	[tilespmem:$0x1E400] =	vst v63  }
0x1c2: {  	_ =	swait.ge [sflag:s8], $0x4000  }
0x1c3: {  	s0 =	sld [smem:$0x7C7]  }
0x1c4: {  	[sflag:s8] =	ssyncset.done $0x0  }
0x1c5: {  	[sflag:s8] =	ssyncadd.s32 $0xFFFFC000  }
0x1c6: {  	[hbm4b:s0+s1] =	stream.linear.scatter [tilespmem:s4], [sflag:$0x5], $0x4000, $0x38;
	[tilespmem:$0x1E400] =	vst v63  }
0x1c7: {  	_ =	swait.ge [sflag:s13], $0x4000  }
0x1c8: {  	s0 =	sld [smem:$0x7FB]  }
0x1c9: {  	[sflag:s13] =	ssyncset.done $0x0  }
0x1ca: {  	[sflag:s13] =	ssyncadd.s32 $0xFFFFC000  }
0x1cb: {  	[tilespmem:s10], [sflag:$0x4] =	stream.indirect.gather [spmem:s2], $0x20, s0, s6, $0xb8;
	[tilespmem:$0x1E400] =	vst v63  }
0x1cc: {  	_ =	swait.ge [sflag:s9], $0x4000  }
0x1cd: {  	s0 =	sld [smem:$0x7C8]  }
0x1ce: {  	[sflag:s9] =	ssyncset.done $0x0  }
0x1cf: {  	[sflag:s9] =	ssyncadd.s32 $0xFFFFC000  }
0x1d0: {  	[hbm4b:s0+s1] =	stream.linear.scatter [tilespmem:s3], [sflag:$0x6], $0x4000, $0x38;
	[tilespmem:$0x1E400] =	vst v63  }
0x1d1: {  	_ =	swait.ge [sflag:s5], $0x4000  }
0x1d2: {  	s0 =	sld [smem:$0x7FC]  }
0x1d3: {  	[sflag:s5] =	ssyncset.done $0x0  }
0x1d4: {  	[sflag:s5] =	ssyncadd.s32 $0xFFFFC000  }
0x1d5: {  	[tilespmem:s4], [sflag:$0x1] =	stream.indirect.gather [spmem:s2], $0x20, s0, s6, $0xb8;
	[tilespmem:$0x1E400] =	vst v63  }
0x1d6: {  	_ =	swait.ge [sflag:s15], $0x4000  }
0x1d7: {  	s0 =	sld [smem:$0x7C9]  }
0x1d8: {  	[sflag:s15] =	ssyncset.done $0x0  }
0x1d9: {  	[sflag:s15] =	ssyncadd.s32 $0xFFFFC000  }
0x1da: {  	[hbm4b:s0+s1] =	stream.linear.scatter [tilespmem:s11], [sflag:$0x7], $0x4000, $0x38;
	[tilespmem:$0x1E400] =	vst v63  }
0x1db: {  	_ =	swait.ge [sflag:s7], $0x4000  }
0x1dc: {  	s0 =	sld [smem:$0x7FD]  }
0x1dd: {  	[sflag:s7] =	ssyncset.done $0x0  }
0x1de: {  	[sflag:s7] =	ssyncadd.s32 $0xFFFFC000  }
0x1df: {  	[tilespmem:s3], [sflag:$0x2] =	stream.indirect.gather [spmem:s2], $0x20, s0, s6, $0xb8;
	[tilespmem:$0x1E400] =	vst v63  }
0x1e0: {  	_ =	swait.ge [sflag:s14], $0x4000  }
0x1e1: {  	s0 =	sld [smem:$0x7CA]  }
0x1e2: {  	[sflag:s14] =	ssyncset.done $0x0  }
0x1e3: {  	[sflag:s14] =	ssyncadd.s32 $0xFFFFC000  }
0x1e4: {  	[hbm4b:s0+s1] =	stream.linear.scatter [tilespmem:s10], [sflag:$0x8], $0x4000, $0x38;
	[tilespmem:$0x1E400] =	vst v63  }
0x1e5: {  	_ =	swait.ge [sflag:s12], $0x4000  }
0x1e6: {  	[sflag:s12] =	ssyncset.done $0x0  }
0x1e7: {  	[sflag:s12] =	ssyncadd.s32 $0xFFFFC000  }
0x1e8: {  	[tilespmem:s11], [sflag:$0x3] =	stream.indirect.gather [spmem:s2], $0x20, s23, s6, $0xb8;
	[tilespmem:$0x1E400] =	vst v63  }
0x1e9: {  	_ =	swait.ge [sflag:s8], $0x4000  }
0x1ea: {  	s0 =	sld [smem:$0x7CB]  }
0x1eb: {  	[sflag:s8] =	ssyncset.done $0x0  }
0x1ec: {  	[sflag:s8] =	ssyncadd.s32 $0xFFFFC000  }
0x1ed: {  	[hbm4b:s0+s1] =	stream.linear.scatter [tilespmem:s4], [sflag:$0x5], $0x4000, $0x38;
	[tilespmem:$0x1E400] =	vst v63  }
0x1ee: {  	_ =	swait.ge [sflag:s13], $0x4000  }
0x1ef: {  	[sflag:s13] =	ssyncset.done $0x0  }
0x1f0: {  	[sflag:s13] =	ssyncadd.s32 $0xFFFFC000  }
0x1f1: {  	[tilespmem:s10], [sflag:$0x4] =	stream.indirect.gather [spmem:s2], $0x20, s22, s6, $0xb8;
	[tilespmem:$0x1E400] =	vst v63  }
0x1f2: {  	_ =	swait.ge [sflag:s9], $0x4000  }
0x1f3: {  	s0 =	sld [smem:$0x7CC]  }
0x1f4: {  	[sflag:s9] =	ssyncset.done $0x0  }
0x1f5: {  	[sflag:s9] =	ssyncadd.s32 $0xFFFFC000  }
0x1f6: {  	[hbm4b:s0+s1] =	stream.linear.scatter [tilespmem:s3], [sflag:$0x6], $0x4000, $0x38;
	[tilespmem:$0x1E400] =	vst v63  }
0x1f7: {  	_ =	swait.ge [sflag:s5], $0x4000  }
0x1f8: {  	[sflag:s5] =	ssyncset.done $0x0  }
0x1f9: {  	[sflag:s5] =	ssyncadd.s32 $0xFFFFC000  }
0x1fa: {  	[tilespmem:s4], [sflag:$0x1] =	stream.indirect.gather [spmem:s2], $0x20, s21, s6, $0xb8;
	[tilespmem:$0x1E400] =	vst v63  }
0x1fb: {  	_ =	swait.ge [sflag:s15], $0x4000  }
0x1fc: {  	s0 =	sld [smem:$0x7CD]  }
0x1fd: {  	[sflag:s15] =	ssyncset.done $0x0  }
0x1fe: {  	[sflag:s15] =	ssyncadd.s32 $0xFFFFC000  }
0x1ff: {  	[hbm4b:s0+s1] =	stream.linear.scatter [tilespmem:s11], [sflag:$0x7], $0x4000, $0x38;
	[tilespmem:$0x1E400] =	vst v63  }
0x200: {  	_ =	swait.ge [sflag:s7], $0x4000  }
0x201: {  	[sflag:s7] =	ssyncset.done $0x0  }
0x202: {  	[sflag:s7] =	ssyncadd.s32 $0xFFFFC000  }
0x203: {  	[tilespmem:s3], [sflag:$0x2] =	stream.indirect.gather [spmem:s2], $0x20, s20, s6, $0xb8;
	[tilespmem:$0x1E400] =	vst v63  }
0x204: {  	_ =	swait.ge [sflag:s14], $0x4000  }
0x205: {  	s0 =	sld [smem:$0x7CE]  }
0x206: {  	[sflag:s14] =	ssyncset.done $0x0  }
0x207: {  	[sflag:s14] =	ssyncadd.s32 $0xFFFFC000  }
0x208: {  	[hbm4b:s0+s1] =	stream.linear.scatter [tilespmem:s10], [sflag:$0x8], $0x4000, $0x38;
	[tilespmem:$0x1E400] =	vst v63  }
0x209: {  	_ =	swait.ge [sflag:s12], $0x4000  }
0x20a: {  	[sflag:s12] =	ssyncset.done $0x0  }
0x20b: {  	[sflag:s12] =	ssyncadd.s32 $0xFFFFC000  }
0x20c: {  	[tilespmem:s11], [sflag:$0x3] =	stream.indirect.gather [spmem:s2], $0x20, s19, s6, $0xb8;
	[tilespmem:$0x1E400] =	vst v63  }
0x20d: {  	_ =	swait.ge [sflag:s8], $0x4000  }
0x20e: {  	s0 =	sld [smem:$0x7CF]  }
0x20f: {  	[sflag:s8] =	ssyncset.done $0x0  }
0x210: {  	[sflag:s8] =	ssyncadd.s32 $0xFFFFC000  }
0x211: {  	[hbm4b:s0+s1] =	stream.linear.scatter [tilespmem:s4], [sflag:$0x5], $0x4000, $0x38;
	[tilespmem:$0x1E400] =	vst v63  }
0x212: {  	_ =	swait.ge [sflag:s13], $0x4000  }
0x213: {  	[sflag:s13] =	ssyncset.done $0x0  }
0x214: {  	[sflag:s13] =	ssyncadd.s32 $0xFFFFC000  }
0x215: {  	[tilespmem:s10], [sflag:$0x4] =	stream.indirect.gather [spmem:s2], $0x20, s18, s6, $0xb8;
	[tilespmem:$0x1E400] =	vst v63  }
0x216: {  	_ =	swait.ge [sflag:s9], $0x4000  }
0x217: {  	s0 =	sld [smem:$0x7D0]  }
0x218: {  	[sflag:s9] =	ssyncset.done $0x0  }
0x219: {  	[sflag:s9] =	ssyncadd.s32 $0xFFFFC000  }
0x21a: {  	[hbm4b:s0+s1] =	stream.linear.scatter [tilespmem:s3], [sflag:$0x6], $0x4000, $0x38;
	[tilespmem:$0x1E400] =	vst v63  }
0x21b: {  	_ =	swait.ge [sflag:s5], $0x4000  }
0x21c: {  	[sflag:s5] =	ssyncset.done $0x0  }
0x21d: {  	[sflag:s5] =	ssyncadd.s32 $0xFFFFC000  }
0x21e: {  	[tilespmem:s4], [sflag:$0x1] =	stream.indirect.gather [spmem:s2], $0x20, s17, s6, $0xb8;
	[tilespmem:$0x1E400] =	vst v63  }
0x21f: {  	_ =	swait.ge [sflag:s15], $0x4000  }
0x220: {  	s0 =	sld [smem:$0x7D1]  }
0x221: {  	[sflag:s15] =	ssyncset.done $0x0  }
0x222: {  	[sflag:s15] =	ssyncadd.s32 $0xFFFFC000  }
0x223: {  	[hbm4b:s0+s1] =	stream.linear.scatter [tilespmem:s11], [sflag:$0x7], $0x4000, $0x38;
	[tilespmem:$0x1E400] =	vst v63  }
0x224: {  	_ =	swait.ge [sflag:s7], $0x4000  }
0x225: {  	[sflag:s7] =	ssyncset.done $0x0  }
0x226: {  	s0 =	simm.s32 $0xE200;
	[sflag:s7] =	ssyncadd.s32 $0xFFFFC000  }
0x227: {  	[tilespmem:s3], [sflag:$0x2] =	stream.indirect.gather [spmem:s2], $0x20, s0, s6, $0xb8;
	[tilespmem:$0x1E400] =	vst v63  }
0x228: {  	_ =	swait.ge [sflag:s14], $0x4000  }
0x229: {  	s0 =	sld [smem:$0x7D2]  }
0x22a: {  	[sflag:s14] =	ssyncset.done $0x0  }
0x22b: {  	[sflag:s14] =	ssyncadd.s32 $0xFFFFC000  }
0x22c: {  	[hbm4b:s0+s1] =	stream.linear.scatter [tilespmem:s10], [sflag:$0x8], $0x4000, $0x38;
	[tilespmem:$0x1E400] =	vst v63  }
0x22d: {  	_ =	swait.ge [sflag:s8], $0x4000  }
0x22e: {  	s0 =	sld [smem:$0x7D3]  }
0x22f: {  	[sflag:s8] =	ssyncset.done $0x0  }
0x230: {  	[sflag:s8] =	ssyncadd.s32 $0xFFFFC000  }
0x231: {  	[hbm4b:s0+s1] =	stream.linear.scatter [tilespmem:s4], [sflag:$0x5], $0x4000, $0x38;
	[tilespmem:$0x1E400] =	vst v63  }
0x232: {  	_ =	swait.ge [sflag:s9], $0x4000  }
0x233: {  	s0 =	sld [smem:$0x7D4]  }
0x234: {  	[sflag:s9] =	ssyncset.done $0x0  }
0x235: {  	[sflag:s9] =	ssyncadd.s32 $0xFFFFC000  }
0x236: {  	[hbm4b:s0+s1] =	stream.linear.scatter [tilespmem:s3], [sflag:$0x6], $0x4000, $0x38;
	[tilespmem:$0x1E400] =	vst v63  }
0x237: {  	_ =	swait.ge [sflag:s12], $0x4000  }
0x238: {  	[sflag:s12] =	ssyncset.done $0x0  }
0x239: {  	[sflag:s12] =	ssyncadd.s32 $0xFFFFC000  }
0x23a: {  	_ =	swait.ge [sflag:s13], $0x4000  }
0x23b: {  	s31 =	sadd.s32 $0xFFFFFFFF, s16;
	[sflag:s13] =	ssyncset.done $0x0  }
0x23c: {  	p2 =	sne.s32 s31, $0x0;
	[sflag:s13] =	ssyncadd.s32 $0xFFFFC000  }
.Ltmp1:
0x23d: {  	_ =	swait.ge [sflag:s5], $0x4000;
	(pc) =	sbr.rel @!p2 .LBB2_3-.Ltmp1, $4  }
0x23e: {  	[sflag:s5] =	ssyncset.done $0x0  }
0x23f: {  	[sflag:s5] =	ssyncadd.s32 $0xFFFFC000  }
0x240: {  	_ =	swait.ge [sflag:s7], $0x4000  }
0x241: {  	p1 =	por $0x1, $0x1;
	s0 =	rddreg [dreg:$0x4];
	[sflag:s7] =	ssyncset.done $0x0  }
.LBB2_4:
0x242: {  	[sflag:s7] =	ssyncadd.s32 $0xFFFFC000  }
0x243: {  	[spmem:s28], [sflag:s29] =	dma.local @!p0 [hbm:s0], $0x10000  }
0x244: {  	_ =	swait.ge @!p0 [sflag:s30], $0x10000  }
0x245: {  	[sflag:s30] =	ssyncset.done @!p0 $0x0  }
0x246: {  	s16 =	rddreg [dreg:$0x5];
	[sflag:s30] =	ssyncadd.s32 @!p0 $0xFFFF0000  }
0x247: {  	[tilespmem:s25], [sflag:$0x9] =	stream.linear.gather [hbm4b:s16+s1], $0x6400, $0x38;
	[tilespmem:$0x1E400] =	vst v63  }
0x248: {  	_ =	swait.ge [sflag:s26], $0x6400  }
0x249: {  	[sflag:s26] =	ssyncset.done $0x0  }
0x24a: {  	[sflag:s26] =	ssyncadd.s32 $0xFFFF9C00  }
0x24b: {  	[bflag:$0x0] =	sbarrier.arrive $0xFFFF  }
0x24c: {  	s0 =	sld [smem:$0x7D5]  }
0x24d: {  	[tilespmem:s4], [sflag:$0x1] =	stream.indirect.gather [spmem:s2], $0x20, s25, s6, $0xb8;
	[tilespmem:$0x1E400] =	vst v63  }
0x24e: {  	s16 =	sld [smem:$0x7D6]  }
0x24f: {  	[tilespmem:s3], [sflag:$0x2] =	stream.indirect.gather [spmem:s2], $0x20, s0, s6, $0xb8;
	[tilespmem:$0x1E400] =	vst v63  }
0x250: {  	_ = 	snop  }
0x251: {  	[tilespmem:s11], [sflag:$0x3] =	stream.indirect.gather [spmem:s2], $0x20, s16, s6, $0xb8;
	[tilespmem:$0x1E400] =	vst v63  }
0x252: {  	_ =	swait.ge [sflag:s8], $0x4000  }
0x253: {  	[sflag:s8] =	ssyncset.done $0x0  }
0x254: {  	s0 =	sld [smem:$0x7D7];
	[sflag:s8] =	ssyncadd.s32 $0xFFFFC000  }
0x255: {  	[hbm4b:s24+s1] =	stream.linear.scatter [tilespmem:s4], [sflag:$0x5], $0x4000, $0x38;
	[tilespmem:$0x1E400] =	vst v63  }
0x256: {  	_ = 	snop  }
0x257: {  	[tilespmem:s10], [sflag:$0x4] =	stream.indirect.gather [spmem:s2], $0x20, s0, s6, $0xb8;
	[tilespmem:$0x1E400] =	vst v63  }
0x258: {  	_ =	swait.ge [sflag:s9], $0x4000  }
0x259: {  	[sflag:s9] =	ssyncset.done $0x0  }
0x25a: {  	s0 =	rddreg [dreg:$0x6];
	[sflag:s9] =	ssyncadd.s32 $0xFFFFC000  }
0x25b: {  	[hbm4b:s0+s1] =	stream.linear.scatter [tilespmem:s3], [sflag:$0x6], $0x4000, $0x38;
	[tilespmem:$0x1E400] =	vst v63  }
0x25c: {  	_ =	swait.ge [sflag:s5], $0x4000  }
0x25d: {  	s0 =	sld [smem:$0x7D8]  }
0x25e: {  	[sflag:s5] =	ssyncset.done $0x0  }
0x25f: {  	[sflag:s5] =	ssyncadd.s32 $0xFFFFC000  }
0x260: {  	[tilespmem:s4], [sflag:$0x1] =	stream.indirect.gather [spmem:s2], $0x20, s0, s6, $0xb8;
	[tilespmem:$0x1E400] =	vst v63  }
0x261: {  	_ =	swait.ge [sflag:s15], $0x4000  }
0x262: {  	[sflag:s15] =	ssyncset.done $0x0  }
0x263: {  	s0 =	rddreg [dreg:$0x7];
	[sflag:s15] =	ssyncadd.s32 $0xFFFFC000  }
0x264: {  	[hbm4b:s0+s1] =	stream.linear.scatter [tilespmem:s11], [sflag:$0x7], $0x4000, $0x38;
	[tilespmem:$0x1E400] =	vst v63  }
0x265: {  	_ =	swait.ge [sflag:s7], $0x4000  }
0x266: {  	s0 =	sld [smem:$0x7D9]  }
0x267: {  	[sflag:s7] =	ssyncset.done $0x0  }
0x268: {  	[sflag:s7] =	ssyncadd.s32 $0xFFFFC000  }
0x269: {  	[tilespmem:s3], [sflag:$0x2] =	stream.indirect.gather [spmem:s2], $0x20, s0, s6, $0xb8;
	[tilespmem:$0x1E400] =	vst v63  }
0x26a: {  	_ =	swait.ge [sflag:s14], $0x4000  }
0x26b: {  	[sflag:s14] =	ssyncset.done $0x0  }
0x26c: {  	s0 =	rddreg [dreg:$0x8];
	[sflag:s14] =	ssyncadd.s32 $0xFFFFC000  }
0x26d: {  	[hbm4b:s0+s1] =	stream.linear.scatter [tilespmem:s10], [sflag:$0x8], $0x4000, $0x38;
	[tilespmem:$0x1E400] =	vst v63  }
0x26e: {  	_ =	swait.ge [sflag:s12], $0x4000  }
0x26f: {  	s0 =	sld [smem:$0x7DA]  }
0x270: {  	[sflag:s12] =	ssyncset.done $0x0  }
0x271: {  	[sflag:s12] =	ssyncadd.s32 $0xFFFFC000  }
0x272: {  	[tilespmem:s11], [sflag:$0x3] =	stream.indirect.gather [spmem:s2], $0x20, s0, s6, $0xb8;
	[tilespmem:$0x1E400] =	vst v63  }
0x273: {  	_ =	swait.ge [sflag:s8], $0x4000  }
0x274: {  	[sflag:s8] =	ssyncset.done $0x0  }
0x275: {  	s0 =	rddreg [dreg:$0x9];
	[sflag:s8] =	ssyncadd.s32 $0xFFFFC000  }
0x276: {  	[hbm4b:s0+s1] =	stream.linear.scatter [tilespmem:s4], [sflag:$0x5], $0x4000, $0x38;
	[tilespmem:$0x1E400] =	vst v63  }
0x277: {  	_ =	swait.ge [sflag:s13], $0x4000  }
0x278: {  	s0 =	sld [smem:$0x7DB]  }
0x279: {  	[sflag:s13] =	ssyncset.done $0x0  }
0x27a: {  	[sflag:s13] =	ssyncadd.s32 $0xFFFFC000  }
0x27b: {  	[tilespmem:s10], [sflag:$0x4] =	stream.indirect.gather [spmem:s2], $0x20, s0, s6, $0xb8;
	[tilespmem:$0x1E400] =	vst v63  }
0x27c: {  	_ =	swait.ge [sflag:s9], $0x4000  }
0x27d: {  	[sflag:s9] =	ssyncset.done $0x0  }
0x27e: {  	s0 =	rddreg [dreg:$0xa];
	[sflag:s9] =	ssyncadd.s32 $0xFFFFC000  }
0x27f: {  	[hbm4b:s0+s1] =	stream.linear.scatter [tilespmem:s3], [sflag:$0x6], $0x4000, $0x38;
	[tilespmem:$0x1E400] =	vst v63  }
0x280: {  	_ =	swait.ge [sflag:s5], $0x4000  }
0x281: {  	s0 =	sld [smem:$0x7DC]  }
0x282: {  	[sflag:s5] =	ssyncset.done $0x0  }
0x283: {  	[sflag:s5] =	ssyncadd.s32 $0xFFFFC000  }
0x284: {  	[tilespmem:s4], [sflag:$0x1] =	stream.indirect.gather [spmem:s2], $0x20, s0, s6, $0xb8;
	[tilespmem:$0x1E400] =	vst v63  }
0x285: {  	_ =	swait.ge [sflag:s15], $0x4000  }
0x286: {  	[sflag:s15] =	ssyncset.done $0x0  }
0x287: {  	s0 =	rddreg [dreg:$0xb];
	[sflag:s15] =	ssyncadd.s32 $0xFFFFC000  }
0x288: {  	[hbm4b:s0+s1] =	stream.linear.scatter [tilespmem:s11], [sflag:$0x7], $0x4000, $0x38;
	[tilespmem:$0x1E400] =	vst v63  }
0x289: {  	_ =	swait.ge [sflag:s7], $0x4000  }
0x28a: {  	s0 =	sld [smem:$0x7DD]  }
0x28b: {  	[sflag:s7] =	ssyncset.done $0x0  }
0x28c: {  	[sflag:s7] =	ssyncadd.s32 $0xFFFFC000  }
0x28d: {  	[tilespmem:s3], [sflag:$0x2] =	stream.indirect.gather [spmem:s2], $0x20, s0, s6, $0xb8;
	[tilespmem:$0x1E400] =	vst v63  }
0x28e: {  	_ =	swait.ge [sflag:s14], $0x4000  }
0x28f: {  	[sflag:s14] =	ssyncset.done $0x0  }
0x290: {  	s0 =	rddreg [dreg:$0xc];
	[sflag:s14] =	ssyncadd.s32 $0xFFFFC000  }
0x291: {  	[hbm4b:s0+s1] =	stream.linear.scatter [tilespmem:s10], [sflag:$0x8], $0x4000, $0x38;
	[tilespmem:$0x1E400] =	vst v63  }
0x292: {  	_ =	swait.ge [sflag:s12], $0x4000  }
0x293: {  	s0 =	sld [smem:$0x7DE]  }
0x294: {  	[sflag:s12] =	ssyncset.done $0x0  }
0x295: {  	[sflag:s12] =	ssyncadd.s32 $0xFFFFC000  }
0x296: {  	[tilespmem:s11], [sflag:$0x3] =	stream.indirect.gather [spmem:s2], $0x20, s0, s6, $0xb8;
	[tilespmem:$0x1E400] =	vst v63  }
0x297: {  	_ =	swait.ge [sflag:s8], $0x4000  }
0x298: {  	[sflag:s8] =	ssyncset.done $0x0  }
0x299: {  	s0 =	rddreg [dreg:$0xd];
	[sflag:s8] =	ssyncadd.s32 $0xFFFFC000  }
0x29a: {  	[hbm4b:s0+s1] =	stream.linear.scatter [tilespmem:s4], [sflag:$0x5], $0x4000, $0x38;
	[tilespmem:$0x1E400] =	vst v63  }
0x29b: {  	_ =	swait.ge [sflag:s13], $0x4000  }
0x29c: {  	s0 =	sld [smem:$0x7DF]  }
0x29d: {  	[sflag:s13] =	ssyncset.done $0x0  }
0x29e: {  	[sflag:s13] =	ssyncadd.s32 $0xFFFFC000  }
0x29f: {  	[tilespmem:s10], [sflag:$0x4] =	stream.indirect.gather [spmem:s2], $0x20, s0, s6, $0xb8;
	[tilespmem:$0x1E400] =	vst v63  }
0x2a0: {  	_ =	swait.ge [sflag:s9], $0x4000  }
0x2a1: {  	[sflag:s9] =	ssyncset.done $0x0  }
0x2a2: {  	s0 =	rddreg [dreg:$0xe];
	[sflag:s9] =	ssyncadd.s32 $0xFFFFC000  }
0x2a3: {  	[hbm4b:s0+s1] =	stream.linear.scatter [tilespmem:s3], [sflag:$0x6], $0x4000, $0x38;
	[tilespmem:$0x1E400] =	vst v63  }
0x2a4: {  	_ =	swait.ge [sflag:s5], $0x4000  }
0x2a5: {  	s0 =	sld [smem:$0x7E0]  }
0x2a6: {  	[sflag:s5] =	ssyncset.done $0x0  }
0x2a7: {  	[sflag:s5] =	ssyncadd.s32 $0xFFFFC000  }
0x2a8: {  	[tilespmem:s4], [sflag:$0x1] =	stream.indirect.gather [spmem:s2], $0x20, s0, s6, $0xb8;
	[tilespmem:$0x1E400] =	vst v63  }
0x2a9: {  	_ =	swait.ge [sflag:s15], $0x4000  }
0x2aa: {  	[sflag:s15] =	ssyncset.done $0x0  }
0x2ab: {  	s0 =	rddreg [dreg:$0xf];
	[sflag:s15] =	ssyncadd.s32 $0xFFFFC000  }
0x2ac: {  	[hbm4b:s0+s1] =	stream.linear.scatter [tilespmem:s11], [sflag:$0x7], $0x4000, $0x38;
	[tilespmem:$0x1E400] =	vst v63  }
0x2ad: {  	_ =	swait.ge [sflag:s7], $0x4000  }
0x2ae: {  	s0 =	sld [smem:$0x7E1]  }
0x2af: {  	[sflag:s7] =	ssyncset.done $0x0  }
0x2b0: {  	[sflag:s7] =	ssyncadd.s32 $0xFFFFC000  }
0x2b1: {  	[tilespmem:s3], [sflag:$0x2] =	stream.indirect.gather [spmem:s2], $0x20, s0, s6, $0xb8;
	[tilespmem:$0x1E400] =	vst v63  }
0x2b2: {  	_ =	swait.ge [sflag:s14], $0x4000  }
0x2b3: {  	[sflag:s14] =	ssyncset.done $0x0  }
0x2b4: {  	s0 =	rddreg [dreg:$0x10];
	[sflag:s14] =	ssyncadd.s32 $0xFFFFC000  }
0x2b5: {  	[hbm4b:s0+s1] =	stream.linear.scatter [tilespmem:s10], [sflag:$0x8], $0x4000, $0x38;
	[tilespmem:$0x1E400] =	vst v63  }
0x2b6: {  	_ =	swait.ge [sflag:s12], $0x4000  }
0x2b7: {  	s0 =	sld [smem:$0x7E2]  }
0x2b8: {  	[sflag:s12] =	ssyncset.done $0x0  }
0x2b9: {  	[sflag:s12] =	ssyncadd.s32 $0xFFFFC000  }
0x2ba: {  	[tilespmem:s11], [sflag:$0x3] =	stream.indirect.gather [spmem:s2], $0x20, s0, s6, $0xb8;
	[tilespmem:$0x1E400] =	vst v63  }
0x2bb: {  	_ =	swait.ge [sflag:s8], $0x4000  }
0x2bc: {  	[sflag:s8] =	ssyncset.done $0x0  }
0x2bd: {  	s0 =	rddreg [dreg:$0x11];
	[sflag:s8] =	ssyncadd.s32 $0xFFFFC000  }
0x2be: {  	[hbm4b:s0+s1] =	stream.linear.scatter [tilespmem:s4], [sflag:$0x5], $0x4000, $0x38;
	[tilespmem:$0x1E400] =	vst v63  }
0x2bf: {  	_ =	swait.ge [sflag:s13], $0x4000  }
0x2c0: {  	s0 =	sld [smem:$0x7E3]  }
0x2c1: {  	[sflag:s13] =	ssyncset.done $0x0  }
0x2c2: {  	[sflag:s13] =	ssyncadd.s32 $0xFFFFC000  }
0x2c3: {  	[tilespmem:s10], [sflag:$0x4] =	stream.indirect.gather [spmem:s2], $0x20, s0, s6, $0xb8;
	[tilespmem:$0x1E400] =	vst v63  }
0x2c4: {  	_ =	swait.ge [sflag:s9], $0x4000  }
0x2c5: {  	[sflag:s9] =	ssyncset.done $0x0  }
0x2c6: {  	s0 =	rddreg [dreg:$0x12];
	[sflag:s9] =	ssyncadd.s32 $0xFFFFC000  }
0x2c7: {  	[hbm4b:s0+s1] =	stream.linear.scatter [tilespmem:s3], [sflag:$0x6], $0x4000, $0x38;
	[tilespmem:$0x1E400] =	vst v63  }
0x2c8: {  	_ =	swait.ge [sflag:s5], $0x4000  }
0x2c9: {  	s0 =	sld [smem:$0x7E4]  }
0x2ca: {  	[sflag:s5] =	ssyncset.done $0x0  }
0x2cb: {  	[sflag:s5] =	ssyncadd.s32 $0xFFFFC000  }
0x2cc: {  	[tilespmem:s4], [sflag:$0x1] =	stream.indirect.gather [spmem:s2], $0x20, s0, s6, $0xb8;
	[tilespmem:$0x1E400] =	vst v63  }
0x2cd: {  	_ =	swait.ge [sflag:s15], $0x4000  }
0x2ce: {  	[sflag:s15] =	ssyncset.done $0x0  }
0x2cf: {  	s0 =	rddreg [dreg:$0x13];
	[sflag:s15] =	ssyncadd.s32 $0xFFFFC000  }
0x2d0: {  	[hbm4b:s0+s1] =	stream.linear.scatter [tilespmem:s11], [sflag:$0x7], $0x4000, $0x38;
	[tilespmem:$0x1E400] =	vst v63  }
0x2d1: {  	_ =	swait.ge [sflag:s7], $0x4000  }
0x2d2: {  	s0 =	sld [smem:$0x7E5]  }
0x2d3: {  	[sflag:s7] =	ssyncset.done $0x0  }
0x2d4: {  	[sflag:s7] =	ssyncadd.s32 $0xFFFFC000  }
0x2d5: {  	[tilespmem:s3], [sflag:$0x2] =	stream.indirect.gather [spmem:s2], $0x20, s0, s6, $0xb8;
	[tilespmem:$0x1E400] =	vst v63  }
0x2d6: {  	_ =	swait.ge [sflag:s14], $0x4000  }
0x2d7: {  	[sflag:s14] =	ssyncset.done $0x0  }
0x2d8: {  	s0 =	rddreg [dreg:$0x14];
	[sflag:s14] =	ssyncadd.s32 $0xFFFFC000  }
0x2d9: {  	[hbm4b:s0+s1] =	stream.linear.scatter [tilespmem:s10], [sflag:$0x8], $0x4000, $0x38;
	[tilespmem:$0x1E400] =	vst v63  }
0x2da: {  	_ =	swait.ge [sflag:s12], $0x4000  }
0x2db: {  	s0 =	sld [smem:$0x7E6]  }
0x2dc: {  	[sflag:s12] =	ssyncset.done $0x0  }
0x2dd: {  	[sflag:s12] =	ssyncadd.s32 $0xFFFFC000  }
0x2de: {  	[tilespmem:s11], [sflag:$0x3] =	stream.indirect.gather [spmem:s2], $0x20, s0, s6, $0xb8;
	[tilespmem:$0x1E400] =	vst v63  }
0x2df: {  	_ =	swait.ge [sflag:s8], $0x4000  }
0x2e0: {  	[sflag:s8] =	ssyncset.done $0x0  }
0x2e1: {  	s0 =	rddreg [dreg:$0x15];
	[sflag:s8] =	ssyncadd.s32 $0xFFFFC000  }
0x2e2: {  	[hbm4b:s0+s1] =	stream.linear.scatter [tilespmem:s4], [sflag:$0x5], $0x4000, $0x38;
	[tilespmem:$0x1E400] =	vst v63  }
0x2e3: {  	_ =	swait.ge [sflag:s13], $0x4000  }
0x2e4: {  	s0 =	sld [smem:$0x7E7]  }
0x2e5: {  	[sflag:s13] =	ssyncset.done $0x0  }
0x2e6: {  	[sflag:s13] =	ssyncadd.s32 $0xFFFFC000  }
0x2e7: {  	[tilespmem:s10], [sflag:$0x4] =	stream.indirect.gather [spmem:s2], $0x20, s0, s6, $0xb8;
	[tilespmem:$0x1E400] =	vst v63  }
0x2e8: {  	_ =	swait.ge [sflag:s9], $0x4000  }
0x2e9: {  	[sflag:s9] =	ssyncset.done $0x0  }
0x2ea: {  	s0 =	rddreg [dreg:$0x16];
	[sflag:s9] =	ssyncadd.s32 $0xFFFFC000  }
0x2eb: {  	[hbm4b:s0+s1] =	stream.linear.scatter [tilespmem:s3], [sflag:$0x6], $0x4000, $0x38;
	[tilespmem:$0x1E400] =	vst v63  }
0x2ec: {  	_ =	swait.ge [sflag:s5], $0x4000  }
0x2ed: {  	s0 =	sld [smem:$0x7E8]  }
0x2ee: {  	[sflag:s5] =	ssyncset.done $0x0  }
0x2ef: {  	[sflag:s5] =	ssyncadd.s32 $0xFFFFC000  }
0x2f0: {  	[tilespmem:s4], [sflag:$0x1] =	stream.indirect.gather [spmem:s2], $0x20, s0, s6, $0xb8;
	[tilespmem:$0x1E400] =	vst v63  }
0x2f1: {  	_ =	swait.ge [sflag:s15], $0x4000  }
0x2f2: {  	[sflag:s15] =	ssyncset.done $0x0  }
0x2f3: {  	s0 =	rddreg [dreg:$0x17];
	[sflag:s15] =	ssyncadd.s32 $0xFFFFC000  }
0x2f4: {  	[hbm4b:s0+s1] =	stream.linear.scatter [tilespmem:s11], [sflag:$0x7], $0x4000, $0x38;
	[tilespmem:$0x1E400] =	vst v63  }
0x2f5: {  	_ =	swait.ge [sflag:s7], $0x4000  }
0x2f6: {  	s0 =	sld [smem:$0x7E9]  }
0x2f7: {  	[sflag:s7] =	ssyncset.done $0x0  }
0x2f8: {  	[sflag:s7] =	ssyncadd.s32 $0xFFFFC000  }
0x2f9: {  	[tilespmem:s3], [sflag:$0x2] =	stream.indirect.gather [spmem:s2], $0x20, s0, s6, $0xb8;
	[tilespmem:$0x1E400] =	vst v63  }
0x2fa: {  	_ =	swait.ge [sflag:s14], $0x4000  }
0x2fb: {  	[sflag:s14] =	ssyncset.done $0x0  }
0x2fc: {  	s0 =	rddreg [dreg:$0x18];
	[sflag:s14] =	ssyncadd.s32 $0xFFFFC000  }
0x2fd: {  	[hbm4b:s0+s1] =	stream.linear.scatter [tilespmem:s10], [sflag:$0x8], $0x4000, $0x38;
	[tilespmem:$0x1E400] =	vst v63  }
0x2fe: {  	_ =	swait.ge [sflag:s12], $0x4000  }
0x2ff: {  	s0 =	sld [smem:$0x7EA]  }
0x300: {  	[sflag:s12] =	ssyncset.done $0x0  }
0x301: {  	[sflag:s12] =	ssyncadd.s32 $0xFFFFC000  }
0x302: {  	[tilespmem:s11], [sflag:$0x3] =	stream.indirect.gather [spmem:s2], $0x20, s0, s6, $0xb8;
	[tilespmem:$0x1E400] =	vst v63  }
0x303: {  	_ =	swait.ge [sflag:s8], $0x4000  }
0x304: {  	[sflag:s8] =	ssyncset.done $0x0  }
0x305: {  	s0 =	rddreg [dreg:$0x19];
	[sflag:s8] =	ssyncadd.s32 $0xFFFFC000  }
0x306: {  	[hbm4b:s0+s1] =	stream.linear.scatter [tilespmem:s4], [sflag:$0x5], $0x4000, $0x38;
	[tilespmem:$0x1E400] =	vst v63  }
0x307: {  	_ =	swait.ge [sflag:s13], $0x4000  }
0x308: {  	s0 =	sld [smem:$0x7EB]  }
0x309: {  	[sflag:s13] =	ssyncset.done $0x0  }
0x30a: {  	[sflag:s13] =	ssyncadd.s32 $0xFFFFC000  }
0x30b: {  	[tilespmem:s10], [sflag:$0x4] =	stream.indirect.gather [spmem:s2], $0x20, s0, s6, $0xb8;
	[tilespmem:$0x1E400] =	vst v63  }
0x30c: {  	_ =	swait.ge [sflag:s9], $0x4000  }
0x30d: {  	[sflag:s9] =	ssyncset.done $0x0  }
0x30e: {  	s0 =	rddreg [dreg:$0x1a];
	[sflag:s9] =	ssyncadd.s32 $0xFFFFC000  }
0x30f: {  	[hbm4b:s0+s1] =	stream.linear.scatter [tilespmem:s3], [sflag:$0x6], $0x4000, $0x38;
	[tilespmem:$0x1E400] =	vst v63  }
0x310: {  	_ =	swait.ge [sflag:s5], $0x4000  }
0x311: {  	s0 =	sld [smem:$0x7EC]  }
0x312: {  	[sflag:s5] =	ssyncset.done $0x0  }
0x313: {  	[sflag:s5] =	ssyncadd.s32 $0xFFFFC000  }
0x314: {  	[tilespmem:s4], [sflag:$0x1] =	stream.indirect.gather [spmem:s2], $0x20, s0, s6, $0xb8;
	[tilespmem:$0x1E400] =	vst v63  }
0x315: {  	_ =	swait.ge [sflag:s15], $0x4000  }
0x316: {  	[sflag:s15] =	ssyncset.done $0x0  }
0x317: {  	s0 =	rddreg [dreg:$0x1b];
	[sflag:s15] =	ssyncadd.s32 $0xFFFFC000  }
0x318: {  	[hbm4b:s0+s1] =	stream.linear.scatter [tilespmem:s11], [sflag:$0x7], $0x4000, $0x38;
	[tilespmem:$0x1E400] =	vst v63  }
0x319: {  	_ =	swait.ge [sflag:s7], $0x4000  }
0x31a: {  	s0 =	sld [smem:$0x7ED]  }
0x31b: {  	[sflag:s7] =	ssyncset.done $0x0  }
0x31c: {  	[sflag:s7] =	ssyncadd.s32 $0xFFFFC000  }
0x31d: {  	[tilespmem:s3], [sflag:$0x2] =	stream.indirect.gather [spmem:s2], $0x20, s0, s6, $0xb8;
	[tilespmem:$0x1E400] =	vst v63  }
0x31e: {  	_ =	swait.ge [sflag:s14], $0x4000  }
0x31f: {  	[sflag:s14] =	ssyncset.done $0x0  }
0x320: {  	s0 =	rddreg [dreg:$0x1c];
	[sflag:s14] =	ssyncadd.s32 $0xFFFFC000  }
0x321: {  	[hbm4b:s0+s1] =	stream.linear.scatter [tilespmem:s10], [sflag:$0x8], $0x4000, $0x38;
	[tilespmem:$0x1E400] =	vst v63  }
0x322: {  	_ =	swait.ge [sflag:s12], $0x4000  }
0x323: {  	s0 =	sld [smem:$0x7EE]  }
0x324: {  	[sflag:s12] =	ssyncset.done $0x0  }
0x325: {  	[sflag:s12] =	ssyncadd.s32 $0xFFFFC000  }
0x326: {  	[tilespmem:s11], [sflag:$0x3] =	stream.indirect.gather [spmem:s2], $0x20, s0, s6, $0xb8;
	[tilespmem:$0x1E400] =	vst v63  }
0x327: {  	_ =	swait.ge [sflag:s8], $0x4000  }
0x328: {  	[sflag:s8] =	ssyncset.done $0x0  }
0x329: {  	s0 =	rddreg [dreg:$0x1d];
	[sflag:s8] =	ssyncadd.s32 $0xFFFFC000  }
0x32a: {  	[hbm4b:s0+s1] =	stream.linear.scatter [tilespmem:s4], [sflag:$0x5], $0x4000, $0x38;
	[tilespmem:$0x1E400] =	vst v63  }
0x32b: {  	_ =	swait.ge [sflag:s13], $0x4000  }
0x32c: {  	s0 =	sld [smem:$0x7EF]  }
0x32d: {  	[sflag:s13] =	ssyncset.done $0x0  }
0x32e: {  	[sflag:s13] =	ssyncadd.s32 $0xFFFFC000  }
0x32f: {  	[tilespmem:s10], [sflag:$0x4] =	stream.indirect.gather [spmem:s2], $0x20, s0, s6, $0xb8;
	[tilespmem:$0x1E400] =	vst v63  }
0x330: {  	_ =	swait.ge [sflag:s9], $0x4000  }
0x331: {  	[sflag:s9] =	ssyncset.done $0x0  }
0x332: {  	s0 =	rddreg [dreg:$0x1e];
	[sflag:s9] =	ssyncadd.s32 $0xFFFFC000  }
0x333: {  	[hbm4b:s0+s1] =	stream.linear.scatter [tilespmem:s3], [sflag:$0x6], $0x4000, $0x38;
	[tilespmem:$0x1E400] =	vst v63  }
0x334: {  	_ =	swait.ge [sflag:s5], $0x4000  }
0x335: {  	s0 =	sld [smem:$0x7F0]  }
0x336: {  	[sflag:s5] =	ssyncset.done $0x0  }
0x337: {  	[sflag:s5] =	ssyncadd.s32 $0xFFFFC000  }
0x338: {  	[tilespmem:s4], [sflag:$0x1] =	stream.indirect.gather [spmem:s2], $0x20, s0, s6, $0xb8;
	[tilespmem:$0x1E400] =	vst v63  }
0x339: {  	_ =	swait.ge [sflag:s15], $0x4000  }
0x33a: {  	[sflag:s15] =	ssyncset.done $0x0  }
0x33b: {  	s0 =	rddreg [dreg:$0x1f];
	[sflag:s15] =	ssyncadd.s32 $0xFFFFC000  }
0x33c: {  	[hbm4b:s0+s1] =	stream.linear.scatter [tilespmem:s11], [sflag:$0x7], $0x4000, $0x38;
	[tilespmem:$0x1E400] =	vst v63  }
0x33d: {  	_ =	swait.ge [sflag:s7], $0x4000  }
0x33e: {  	s0 =	sld [smem:$0x7F1]  }
0x33f: {  	[sflag:s7] =	ssyncset.done $0x0  }
0x340: {  	[sflag:s7] =	ssyncadd.s32 $0xFFFFC000  }
0x341: {  	[tilespmem:s3], [sflag:$0x2] =	stream.indirect.gather [spmem:s2], $0x20, s0, s6, $0xb8;
	[tilespmem:$0x1E400] =	vst v63  }
0x342: {  	_ =	swait.ge [sflag:s14], $0x4000  }
0x343: {  	s0 =	sld [smem:$0x7BE]  }
0x344: {  	[sflag:s14] =	ssyncset.done $0x0  }
0x345: {  	[sflag:s14] =	ssyncadd.s32 $0xFFFFC000  }
0x346: {  	[hbm4b:s0+s1] =	stream.linear.scatter [tilespmem:s10], [sflag:$0x8], $0x4000, $0x38;
	[tilespmem:$0x1E400] =	vst v63  }
0x347: {  	_ =	swait.ge [sflag:s12], $0x4000  }
0x348: {  	s0 =	sld [smem:$0x7F2]  }
0x349: {  	[sflag:s12] =	ssyncset.done $0x0  }
0x34a: {  	[sflag:s12] =	ssyncadd.s32 $0xFFFFC000  }
0x34b: {  	[tilespmem:s11], [sflag:$0x3] =	stream.indirect.gather [spmem:s2], $0x20, s0, s6, $0xb8;
	[tilespmem:$0x1E400] =	vst v63  }
0x34c: {  	_ =	swait.ge [sflag:s8], $0x4000  }
0x34d: {  	s0 =	sld [smem:$0x7BF]  }
0x34e: {  	[sflag:s8] =	ssyncset.done $0x0  }
0x34f: {  	[sflag:s8] =	ssyncadd.s32 $0xFFFFC000  }
0x350: {  	[hbm4b:s0+s1] =	stream.linear.scatter [tilespmem:s4], [sflag:$0x5], $0x4000, $0x38;
	[tilespmem:$0x1E400] =	vst v63  }
0x351: {  	_ =	swait.ge [sflag:s13], $0x4000  }
0x352: {  	s0 =	sld [smem:$0x7F3]  }
0x353: {  	[sflag:s13] =	ssyncset.done $0x0  }
0x354: {  	[sflag:s13] =	ssyncadd.s32 $0xFFFFC000  }
0x355: {  	[tilespmem:s10], [sflag:$0x4] =	stream.indirect.gather [spmem:s2], $0x20, s0, s6, $0xb8;
	[tilespmem:$0x1E400] =	vst v63  }
0x356: {  	_ =	swait.ge [sflag:s9], $0x4000  }
0x357: {  	s0 =	sld [smem:$0x7C0]  }
0x358: {  	[sflag:s9] =	ssyncset.done $0x0  }
0x359: {  	[sflag:s9] =	ssyncadd.s32 $0xFFFFC000  }
0x35a: {  	[hbm4b:s0+s1] =	stream.linear.scatter [tilespmem:s3], [sflag:$0x6], $0x4000, $0x38;
	[tilespmem:$0x1E400] =	vst v63  }
0x35b: {  	_ =	swait.ge [sflag:s5], $0x4000  }
0x35c: {  	s0 =	sld [smem:$0x7F4]  }
0x35d: {  	[sflag:s5] =	ssyncset.done $0x0  }
0x35e: {  	[sflag:s5] =	ssyncadd.s32 $0xFFFFC000  }
0x35f: {  	[tilespmem:s4], [sflag:$0x1] =	stream.indirect.gather [spmem:s2], $0x20, s0, s6, $0xb8;
	[tilespmem:$0x1E400] =	vst v63  }
0x360: {  	_ =	swait.ge [sflag:s15], $0x4000  }
0x361: {  	s0 =	sld [smem:$0x7C1]  }
0x362: {  	[sflag:s15] =	ssyncset.done $0x0  }
0x363: {  	[sflag:s15] =	ssyncadd.s32 $0xFFFFC000  }
0x364: {  	[hbm4b:s0+s1] =	stream.linear.scatter [tilespmem:s11], [sflag:$0x7], $0x4000, $0x38;
	[tilespmem:$0x1E400] =	vst v63  }
0x365: {  	_ =	swait.ge [sflag:s7], $0x4000  }
0x366: {  	s0 =	sld [smem:$0x7F5]  }
0x367: {  	[sflag:s7] =	ssyncset.done $0x0  }
0x368: {  	[sflag:s7] =	ssyncadd.s32 $0xFFFFC000  }
0x369: {  	[tilespmem:s3], [sflag:$0x2] =	stream.indirect.gather [spmem:s2], $0x20, s0, s6, $0xb8;
	[tilespmem:$0x1E400] =	vst v63  }
0x36a: {  	_ =	swait.ge [sflag:s14], $0x4000  }
0x36b: {  	s0 =	sld [smem:$0x7C2]  }
0x36c: {  	[sflag:s14] =	ssyncset.done $0x0  }
0x36d: {  	[sflag:s14] =	ssyncadd.s32 $0xFFFFC000  }
0x36e: {  	[hbm4b:s0+s1] =	stream.linear.scatter [tilespmem:s10], [sflag:$0x8], $0x4000, $0x38;
	[tilespmem:$0x1E400] =	vst v63  }
0x36f: {  	_ =	swait.ge [sflag:s12], $0x4000  }
0x370: {  	s0 =	sld [smem:$0x7F6]  }
0x371: {  	[sflag:s12] =	ssyncset.done $0x0  }
0x372: {  	[sflag:s12] =	ssyncadd.s32 $0xFFFFC000  }
0x373: {  	[tilespmem:s11], [sflag:$0x3] =	stream.indirect.gather [spmem:s2], $0x20, s0, s6, $0xb8;
	[tilespmem:$0x1E400] =	vst v63  }
0x374: {  	_ =	swait.ge [sflag:s8], $0x4000  }
0x375: {  	s0 =	sld [smem:$0x7C3]  }
0x376: {  	[sflag:s8] =	ssyncset.done $0x0  }
0x377: {  	[sflag:s8] =	ssyncadd.s32 $0xFFFFC000  }
0x378: {  	[hbm4b:s0+s1] =	stream.linear.scatter [tilespmem:s4], [sflag:$0x5], $0x4000, $0x38;
	[tilespmem:$0x1E400] =	vst v63  }
0x379: {  	_ =	swait.ge [sflag:s13], $0x4000  }
0x37a: {  	s0 =	sld [smem:$0x7F7]  }
0x37b: {  	[sflag:s13] =	ssyncset.done $0x0  }
0x37c: {  	[sflag:s13] =	ssyncadd.s32 $0xFFFFC000  }
0x37d: {  	[tilespmem:s10], [sflag:$0x4] =	stream.indirect.gather [spmem:s2], $0x20, s0, s6, $0xb8;
	[tilespmem:$0x1E400] =	vst v63  }
0x37e: {  	_ =	swait.ge [sflag:s9], $0x4000  }
0x37f: {  	s0 =	sld [smem:$0x7C4]  }
0x380: {  	[sflag:s9] =	ssyncset.done $0x0  }
0x381: {  	[sflag:s9] =	ssyncadd.s32 $0xFFFFC000  }
0x382: {  	[hbm4b:s0+s1] =	stream.linear.scatter [tilespmem:s3], [sflag:$0x6], $0x4000, $0x38;
	[tilespmem:$0x1E400] =	vst v63  }
0x383: {  	_ =	swait.ge [sflag:s5], $0x4000  }
0x384: {  	s0 =	sld [smem:$0x7F8]  }
0x385: {  	[sflag:s5] =	ssyncset.done $0x0  }
0x386: {  	[sflag:s5] =	ssyncadd.s32 $0xFFFFC000  }
0x387: {  	[tilespmem:s4], [sflag:$0x1] =	stream.indirect.gather [spmem:s2], $0x20, s0, s6, $0xb8;
	[tilespmem:$0x1E400] =	vst v63  }
0x388: {  	_ =	swait.ge [sflag:s15], $0x4000  }
0x389: {  	s0 =	sld [smem:$0x7C5]  }
0x38a: {  	[sflag:s15] =	ssyncset.done $0x0  }
0x38b: {  	[sflag:s15] =	ssyncadd.s32 $0xFFFFC000  }
0x38c: {  	[hbm4b:s0+s1] =	stream.linear.scatter [tilespmem:s11], [sflag:$0x7], $0x4000, $0x38;
	[tilespmem:$0x1E400] =	vst v63  }
0x38d: {  	_ =	swait.ge [sflag:s7], $0x4000  }
0x38e: {  	s0 =	sld [smem:$0x7F9]  }
0x38f: {  	[sflag:s7] =	ssyncset.done $0x0  }
0x390: {  	[sflag:s7] =	ssyncadd.s32 $0xFFFFC000  }
0x391: {  	[tilespmem:s3], [sflag:$0x2] =	stream.indirect.gather [spmem:s2], $0x20, s0, s6, $0xb8;
	[tilespmem:$0x1E400] =	vst v63  }
0x392: {  	_ =	swait.ge [sflag:s14], $0x4000  }
0x393: {  	s0 =	sld [smem:$0x7C6]  }
0x394: {  	[sflag:s14] =	ssyncset.done $0x0  }
0x395: {  	[sflag:s14] =	ssyncadd.s32 $0xFFFFC000  }
0x396: {  	[hbm4b:s0+s1] =	stream.linear.scatter [tilespmem:s10], [sflag:$0x8], $0x4000, $0x38;
	[tilespmem:$0x1E400] =	vst v63  }
0x397: {  	_ =	swait.ge [sflag:s12], $0x4000  }
0x398: {  	s0 =	sld [smem:$0x7FA]  }
0x399: {  	[sflag:s12] =	ssyncset.done $0x0  }
0x39a: {  	[sflag:s12] =	ssyncadd.s32 $0xFFFFC000  }
0x39b: {  	[tilespmem:s11], [sflag:$0x3] =	stream.indirect.gather [spmem:s2], $0x20, s0, s6, $0xb8;
	[tilespmem:$0x1E400] =	vst v63  }
0x39c: {  	_ =	swait.ge [sflag:s8], $0x4000  }
0x39d: {  	s0 =	sld [smem:$0x7C7]  }
0x39e: {  	[sflag:s8] =	ssyncset.done $0x0  }
0x39f: {  	[sflag:s8] =	ssyncadd.s32 $0xFFFFC000  }
0x3a0: {  	[hbm4b:s0+s1] =	stream.linear.scatter [tilespmem:s4], [sflag:$0x5], $0x4000, $0x38;
	[tilespmem:$0x1E400] =	vst v63  }
0x3a1: {  	_ =	swait.ge [sflag:s13], $0x4000  }
0x3a2: {  	s0 =	sld [smem:$0x7FB]  }
0x3a3: {  	[sflag:s13] =	ssyncset.done $0x0  }
0x3a4: {  	[sflag:s13] =	ssyncadd.s32 $0xFFFFC000  }
0x3a5: {  	[tilespmem:s10], [sflag:$0x4] =	stream.indirect.gather [spmem:s2], $0x20, s0, s6, $0xb8;
	[tilespmem:$0x1E400] =	vst v63  }
0x3a6: {  	_ =	swait.ge [sflag:s9], $0x4000  }
0x3a7: {  	s0 =	sld [smem:$0x7C8]  }
0x3a8: {  	[sflag:s9] =	ssyncset.done $0x0  }
0x3a9: {  	[sflag:s9] =	ssyncadd.s32 $0xFFFFC000  }
0x3aa: {  	[hbm4b:s0+s1] =	stream.linear.scatter [tilespmem:s3], [sflag:$0x6], $0x4000, $0x38;
	[tilespmem:$0x1E400] =	vst v63  }
0x3ab: {  	_ =	swait.ge [sflag:s5], $0x4000  }
0x3ac: {  	s0 =	sld [smem:$0x7FC]  }
0x3ad: {  	[sflag:s5] =	ssyncset.done $0x0  }
0x3ae: {  	[sflag:s5] =	ssyncadd.s32 $0xFFFFC000  }
0x3af: {  	[tilespmem:s4], [sflag:$0x1] =	stream.indirect.gather [spmem:s2], $0x20, s0, s6, $0xb8;
	[tilespmem:$0x1E400] =	vst v63  }
0x3b0: {  	_ =	swait.ge [sflag:s15], $0x4000  }
0x3b1: {  	s0 =	sld [smem:$0x7C9]  }
0x3b2: {  	[sflag:s15] =	ssyncset.done $0x0  }
0x3b3: {  	[sflag:s15] =	ssyncadd.s32 $0xFFFFC000  }
0x3b4: {  	[hbm4b:s0+s1] =	stream.linear.scatter [tilespmem:s11], [sflag:$0x7], $0x4000, $0x38;
	[tilespmem:$0x1E400] =	vst v63  }
0x3b5: {  	_ =	swait.ge [sflag:s7], $0x4000  }
0x3b6: {  	s0 =	sld [smem:$0x7FD]  }
0x3b7: {  	[sflag:s7] =	ssyncset.done $0x0  }
0x3b8: {  	[sflag:s7] =	ssyncadd.s32 $0xFFFFC000  }
0x3b9: {  	[tilespmem:s3], [sflag:$0x2] =	stream.indirect.gather [spmem:s2], $0x20, s0, s6, $0xb8;
	[tilespmem:$0x1E400] =	vst v63  }
0x3ba: {  	_ =	swait.ge [sflag:s14], $0x4000  }
0x3bb: {  	s0 =	sld [smem:$0x7CA]  }
0x3bc: {  	[sflag:s14] =	ssyncset.done $0x0  }
0x3bd: {  	[sflag:s14] =	ssyncadd.s32 $0xFFFFC000  }
0x3be: {  	[hbm4b:s0+s1] =	stream.linear.scatter [tilespmem:s10], [sflag:$0x8], $0x4000, $0x38;
	[tilespmem:$0x1E400] =	vst v63  }
0x3bf: {  	_ =	swait.ge [sflag:s12], $0x4000  }
0x3c0: {  	[sflag:s12] =	ssyncset.done $0x0  }
0x3c1: {  	[sflag:s12] =	ssyncadd.s32 $0xFFFFC000  }
0x3c2: {  	[tilespmem:s11], [sflag:$0x3] =	stream.indirect.gather [spmem:s2], $0x20, s23, s6, $0xb8;
	[tilespmem:$0x1E400] =	vst v63  }
0x3c3: {  	_ =	swait.ge [sflag:s8], $0x4000  }
0x3c4: {  	s0 =	sld [smem:$0x7CB]  }
0x3c5: {  	[sflag:s8] =	ssyncset.done $0x0  }
0x3c6: {  	[sflag:s8] =	ssyncadd.s32 $0xFFFFC000  }
0x3c7: {  	[hbm4b:s0+s1] =	stream.linear.scatter [tilespmem:s4], [sflag:$0x5], $0x4000, $0x38;
	[tilespmem:$0x1E400] =	vst v63  }
0x3c8: {  	_ =	swait.ge [sflag:s13], $0x4000  }
0x3c9: {  	[sflag:s13] =	ssyncset.done $0x0  }
0x3ca: {  	[sflag:s13] =	ssyncadd.s32 $0xFFFFC000  }
0x3cb: {  	[tilespmem:s10], [sflag:$0x4] =	stream.indirect.gather [spmem:s2], $0x20, s22, s6, $0xb8;
	[tilespmem:$0x1E400] =	vst v63  }
0x3cc: {  	_ =	swait.ge [sflag:s9], $0x4000  }
0x3cd: {  	s0 =	sld [smem:$0x7CC]  }
0x3ce: {  	[sflag:s9] =	ssyncset.done $0x0  }
0x3cf: {  	[sflag:s9] =	ssyncadd.s32 $0xFFFFC000  }
0x3d0: {  	[hbm4b:s0+s1] =	stream.linear.scatter [tilespmem:s3], [sflag:$0x6], $0x4000, $0x38;
	[tilespmem:$0x1E400] =	vst v63  }
0x3d1: {  	_ =	swait.ge [sflag:s5], $0x4000  }
0x3d2: {  	[sflag:s5] =	ssyncset.done $0x0  }
0x3d3: {  	[sflag:s5] =	ssyncadd.s32 $0xFFFFC000  }
0x3d4: {  	[tilespmem:s4], [sflag:$0x1] =	stream.indirect.gather [spmem:s2], $0x20, s21, s6, $0xb8;
	[tilespmem:$0x1E400] =	vst v63  }
0x3d5: {  	_ =	swait.ge [sflag:s15], $0x4000  }
0x3d6: {  	s0 =	sld [smem:$0x7CD]  }
0x3d7: {  	[sflag:s15] =	ssyncset.done $0x0  }
0x3d8: {  	[sflag:s15] =	ssyncadd.s32 $0xFFFFC000  }
0x3d9: {  	[hbm4b:s0+s1] =	stream.linear.scatter [tilespmem:s11], [sflag:$0x7], $0x4000, $0x38;
	[tilespmem:$0x1E400] =	vst v63  }
0x3da: {  	_ =	swait.ge [sflag:s7], $0x4000  }
0x3db: {  	[sflag:s7] =	ssyncset.done $0x0  }
0x3dc: {  	[sflag:s7] =	ssyncadd.s32 $0xFFFFC000  }
0x3dd: {  	[tilespmem:s3], [sflag:$0x2] =	stream.indirect.gather [spmem:s2], $0x20, s20, s6, $0xb8;
	[tilespmem:$0x1E400] =	vst v63  }
0x3de: {  	_ =	swait.ge [sflag:s14], $0x4000  }
0x3df: {  	s0 =	sld [smem:$0x7CE]  }
0x3e0: {  	[sflag:s14] =	ssyncset.done $0x0  }
0x3e1: {  	[sflag:s14] =	ssyncadd.s32 $0xFFFFC000  }
0x3e2: {  	[hbm4b:s0+s1] =	stream.linear.scatter [tilespmem:s10], [sflag:$0x8], $0x4000, $0x38;
	[tilespmem:$0x1E400] =	vst v63  }
0x3e3: {  	_ =	swait.ge [sflag:s12], $0x4000  }
0x3e4: {  	[sflag:s12] =	ssyncset.done $0x0  }
0x3e5: {  	[sflag:s12] =	ssyncadd.s32 $0xFFFFC000  }
0x3e6: {  	[tilespmem:s11], [sflag:$0x3] =	stream.indirect.gather [spmem:s2], $0x20, s19, s6, $0xb8;
	[tilespmem:$0x1E400] =	vst v63  }
0x3e7: {  	_ =	swait.ge [sflag:s8], $0x4000  }
0x3e8: {  	s0 =	sld [smem:$0x7CF]  }
0x3e9: {  	[sflag:s8] =	ssyncset.done $0x0  }
0x3ea: {  	[sflag:s8] =	ssyncadd.s32 $0xFFFFC000  }
0x3eb: {  	[hbm4b:s0+s1] =	stream.linear.scatter [tilespmem:s4], [sflag:$0x5], $0x4000, $0x38;
	[tilespmem:$0x1E400] =	vst v63  }
0x3ec: {  	_ =	swait.ge [sflag:s13], $0x4000  }
0x3ed: {  	[sflag:s13] =	ssyncset.done $0x0  }
0x3ee: {  	[sflag:s13] =	ssyncadd.s32 $0xFFFFC000  }
0x3ef: {  	[tilespmem:s10], [sflag:$0x4] =	stream.indirect.gather [spmem:s2], $0x20, s18, s6, $0xb8;
	[tilespmem:$0x1E400] =	vst v63  }
0x3f0: {  	_ =	swait.ge [sflag:s9], $0x4000  }
0x3f1: {  	s0 =	sld [smem:$0x7D0]  }
0x3f2: {  	[sflag:s9] =	ssyncset.done $0x0  }
0x3f3: {  	[sflag:s9] =	ssyncadd.s32 $0xFFFFC000  }
0x3f4: {  	[hbm4b:s0+s1] =	stream.linear.scatter [tilespmem:s3], [sflag:$0x6], $0x4000, $0x38;
	[tilespmem:$0x1E400] =	vst v63  }
0x3f5: {  	_ =	swait.ge [sflag:s5], $0x4000  }
0x3f6: {  	[sflag:s5] =	ssyncset.done $0x0  }
0x3f7: {  	[sflag:s5] =	ssyncadd.s32 $0xFFFFC000  }
0x3f8: {  	[tilespmem:s4], [sflag:$0x1] =	stream.indirect.gather [spmem:s2], $0x20, s17, s6, $0xb8;
	[tilespmem:$0x1E400] =	vst v63  }
0x3f9: {  	_ =	swait.ge [sflag:s15], $0x4000  }
0x3fa: {  	s0 =	sld [smem:$0x7D1]  }
0x3fb: {  	[sflag:s15] =	ssyncset.done $0x0  }
0x3fc: {  	[sflag:s15] =	ssyncadd.s32 $0xFFFFC000  }
0x3fd: {  	[hbm4b:s0+s1] =	stream.linear.scatter [tilespmem:s11], [sflag:$0x7], $0x4000, $0x38;
	[tilespmem:$0x1E400] =	vst v63  }
0x3fe: {  	_ =	swait.ge [sflag:s7], $0x4000  }
0x3ff: {  	[sflag:s7] =	ssyncset.done $0x0  }
0x400: {  	s16 =	simm.s32 $0xE200;
	[sflag:s7] =	ssyncadd.s32 $0xFFFFC000  }
0x401: {  	[tilespmem:s3], [sflag:$0x2] =	stream.indirect.gather [spmem:s2], $0x20, s16, s6, $0xb8;
	[tilespmem:$0x1E400] =	vst v63  }
0x402: {  	_ =	swait.ge [sflag:s14], $0x4000  }
0x403: {  	s16 =	sld [smem:$0x7D2]  }
0x404: {  	[sflag:s14] =	ssyncset.done $0x0  }
0x405: {  	[sflag:s14] =	ssyncadd.s32 $0xFFFFC000  }
0x406: {  	[hbm4b:s16+s1] =	stream.linear.scatter [tilespmem:s10], [sflag:$0x8], $0x4000, $0x38;
	[tilespmem:$0x1E400] =	vst v63  }
0x407: {  	_ =	swait.ge [sflag:s8], $0x4000  }
0x408: {  	s16 =	sld [smem:$0x7D3]  }
0x409: {  	[sflag:s8] =	ssyncset.done $0x0  }
0x40a: {  	[sflag:s8] =	ssyncadd.s32 $0xFFFFC000  }
0x40b: {  	[hbm4b:s16+s1] =	stream.linear.scatter [tilespmem:s4], [sflag:$0x5], $0x4000, $0x38;
	[tilespmem:$0x1E400] =	vst v63  }
0x40c: {  	_ =	swait.ge [sflag:s9], $0x4000  }
0x40d: {  	s16 =	sld [smem:$0x7D4]  }
0x40e: {  	[sflag:s9] =	ssyncset.done $0x0  }
0x40f: {  	[sflag:s9] =	ssyncadd.s32 $0xFFFFC000  }
0x410: {  	[hbm4b:s16+s1] =	stream.linear.scatter [tilespmem:s3], [sflag:$0x6], $0x4000, $0x38;
	[tilespmem:$0x1E400] =	vst v63  }
0x411: {  	_ =	swait.ge [sflag:s12], $0x4000  }
0x412: {  	[sflag:s12] =	ssyncset.done $0x0  }
0x413: {  	[sflag:s12] =	ssyncadd.s32 $0xFFFFC000  }
0x414: {  	_ =	swait.ge [sflag:s13], $0x4000  }
0x415: {  	s31 =	sadd.s32 $0xFFFFFFFF, s31;
	[sflag:s13] =	ssyncset.done $0x0  }
0x416: {  	p2 =	sne.s32 s31, $0x0;
	[sflag:s13] =	ssyncadd.s32 $0xFFFFC000  }
.Ltmp2:
0x417: {  	_ =	swait.ge [sflag:s5], $0x4000;
	(pc) =	sbr.rel @p2 .LBB2_4-.Ltmp2, $4  }
0x418: {  	[sflag:s5] =	ssyncset.done $0x0  }
0x419: {  	[sflag:s5] =	ssyncadd.s32 $0xFFFFC000  }
0x41a: {  	_ =	swait.ge [sflag:s7], $0x4000  }
0x41b: {  	s0 =	rddreg [dreg:$0x4];
	[sflag:s7] =	ssyncset.done $0x0  }
0x41c: {  	s30 =	simm.s32 $0xE200;
	s29 =	rddreg [dreg:$0x3]  }
.LBB2_6:
0x41d: {  	[sflag:s7] =	ssyncadd.s32 @p1 $0xFFFFC000;
	s16 =	simm.s32 @!p0 $0x1C09  }
0x41e: {  	[spmem:s28], [sflag:s16] =	dma.local @!p0 [hbm:s0], $0x10000  }
0x41f: {  	s0 =	simm.s32 @!p0 $0x9  }
0x420: {  	_ =	swait.ge @!p0 [sflag:s0], $0x10000  }
0x421: {  	[sflag:s0] =	ssyncset.done @!p0 $0x0  }
0x422: {  	s31 =	rddreg [dreg:$0x5];
	[sflag:s0] =	ssyncadd.s32 @!p0 $0xFFFF0000  }
0x423: {  	[tilespmem:s25], [sflag:$0x9] =	stream.linear.gather [hbm4b:s31+s1], $0x6400, $0x38;
	[tilespmem:$0x1E400] =	vst v63  }
0x424: {  	_ =	swait.ge [sflag:s26], $0x6400  }
0x425: {  	[sflag:s26] =	ssyncset.done $0x0  }
0x426: {  	[sflag:s26] =	ssyncadd.s32 $0xFFFF9C00  }
0x427: {  	[bflag:$0x0] =	sbarrier.arrive $0xFFFF  }
0x428: {  	s26 =	sld [smem:$0x7D5]  }
0x429: {  	[tilespmem:s4], [sflag:$0x1] =	stream.indirect.gather [spmem:s2], $0x20, s25, s6, $0xb8;
	[tilespmem:$0x1E400] =	vst v63  }
0x42a: {  	s28 =	sld [smem:$0x7D6]  }
0x42b: {  	[tilespmem:s3], [sflag:$0x2] =	stream.indirect.gather [spmem:s2], $0x20, s26, s6, $0xb8;
	[tilespmem:$0x1E400] =	vst v63  }
0x42c: {  	_ = 	snop  }
0x42d: {  	[tilespmem:s11], [sflag:$0x3] =	stream.indirect.gather [spmem:s2], $0x20, s28, s6, $0xb8;
	[tilespmem:$0x1E400] =	vst v63  }
0x42e: {  	_ =	swait.ge [sflag:s8], $0x4000  }
0x42f: {  	[sflag:s8] =	ssyncset.done $0x0  }
0x430: {  	s31 =	sld [smem:$0x7D7];
	[sflag:s8] =	ssyncadd.s32 $0xFFFFC000  }
0x431: {  	[hbm4b:s24+s1] =	stream.linear.scatter [tilespmem:s4], [sflag:$0x5], $0x4000, $0x38;
	[tilespmem:$0x1E400] =	vst v63  }
0x432: {  	_ = 	snop  }
0x433: {  	[tilespmem:s10], [sflag:$0x4] =	stream.indirect.gather [spmem:s2], $0x20, s31, s6, $0xb8;
	[tilespmem:$0x1E400] =	vst v63  }
0x434: {  	_ =	swait.ge [sflag:s9], $0x4000  }
0x435: {  	[sflag:s9] =	ssyncset.done $0x0  }
0x436: {  	s16 =	rddreg [dreg:$0x6];
	[sflag:s9] =	ssyncadd.s32 $0xFFFFC000  }
0x437: {  	[hbm4b:s16+s1] =	stream.linear.scatter [tilespmem:s3], [sflag:$0x6], $0x4000, $0x38;
	[tilespmem:$0x1E400] =	vst v63  }
0x438: {  	_ =	swait.ge [sflag:s5], $0x4000  }
0x439: {  	s24 =	sld [smem:$0x7D8]  }
0x43a: {  	[sflag:s5] =	ssyncset.done $0x0  }
0x43b: {  	[sflag:s5] =	ssyncadd.s32 $0xFFFFC000  }
0x43c: {  	[tilespmem:s4], [sflag:$0x1] =	stream.indirect.gather [spmem:s2], $0x20, s24, s6, $0xb8;
	[tilespmem:$0x1E400] =	vst v63  }
0x43d: {  	_ =	swait.ge [sflag:s15], $0x4000  }
0x43e: {  	[sflag:s15] =	ssyncset.done $0x0  }
0x43f: {  	s25 =	rddreg [dreg:$0x7];
	[sflag:s15] =	ssyncadd.s32 $0xFFFFC000  }
0x440: {  	[hbm4b:s25+s1] =	stream.linear.scatter [tilespmem:s11], [sflag:$0x7], $0x4000, $0x38;
	[tilespmem:$0x1E400] =	vst v63  }
0x441: {  	_ =	swait.ge [sflag:s7], $0x4000  }
0x442: {  	s26 =	sld [smem:$0x7D9]  }
0x443: {  	[sflag:s7] =	ssyncset.done $0x0  }
0x444: {  	[sflag:s7] =	ssyncadd.s32 $0xFFFFC000  }
0x445: {  	[tilespmem:s3], [sflag:$0x2] =	stream.indirect.gather [spmem:s2], $0x20, s26, s6, $0xb8;
	[tilespmem:$0x1E400] =	vst v63  }
0x446: {  	_ =	swait.ge [sflag:s14], $0x4000  }
0x447: {  	[sflag:s14] =	ssyncset.done $0x0  }
0x448: {  	s28 =	rddreg [dreg:$0x8];
	[sflag:s14] =	ssyncadd.s32 $0xFFFFC000  }
0x449: {  	[hbm4b:s28+s1] =	stream.linear.scatter [tilespmem:s10], [sflag:$0x8], $0x4000, $0x38;
	[tilespmem:$0x1E400] =	vst v63  }
0x44a: {  	_ =	swait.ge [sflag:s12], $0x4000  }
0x44b: {  	s31 =	sld [smem:$0x7DA]  }
0x44c: {  	[sflag:s12] =	ssyncset.done $0x0  }
0x44d: {  	[sflag:s12] =	ssyncadd.s32 $0xFFFFC000  }
0x44e: {  	[tilespmem:s11], [sflag:$0x3] =	stream.indirect.gather [spmem:s2], $0x20, s31, s6, $0xb8;
	[tilespmem:$0x1E400] =	vst v63  }
0x44f: {  	_ =	swait.ge [sflag:s8], $0x4000  }
0x450: {  	[sflag:s8] =	ssyncset.done $0x0  }
0x451: {  	s16 =	rddreg [dreg:$0x9];
	[sflag:s8] =	ssyncadd.s32 $0xFFFFC000  }
0x452: {  	[hbm4b:s16+s1] =	stream.linear.scatter [tilespmem:s4], [sflag:$0x5], $0x4000, $0x38;
	[tilespmem:$0x1E400] =	vst v63  }
0x453: {  	_ =	swait.ge [sflag:s13], $0x4000  }
0x454: {  	s24 =	sld [smem:$0x7DB]  }
0x455: {  	[sflag:s13] =	ssyncset.done $0x0  }
0x456: {  	[sflag:s13] =	ssyncadd.s32 $0xFFFFC000  }
0x457: {  	[tilespmem:s10], [sflag:$0x4] =	stream.indirect.gather [spmem:s2], $0x20, s24, s6, $0xb8;
	[tilespmem:$0x1E400] =	vst v63  }
0x458: {  	_ =	swait.ge [sflag:s9], $0x4000  }
0x459: {  	[sflag:s9] =	ssyncset.done $0x0  }
0x45a: {  	s25 =	rddreg [dreg:$0xa];
	[sflag:s9] =	ssyncadd.s32 $0xFFFFC000  }
0x45b: {  	[hbm4b:s25+s1] =	stream.linear.scatter [tilespmem:s3], [sflag:$0x6], $0x4000, $0x38;
	[tilespmem:$0x1E400] =	vst v63  }
0x45c: {  	_ =	swait.ge [sflag:s5], $0x4000  }
0x45d: {  	s26 =	sld [smem:$0x7DC]  }
0x45e: {  	[sflag:s5] =	ssyncset.done $0x0  }
0x45f: {  	[sflag:s5] =	ssyncadd.s32 $0xFFFFC000  }
0x460: {  	[tilespmem:s4], [sflag:$0x1] =	stream.indirect.gather [spmem:s2], $0x20, s26, s6, $0xb8;
	[tilespmem:$0x1E400] =	vst v63  }
0x461: {  	_ =	swait.ge [sflag:s15], $0x4000  }
0x462: {  	[sflag:s15] =	ssyncset.done $0x0  }
0x463: {  	s28 =	rddreg [dreg:$0xb];
	[sflag:s15] =	ssyncadd.s32 $0xFFFFC000  }
0x464: {  	[hbm4b:s28+s1] =	stream.linear.scatter [tilespmem:s11], [sflag:$0x7], $0x4000, $0x38;
	[tilespmem:$0x1E400] =	vst v63  }
0x465: {  	_ =	swait.ge [sflag:s7], $0x4000  }
0x466: {  	s31 =	sld [smem:$0x7DD]  }
0x467: {  	[sflag:s7] =	ssyncset.done $0x0  }
0x468: {  	[sflag:s7] =	ssyncadd.s32 $0xFFFFC000  }
0x469: {  	[tilespmem:s3], [sflag:$0x2] =	stream.indirect.gather [spmem:s2], $0x20, s31, s6, $0xb8;
	[tilespmem:$0x1E400] =	vst v63  }
0x46a: {  	_ =	swait.ge [sflag:s14], $0x4000  }
0x46b: {  	[sflag:s14] =	ssyncset.done $0x0  }
0x46c: {  	s16 =	rddreg [dreg:$0xc];
	[sflag:s14] =	ssyncadd.s32 $0xFFFFC000  }
0x46d: {  	[hbm4b:s16+s1] =	stream.linear.scatter [tilespmem:s10], [sflag:$0x8], $0x4000, $0x38;
	[tilespmem:$0x1E400] =	vst v63  }
0x46e: {  	_ =	swait.ge [sflag:s12], $0x4000  }
0x46f: {  	s24 =	sld [smem:$0x7DE]  }
0x470: {  	[sflag:s12] =	ssyncset.done $0x0  }
0x471: {  	[sflag:s12] =	ssyncadd.s32 $0xFFFFC000  }
0x472: {  	[tilespmem:s11], [sflag:$0x3] =	stream.indirect.gather [spmem:s2], $0x20, s24, s6, $0xb8;
	[tilespmem:$0x1E400] =	vst v63  }
0x473: {  	_ =	swait.ge [sflag:s8], $0x4000  }
0x474: {  	[sflag:s8] =	ssyncset.done $0x0  }
0x475: {  	s25 =	rddreg [dreg:$0xd];
	[sflag:s8] =	ssyncadd.s32 $0xFFFFC000  }
0x476: {  	[hbm4b:s25+s1] =	stream.linear.scatter [tilespmem:s4], [sflag:$0x5], $0x4000, $0x38;
	[tilespmem:$0x1E400] =	vst v63  }
0x477: {  	_ =	swait.ge [sflag:s13], $0x4000  }
0x478: {  	s26 =	sld [smem:$0x7DF]  }
0x479: {  	[sflag:s13] =	ssyncset.done $0x0  }
0x47a: {  	[sflag:s13] =	ssyncadd.s32 $0xFFFFC000  }
0x47b: {  	[tilespmem:s10], [sflag:$0x4] =	stream.indirect.gather [spmem:s2], $0x20, s26, s6, $0xb8;
	[tilespmem:$0x1E400] =	vst v63  }
0x47c: {  	_ =	swait.ge [sflag:s9], $0x4000  }
0x47d: {  	[sflag:s9] =	ssyncset.done $0x0  }
0x47e: {  	s28 =	rddreg [dreg:$0xe];
	[sflag:s9] =	ssyncadd.s32 $0xFFFFC000  }
0x47f: {  	[hbm4b:s28+s1] =	stream.linear.scatter [tilespmem:s3], [sflag:$0x6], $0x4000, $0x38;
	[tilespmem:$0x1E400] =	vst v63  }
0x480: {  	_ =	swait.ge [sflag:s5], $0x4000  }
0x481: {  	s31 =	sld [smem:$0x7E0]  }
0x482: {  	[sflag:s5] =	ssyncset.done $0x0  }
0x483: {  	[sflag:s5] =	ssyncadd.s32 $0xFFFFC000  }
0x484: {  	[tilespmem:s4], [sflag:$0x1] =	stream.indirect.gather [spmem:s2], $0x20, s31, s6, $0xb8;
	[tilespmem:$0x1E400] =	vst v63  }
0x485: {  	_ =	swait.ge [sflag:s15], $0x4000  }
0x486: {  	[sflag:s15] =	ssyncset.done $0x0  }
0x487: {  	s16 =	rddreg [dreg:$0xf];
	[sflag:s15] =	ssyncadd.s32 $0xFFFFC000  }
0x488: {  	[hbm4b:s16+s1] =	stream.linear.scatter [tilespmem:s11], [sflag:$0x7], $0x4000, $0x38;
	[tilespmem:$0x1E400] =	vst v63  }
0x489: {  	_ =	swait.ge [sflag:s7], $0x4000  }
0x48a: {  	s24 =	sld [smem:$0x7E1]  }
0x48b: {  	[sflag:s7] =	ssyncset.done $0x0  }
0x48c: {  	[sflag:s7] =	ssyncadd.s32 $0xFFFFC000  }
0x48d: {  	[tilespmem:s3], [sflag:$0x2] =	stream.indirect.gather [spmem:s2], $0x20, s24, s6, $0xb8;
	[tilespmem:$0x1E400] =	vst v63  }
0x48e: {  	_ =	swait.ge [sflag:s14], $0x4000  }
0x48f: {  	[sflag:s14] =	ssyncset.done $0x0  }
0x490: {  	s25 =	rddreg [dreg:$0x10];
	[sflag:s14] =	ssyncadd.s32 $0xFFFFC000  }
0x491: {  	[hbm4b:s25+s1] =	stream.linear.scatter [tilespmem:s10], [sflag:$0x8], $0x4000, $0x38;
	[tilespmem:$0x1E400] =	vst v63  }
0x492: {  	_ =	swait.ge [sflag:s12], $0x4000  }
0x493: {  	s26 =	sld [smem:$0x7E2]  }
0x494: {  	[sflag:s12] =	ssyncset.done $0x0  }
0x495: {  	[sflag:s12] =	ssyncadd.s32 $0xFFFFC000  }
0x496: {  	[tilespmem:s11], [sflag:$0x3] =	stream.indirect.gather [spmem:s2], $0x20, s26, s6, $0xb8;
	[tilespmem:$0x1E400] =	vst v63  }
0x497: {  	_ =	swait.ge [sflag:s8], $0x4000  }
0x498: {  	[sflag:s8] =	ssyncset.done $0x0  }
0x499: {  	s28 =	rddreg [dreg:$0x11];
	[sflag:s8] =	ssyncadd.s32 $0xFFFFC000  }
0x49a: {  	[hbm4b:s28+s1] =	stream.linear.scatter [tilespmem:s4], [sflag:$0x5], $0x4000, $0x38;
	[tilespmem:$0x1E400] =	vst v63  }
0x49b: {  	_ =	swait.ge [sflag:s13], $0x4000  }
0x49c: {  	s31 =	sld [smem:$0x7E3]  }
0x49d: {  	[sflag:s13] =	ssyncset.done $0x0  }
0x49e: {  	[sflag:s13] =	ssyncadd.s32 $0xFFFFC000  }
0x49f: {  	[tilespmem:s10], [sflag:$0x4] =	stream.indirect.gather [spmem:s2], $0x20, s31, s6, $0xb8;
	[tilespmem:$0x1E400] =	vst v63  }
0x4a0: {  	_ =	swait.ge [sflag:s9], $0x4000  }
0x4a1: {  	[sflag:s9] =	ssyncset.done $0x0  }
0x4a2: {  	s16 =	rddreg [dreg:$0x12];
	[sflag:s9] =	ssyncadd.s32 $0xFFFFC000  }
0x4a3: {  	[hbm4b:s16+s1] =	stream.linear.scatter [tilespmem:s3], [sflag:$0x6], $0x4000, $0x38;
	[tilespmem:$0x1E400] =	vst v63  }
0x4a4: {  	_ =	swait.ge [sflag:s5], $0x4000  }
0x4a5: {  	s24 =	sld [smem:$0x7E4]  }
0x4a6: {  	[sflag:s5] =	ssyncset.done $0x0  }
0x4a7: {  	[sflag:s5] =	ssyncadd.s32 $0xFFFFC000  }
0x4a8: {  	[tilespmem:s4], [sflag:$0x1] =	stream.indirect.gather [spmem:s2], $0x20, s24, s6, $0xb8;
	[tilespmem:$0x1E400] =	vst v63  }
0x4a9: {  	_ =	swait.ge [sflag:s15], $0x4000  }
0x4aa: {  	[sflag:s15] =	ssyncset.done $0x0  }
0x4ab: {  	s25 =	rddreg [dreg:$0x13];
	[sflag:s15] =	ssyncadd.s32 $0xFFFFC000  }
0x4ac: {  	[hbm4b:s25+s1] =	stream.linear.scatter [tilespmem:s11], [sflag:$0x7], $0x4000, $0x38;
	[tilespmem:$0x1E400] =	vst v63  }
0x4ad: {  	_ =	swait.ge [sflag:s7], $0x4000  }
0x4ae: {  	s26 =	sld [smem:$0x7E5]  }
0x4af: {  	[sflag:s7] =	ssyncset.done $0x0  }
0x4b0: {  	[sflag:s7] =	ssyncadd.s32 $0xFFFFC000  }
0x4b1: {  	[tilespmem:s3], [sflag:$0x2] =	stream.indirect.gather [spmem:s2], $0x20, s26, s6, $0xb8;
	[tilespmem:$0x1E400] =	vst v63  }
0x4b2: {  	_ =	swait.ge [sflag:s14], $0x4000  }
0x4b3: {  	[sflag:s14] =	ssyncset.done $0x0  }
0x4b4: {  	s28 =	rddreg [dreg:$0x14];
	[sflag:s14] =	ssyncadd.s32 $0xFFFFC000  }
0x4b5: {  	[hbm4b:s28+s1] =	stream.linear.scatter [tilespmem:s10], [sflag:$0x8], $0x4000, $0x38;
	[tilespmem:$0x1E400] =	vst v63  }
0x4b6: {  	_ =	swait.ge [sflag:s12], $0x4000  }
0x4b7: {  	s31 =	sld [smem:$0x7E6]  }
0x4b8: {  	[sflag:s12] =	ssyncset.done $0x0  }
0x4b9: {  	[sflag:s12] =	ssyncadd.s32 $0xFFFFC000  }
0x4ba: {  	[tilespmem:s11], [sflag:$0x3] =	stream.indirect.gather [spmem:s2], $0x20, s31, s6, $0xb8;
	[tilespmem:$0x1E400] =	vst v63  }
0x4bb: {  	_ =	swait.ge [sflag:s8], $0x4000  }
0x4bc: {  	[sflag:s8] =	ssyncset.done $0x0  }
0x4bd: {  	s16 =	rddreg [dreg:$0x15];
	[sflag:s8] =	ssyncadd.s32 $0xFFFFC000  }
0x4be: {  	[hbm4b:s16+s1] =	stream.linear.scatter [tilespmem:s4], [sflag:$0x5], $0x4000, $0x38;
	[tilespmem:$0x1E400] =	vst v63  }
0x4bf: {  	_ =	swait.ge [sflag:s13], $0x4000  }
0x4c0: {  	s24 =	sld [smem:$0x7E7]  }
0x4c1: {  	[sflag:s13] =	ssyncset.done $0x0  }
0x4c2: {  	[sflag:s13] =	ssyncadd.s32 $0xFFFFC000  }
0x4c3: {  	[tilespmem:s10], [sflag:$0x4] =	stream.indirect.gather [spmem:s2], $0x20, s24, s6, $0xb8;
	[tilespmem:$0x1E400] =	vst v63  }
0x4c4: {  	_ =	swait.ge [sflag:s9], $0x4000  }
0x4c5: {  	[sflag:s9] =	ssyncset.done $0x0  }
0x4c6: {  	s25 =	rddreg [dreg:$0x16];
	[sflag:s9] =	ssyncadd.s32 $0xFFFFC000  }
0x4c7: {  	[hbm4b:s25+s1] =	stream.linear.scatter [tilespmem:s3], [sflag:$0x6], $0x4000, $0x38;
	[tilespmem:$0x1E400] =	vst v63  }
0x4c8: {  	_ =	swait.ge [sflag:s5], $0x4000  }
0x4c9: {  	s26 =	sld [smem:$0x7E8]  }
0x4ca: {  	[sflag:s5] =	ssyncset.done $0x0  }
0x4cb: {  	[sflag:s5] =	ssyncadd.s32 $0xFFFFC000  }
0x4cc: {  	[tilespmem:s4], [sflag:$0x1] =	stream.indirect.gather [spmem:s2], $0x20, s26, s6, $0xb8;
	[tilespmem:$0x1E400] =	vst v63  }
0x4cd: {  	_ =	swait.ge [sflag:s15], $0x4000  }
0x4ce: {  	[sflag:s15] =	ssyncset.done $0x0  }
0x4cf: {  	s28 =	rddreg [dreg:$0x17];
	[sflag:s15] =	ssyncadd.s32 $0xFFFFC000  }
0x4d0: {  	[hbm4b:s28+s1] =	stream.linear.scatter [tilespmem:s11], [sflag:$0x7], $0x4000, $0x38;
	[tilespmem:$0x1E400] =	vst v63  }
0x4d1: {  	_ =	swait.ge [sflag:s7], $0x4000  }
0x4d2: {  	s31 =	sld [smem:$0x7E9]  }
0x4d3: {  	[sflag:s7] =	ssyncset.done $0x0  }
0x4d4: {  	[sflag:s7] =	ssyncadd.s32 $0xFFFFC000  }
0x4d5: {  	[tilespmem:s3], [sflag:$0x2] =	stream.indirect.gather [spmem:s2], $0x20, s31, s6, $0xb8;
	[tilespmem:$0x1E400] =	vst v63  }
0x4d6: {  	_ =	swait.ge [sflag:s14], $0x4000  }
0x4d7: {  	[sflag:s14] =	ssyncset.done $0x0  }
0x4d8: {  	s16 =	rddreg [dreg:$0x18];
	[sflag:s14] =	ssyncadd.s32 $0xFFFFC000  }
0x4d9: {  	[hbm4b:s16+s1] =	stream.linear.scatter [tilespmem:s10], [sflag:$0x8], $0x4000, $0x38;
	[tilespmem:$0x1E400] =	vst v63  }
0x4da: {  	_ =	swait.ge [sflag:s12], $0x4000  }
0x4db: {  	s24 =	sld [smem:$0x7EA]  }
0x4dc: {  	[sflag:s12] =	ssyncset.done $0x0  }
0x4dd: {  	[sflag:s12] =	ssyncadd.s32 $0xFFFFC000  }
0x4de: {  	[tilespmem:s11], [sflag:$0x3] =	stream.indirect.gather [spmem:s2], $0x20, s24, s6, $0xb8;
	[tilespmem:$0x1E400] =	vst v63  }
0x4df: {  	_ =	swait.ge [sflag:s8], $0x4000  }
0x4e0: {  	[sflag:s8] =	ssyncset.done $0x0  }
0x4e1: {  	s25 =	rddreg [dreg:$0x19];
	[sflag:s8] =	ssyncadd.s32 $0xFFFFC000  }
0x4e2: {  	[hbm4b:s25+s1] =	stream.linear.scatter [tilespmem:s4], [sflag:$0x5], $0x4000, $0x38;
	[tilespmem:$0x1E400] =	vst v63  }
0x4e3: {  	_ =	swait.ge [sflag:s13], $0x4000  }
0x4e4: {  	s26 =	sld [smem:$0x7EB]  }
0x4e5: {  	[sflag:s13] =	ssyncset.done $0x0  }
0x4e6: {  	[sflag:s13] =	ssyncadd.s32 $0xFFFFC000  }
0x4e7: {  	[tilespmem:s10], [sflag:$0x4] =	stream.indirect.gather [spmem:s2], $0x20, s26, s6, $0xb8;
	[tilespmem:$0x1E400] =	vst v63  }
0x4e8: {  	_ =	swait.ge [sflag:s9], $0x4000  }
0x4e9: {  	[sflag:s9] =	ssyncset.done $0x0  }
0x4ea: {  	s28 =	rddreg [dreg:$0x1a];
	[sflag:s9] =	ssyncadd.s32 $0xFFFFC000  }
0x4eb: {  	[hbm4b:s28+s1] =	stream.linear.scatter [tilespmem:s3], [sflag:$0x6], $0x4000, $0x38;
	[tilespmem:$0x1E400] =	vst v63  }
0x4ec: {  	_ =	swait.ge [sflag:s5], $0x4000  }
0x4ed: {  	s31 =	sld [smem:$0x7EC]  }
0x4ee: {  	[sflag:s5] =	ssyncset.done $0x0  }
0x4ef: {  	[sflag:s5] =	ssyncadd.s32 $0xFFFFC000  }
0x4f0: {  	[tilespmem:s4], [sflag:$0x1] =	stream.indirect.gather [spmem:s2], $0x20, s31, s6, $0xb8;
	[tilespmem:$0x1E400] =	vst v63  }
0x4f1: {  	_ =	swait.ge [sflag:s15], $0x4000  }
0x4f2: {  	[sflag:s15] =	ssyncset.done $0x0  }
0x4f3: {  	s16 =	rddreg [dreg:$0x1b];
	[sflag:s15] =	ssyncadd.s32 $0xFFFFC000  }
0x4f4: {  	[hbm4b:s16+s1] =	stream.linear.scatter [tilespmem:s11], [sflag:$0x7], $0x4000, $0x38;
	[tilespmem:$0x1E400] =	vst v63  }
0x4f5: {  	_ =	swait.ge [sflag:s7], $0x4000  }
0x4f6: {  	s24 =	sld [smem:$0x7ED]  }
0x4f7: {  	[sflag:s7] =	ssyncset.done $0x0  }
0x4f8: {  	[sflag:s7] =	ssyncadd.s32 $0xFFFFC000  }
0x4f9: {  	[tilespmem:s3], [sflag:$0x2] =	stream.indirect.gather [spmem:s2], $0x20, s24, s6, $0xb8;
	[tilespmem:$0x1E400] =	vst v63  }
0x4fa: {  	_ =	swait.ge [sflag:s14], $0x4000  }
0x4fb: {  	[sflag:s14] =	ssyncset.done $0x0  }
0x4fc: {  	s25 =	rddreg [dreg:$0x1c];
	[sflag:s14] =	ssyncadd.s32 $0xFFFFC000  }
0x4fd: {  	[hbm4b:s25+s1] =	stream.linear.scatter [tilespmem:s10], [sflag:$0x8], $0x4000, $0x38;
	[tilespmem:$0x1E400] =	vst v63  }
0x4fe: {  	_ =	swait.ge [sflag:s12], $0x4000  }
0x4ff: {  	s26 =	sld [smem:$0x7EE]  }
0x500: {  	[sflag:s12] =	ssyncset.done $0x0  }
0x501: {  	[sflag:s12] =	ssyncadd.s32 $0xFFFFC000  }
0x502: {  	[tilespmem:s11], [sflag:$0x3] =	stream.indirect.gather [spmem:s2], $0x20, s26, s6, $0xb8;
	[tilespmem:$0x1E400] =	vst v63  }
0x503: {  	_ =	swait.ge [sflag:s8], $0x4000  }
0x504: {  	[sflag:s8] =	ssyncset.done $0x0  }
0x505: {  	s28 =	rddreg [dreg:$0x1d];
	[sflag:s8] =	ssyncadd.s32 $0xFFFFC000  }
0x506: {  	[hbm4b:s28+s1] =	stream.linear.scatter [tilespmem:s4], [sflag:$0x5], $0x4000, $0x38;
	[tilespmem:$0x1E400] =	vst v63  }
0x507: {  	_ =	swait.ge [sflag:s13], $0x4000  }
0x508: {  	s31 =	sld [smem:$0x7EF]  }
0x509: {  	[sflag:s13] =	ssyncset.done $0x0  }
0x50a: {  	[sflag:s13] =	ssyncadd.s32 $0xFFFFC000  }
0x50b: {  	[tilespmem:s10], [sflag:$0x4] =	stream.indirect.gather [spmem:s2], $0x20, s31, s6, $0xb8;
	[tilespmem:$0x1E400] =	vst v63  }
0x50c: {  	_ =	swait.ge [sflag:s9], $0x4000  }
0x50d: {  	[sflag:s9] =	ssyncset.done $0x0  }
0x50e: {  	s16 =	rddreg [dreg:$0x1e];
	[sflag:s9] =	ssyncadd.s32 $0xFFFFC000  }
0x50f: {  	[hbm4b:s16+s1] =	stream.linear.scatter [tilespmem:s3], [sflag:$0x6], $0x4000, $0x38;
	[tilespmem:$0x1E400] =	vst v63  }
0x510: {  	_ =	swait.ge [sflag:s5], $0x4000  }
0x511: {  	s24 =	sld [smem:$0x7F0]  }
0x512: {  	[sflag:s5] =	ssyncset.done $0x0  }
0x513: {  	[sflag:s5] =	ssyncadd.s32 $0xFFFFC000  }
0x514: {  	[tilespmem:s4], [sflag:$0x1] =	stream.indirect.gather [spmem:s2], $0x20, s24, s6, $0xb8;
	[tilespmem:$0x1E400] =	vst v63  }
0x515: {  	_ =	swait.ge [sflag:s15], $0x4000  }
0x516: {  	[sflag:s15] =	ssyncset.done $0x0  }
0x517: {  	s25 =	rddreg [dreg:$0x1f];
	[sflag:s15] =	ssyncadd.s32 $0xFFFFC000  }
0x518: {  	[hbm4b:s25+s1] =	stream.linear.scatter [tilespmem:s11], [sflag:$0x7], $0x4000, $0x38;
	[tilespmem:$0x1E400] =	vst v63  }
0x519: {  	_ =	swait.ge [sflag:s7], $0x4000  }
0x51a: {  	s26 =	sld [smem:$0x7F1]  }
0x51b: {  	[sflag:s7] =	ssyncset.done $0x0  }
0x51c: {  	[sflag:s7] =	ssyncadd.s32 $0xFFFFC000  }
0x51d: {  	[tilespmem:s3], [sflag:$0x2] =	stream.indirect.gather [spmem:s2], $0x20, s26, s6, $0xb8;
	[tilespmem:$0x1E400] =	vst v63  }
0x51e: {  	_ =	swait.ge [sflag:s14], $0x4000  }
0x51f: {  	s28 =	sld [smem:$0x7BE]  }
0x520: {  	[sflag:s14] =	ssyncset.done $0x0  }
0x521: {  	[sflag:s14] =	ssyncadd.s32 $0xFFFFC000  }
0x522: {  	[hbm4b:s28+s1] =	stream.linear.scatter [tilespmem:s10], [sflag:$0x8], $0x4000, $0x38;
	[tilespmem:$0x1E400] =	vst v63  }
0x523: {  	_ =	swait.ge [sflag:s12], $0x4000  }
0x524: {  	s31 =	sld [smem:$0x7F2]  }
0x525: {  	[sflag:s12] =	ssyncset.done $0x0  }
0x526: {  	[sflag:s12] =	ssyncadd.s32 $0xFFFFC000  }
0x527: {  	[tilespmem:s11], [sflag:$0x3] =	stream.indirect.gather [spmem:s2], $0x20, s31, s6, $0xb8;
	[tilespmem:$0x1E400] =	vst v63  }
0x528: {  	_ =	swait.ge [sflag:s8], $0x4000  }
0x529: {  	s16 =	sld [smem:$0x7BF]  }
0x52a: {  	[sflag:s8] =	ssyncset.done $0x0  }
0x52b: {  	[sflag:s8] =	ssyncadd.s32 $0xFFFFC000  }
0x52c: {  	[hbm4b:s16+s1] =	stream.linear.scatter [tilespmem:s4], [sflag:$0x5], $0x4000, $0x38;
	[tilespmem:$0x1E400] =	vst v63  }
0x52d: {  	_ =	swait.ge [sflag:s13], $0x4000  }
0x52e: {  	s24 =	sld [smem:$0x7F3]  }
0x52f: {  	[sflag:s13] =	ssyncset.done $0x0  }
0x530: {  	[sflag:s13] =	ssyncadd.s32 $0xFFFFC000  }
0x531: {  	[tilespmem:s10], [sflag:$0x4] =	stream.indirect.gather [spmem:s2], $0x20, s24, s6, $0xb8;
	[tilespmem:$0x1E400] =	vst v63  }
0x532: {  	_ =	swait.ge [sflag:s9], $0x4000  }
0x533: {  	s25 =	sld [smem:$0x7C0]  }
0x534: {  	[sflag:s9] =	ssyncset.done $0x0  }
0x535: {  	[sflag:s9] =	ssyncadd.s32 $0xFFFFC000  }
0x536: {  	[hbm4b:s25+s1] =	stream.linear.scatter [tilespmem:s3], [sflag:$0x6], $0x4000, $0x38;
	[tilespmem:$0x1E400] =	vst v63  }
0x537: {  	_ =	swait.ge [sflag:s5], $0x4000  }
0x538: {  	s26 =	sld [smem:$0x7F4]  }
0x539: {  	[sflag:s5] =	ssyncset.done $0x0  }
0x53a: {  	[sflag:s5] =	ssyncadd.s32 $0xFFFFC000  }
0x53b: {  	[tilespmem:s4], [sflag:$0x1] =	stream.indirect.gather [spmem:s2], $0x20, s26, s6, $0xb8;
	[tilespmem:$0x1E400] =	vst v63  }
0x53c: {  	_ =	swait.ge [sflag:s15], $0x4000  }
0x53d: {  	s28 =	sld [smem:$0x7C1]  }
0x53e: {  	[sflag:s15] =	ssyncset.done $0x0  }
0x53f: {  	[sflag:s15] =	ssyncadd.s32 $0xFFFFC000  }
0x540: {  	[hbm4b:s28+s1] =	stream.linear.scatter [tilespmem:s11], [sflag:$0x7], $0x4000, $0x38;
	[tilespmem:$0x1E400] =	vst v63  }
0x541: {  	_ =	swait.ge [sflag:s7], $0x4000  }
0x542: {  	s31 =	sld [smem:$0x7F5]  }
0x543: {  	[sflag:s7] =	ssyncset.done $0x0  }
0x544: {  	[sflag:s7] =	ssyncadd.s32 $0xFFFFC000  }
0x545: {  	[tilespmem:s3], [sflag:$0x2] =	stream.indirect.gather [spmem:s2], $0x20, s31, s6, $0xb8;
	[tilespmem:$0x1E400] =	vst v63  }
0x546: {  	_ =	swait.ge [sflag:s14], $0x4000  }
0x547: {  	s16 =	sld [smem:$0x7C2]  }
0x548: {  	[sflag:s14] =	ssyncset.done $0x0  }
0x549: {  	[sflag:s14] =	ssyncadd.s32 $0xFFFFC000  }
0x54a: {  	[hbm4b:s16+s1] =	stream.linear.scatter [tilespmem:s10], [sflag:$0x8], $0x4000, $0x38;
	[tilespmem:$0x1E400] =	vst v63  }
0x54b: {  	_ =	swait.ge [sflag:s12], $0x4000  }
0x54c: {  	s24 =	sld [smem:$0x7F6]  }
0x54d: {  	[sflag:s12] =	ssyncset.done $0x0  }
0x54e: {  	[sflag:s12] =	ssyncadd.s32 $0xFFFFC000  }
0x54f: {  	[tilespmem:s11], [sflag:$0x3] =	stream.indirect.gather [spmem:s2], $0x20, s24, s6, $0xb8;
	[tilespmem:$0x1E400] =	vst v63  }
0x550: {  	_ =	swait.ge [sflag:s8], $0x4000  }
0x551: {  	s25 =	sld [smem:$0x7C3]  }
0x552: {  	[sflag:s8] =	ssyncset.done $0x0  }
0x553: {  	[sflag:s8] =	ssyncadd.s32 $0xFFFFC000  }
0x554: {  	[hbm4b:s25+s1] =	stream.linear.scatter [tilespmem:s4], [sflag:$0x5], $0x4000, $0x38;
	[tilespmem:$0x1E400] =	vst v63  }
0x555: {  	_ =	swait.ge [sflag:s13], $0x4000  }
0x556: {  	s26 =	sld [smem:$0x7F7]  }
0x557: {  	[sflag:s13] =	ssyncset.done $0x0  }
0x558: {  	[sflag:s13] =	ssyncadd.s32 $0xFFFFC000  }
0x559: {  	[tilespmem:s10], [sflag:$0x4] =	stream.indirect.gather [spmem:s2], $0x20, s26, s6, $0xb8;
	[tilespmem:$0x1E400] =	vst v63  }
0x55a: {  	_ =	swait.ge [sflag:s9], $0x4000  }
0x55b: {  	s28 =	sld [smem:$0x7C4]  }
0x55c: {  	[sflag:s9] =	ssyncset.done $0x0  }
0x55d: {  	[sflag:s9] =	ssyncadd.s32 $0xFFFFC000  }
0x55e: {  	[hbm4b:s28+s1] =	stream.linear.scatter [tilespmem:s3], [sflag:$0x6], $0x4000, $0x38;
	[tilespmem:$0x1E400] =	vst v63  }
0x55f: {  	_ =	swait.ge [sflag:s5], $0x4000  }
0x560: {  	s31 =	sld [smem:$0x7F8]  }
0x561: {  	[sflag:s5] =	ssyncset.done $0x0  }
0x562: {  	[sflag:s5] =	ssyncadd.s32 $0xFFFFC000  }
0x563: {  	[tilespmem:s4], [sflag:$0x1] =	stream.indirect.gather [spmem:s2], $0x20, s31, s6, $0xb8;
	[tilespmem:$0x1E400] =	vst v63  }
0x564: {  	_ =	swait.ge [sflag:s15], $0x4000  }
0x565: {  	s16 =	sld [smem:$0x7C5]  }
0x566: {  	[sflag:s15] =	ssyncset.done $0x0  }
0x567: {  	[sflag:s15] =	ssyncadd.s32 $0xFFFFC000  }
0x568: {  	[hbm4b:s16+s1] =	stream.linear.scatter [tilespmem:s11], [sflag:$0x7], $0x4000, $0x38;
	[tilespmem:$0x1E400] =	vst v63  }
0x569: {  	_ =	swait.ge [sflag:s7], $0x4000  }
0x56a: {  	s24 =	sld [smem:$0x7F9]  }
0x56b: {  	[sflag:s7] =	ssyncset.done $0x0  }
0x56c: {  	[sflag:s7] =	ssyncadd.s32 $0xFFFFC000  }
0x56d: {  	[tilespmem:s3], [sflag:$0x2] =	stream.indirect.gather [spmem:s2], $0x20, s24, s6, $0xb8;
	[tilespmem:$0x1E400] =	vst v63  }
0x56e: {  	_ =	swait.ge [sflag:s14], $0x4000  }
0x56f: {  	s25 =	sld [smem:$0x7C6]  }
0x570: {  	[sflag:s14] =	ssyncset.done $0x0  }
0x571: {  	[sflag:s14] =	ssyncadd.s32 $0xFFFFC000  }
0x572: {  	[hbm4b:s25+s1] =	stream.linear.scatter [tilespmem:s10], [sflag:$0x8], $0x4000, $0x38;
	[tilespmem:$0x1E400] =	vst v63  }
0x573: {  	_ =	swait.ge [sflag:s12], $0x4000  }
0x574: {  	s26 =	sld [smem:$0x7FA]  }
0x575: {  	[sflag:s12] =	ssyncset.done $0x0  }
0x576: {  	[sflag:s12] =	ssyncadd.s32 $0xFFFFC000  }
0x577: {  	[tilespmem:s11], [sflag:$0x3] =	stream.indirect.gather [spmem:s2], $0x20, s26, s6, $0xb8;
	[tilespmem:$0x1E400] =	vst v63  }
0x578: {  	_ =	swait.ge [sflag:s8], $0x4000  }
0x579: {  	s28 =	sld [smem:$0x7C7]  }
0x57a: {  	[sflag:s8] =	ssyncset.done $0x0  }
0x57b: {  	[sflag:s8] =	ssyncadd.s32 $0xFFFFC000  }
0x57c: {  	[hbm4b:s28+s1] =	stream.linear.scatter [tilespmem:s4], [sflag:$0x5], $0x4000, $0x38;
	[tilespmem:$0x1E400] =	vst v63  }
0x57d: {  	_ =	swait.ge [sflag:s13], $0x4000  }
0x57e: {  	s31 =	sld [smem:$0x7FB]  }
0x57f: {  	[sflag:s13] =	ssyncset.done $0x0  }
0x580: {  	[sflag:s13] =	ssyncadd.s32 $0xFFFFC000  }
0x581: {  	[tilespmem:s10], [sflag:$0x4] =	stream.indirect.gather [spmem:s2], $0x20, s31, s6, $0xb8;
	[tilespmem:$0x1E400] =	vst v63  }
0x582: {  	_ =	swait.ge [sflag:s9], $0x4000  }
0x583: {  	s16 =	sld [smem:$0x7C8]  }
0x584: {  	[sflag:s9] =	ssyncset.done $0x0  }
0x585: {  	[sflag:s9] =	ssyncadd.s32 $0xFFFFC000  }
0x586: {  	[hbm4b:s16+s1] =	stream.linear.scatter [tilespmem:s3], [sflag:$0x6], $0x4000, $0x38;
	[tilespmem:$0x1E400] =	vst v63  }
0x587: {  	_ =	swait.ge [sflag:s5], $0x4000  }
0x588: {  	s24 =	sld [smem:$0x7FC]  }
0x589: {  	[sflag:s5] =	ssyncset.done $0x0  }
0x58a: {  	[sflag:s5] =	ssyncadd.s32 $0xFFFFC000  }
0x58b: {  	[tilespmem:s4], [sflag:$0x1] =	stream.indirect.gather [spmem:s2], $0x20, s24, s6, $0xb8;
	[tilespmem:$0x1E400] =	vst v63  }
0x58c: {  	_ =	swait.ge [sflag:s15], $0x4000  }
0x58d: {  	s25 =	sld [smem:$0x7C9]  }
0x58e: {  	[sflag:s15] =	ssyncset.done $0x0  }
0x58f: {  	[sflag:s15] =	ssyncadd.s32 $0xFFFFC000  }
0x590: {  	[hbm4b:s25+s1] =	stream.linear.scatter [tilespmem:s11], [sflag:$0x7], $0x4000, $0x38;
	[tilespmem:$0x1E400] =	vst v63  }
0x591: {  	_ =	swait.ge [sflag:s7], $0x4000  }
0x592: {  	s26 =	sld [smem:$0x7FD]  }
0x593: {  	[sflag:s7] =	ssyncset.done $0x0  }
0x594: {  	[sflag:s7] =	ssyncadd.s32 $0xFFFFC000  }
0x595: {  	[tilespmem:s3], [sflag:$0x2] =	stream.indirect.gather [spmem:s2], $0x20, s26, s6, $0xb8;
	[tilespmem:$0x1E400] =	vst v63  }
0x596: {  	_ =	swait.ge [sflag:s14], $0x4000  }
0x597: {  	s28 =	sld [smem:$0x7CA]  }
0x598: {  	[sflag:s14] =	ssyncset.done $0x0  }
0x599: {  	[sflag:s14] =	ssyncadd.s32 $0xFFFFC000  }
0x59a: {  	[hbm4b:s28+s1] =	stream.linear.scatter [tilespmem:s10], [sflag:$0x8], $0x4000, $0x38;
	[tilespmem:$0x1E400] =	vst v63  }
0x59b: {  	_ =	swait.ge [sflag:s12], $0x4000  }
0x59c: {  	[sflag:s12] =	ssyncset.done $0x0  }
0x59d: {  	[sflag:s12] =	ssyncadd.s32 $0xFFFFC000  }
0x59e: {  	[tilespmem:s11], [sflag:$0x3] =	stream.indirect.gather [spmem:s2], $0x20, s23, s6, $0xb8;
	[tilespmem:$0x1E400] =	vst v63  }
0x59f: {  	_ =	swait.ge [sflag:s8], $0x4000  }
0x5a0: {  	s31 =	sld [smem:$0x7CB]  }
0x5a1: {  	[sflag:s8] =	ssyncset.done $0x0  }
0x5a2: {  	[sflag:s8] =	ssyncadd.s32 $0xFFFFC000  }
0x5a3: {  	[hbm4b:s31+s1] =	stream.linear.scatter [tilespmem:s4], [sflag:$0x5], $0x4000, $0x38;
	[tilespmem:$0x1E400] =	vst v63  }
0x5a4: {  	_ =	swait.ge [sflag:s13], $0x4000  }
0x5a5: {  	[sflag:s13] =	ssyncset.done $0x0  }
0x5a6: {  	[sflag:s13] =	ssyncadd.s32 $0xFFFFC000  }
0x5a7: {  	[tilespmem:s10], [sflag:$0x4] =	stream.indirect.gather [spmem:s2], $0x20, s22, s6, $0xb8;
	[tilespmem:$0x1E400] =	vst v63  }
0x5a8: {  	_ =	swait.ge [sflag:s9], $0x4000  }
0x5a9: {  	s16 =	sld [smem:$0x7CC]  }
0x5aa: {  	[sflag:s9] =	ssyncset.done $0x0  }
0x5ab: {  	[sflag:s9] =	ssyncadd.s32 $0xFFFFC000  }
0x5ac: {  	[hbm4b:s16+s1] =	stream.linear.scatter [tilespmem:s3], [sflag:$0x6], $0x4000, $0x38;
	[tilespmem:$0x1E400] =	vst v63  }
0x5ad: {  	_ =	swait.ge [sflag:s5], $0x4000  }
0x5ae: {  	[sflag:s5] =	ssyncset.done $0x0  }
0x5af: {  	[sflag:s5] =	ssyncadd.s32 $0xFFFFC000  }
0x5b0: {  	[tilespmem:s4], [sflag:$0x1] =	stream.indirect.gather [spmem:s2], $0x20, s21, s6, $0xb8;
	[tilespmem:$0x1E400] =	vst v63  }
0x5b1: {  	_ =	swait.ge [sflag:s15], $0x4000  }
0x5b2: {  	s22 =	sld [smem:$0x7CD]  }
0x5b3: {  	[sflag:s15] =	ssyncset.done $0x0  }
0x5b4: {  	[sflag:s15] =	ssyncadd.s32 $0xFFFFC000  }
0x5b5: {  	[hbm4b:s22+s1] =	stream.linear.scatter [tilespmem:s11], [sflag:$0x7], $0x4000, $0x38;
	[tilespmem:$0x1E400] =	vst v63  }
0x5b6: {  	_ =	swait.ge [sflag:s7], $0x4000  }
0x5b7: {  	[sflag:s7] =	ssyncset.done $0x0  }
0x5b8: {  	[sflag:s7] =	ssyncadd.s32 $0xFFFFC000  }
0x5b9: {  	[tilespmem:s3], [sflag:$0x2] =	stream.indirect.gather [spmem:s2], $0x20, s20, s6, $0xb8;
	[tilespmem:$0x1E400] =	vst v63  }
0x5ba: {  	_ =	swait.ge [sflag:s14], $0x4000  }
0x5bb: {  	s23 =	sld [smem:$0x7CE]  }
0x5bc: {  	[sflag:s14] =	ssyncset.done $0x0  }
0x5bd: {  	[sflag:s14] =	ssyncadd.s32 $0xFFFFC000  }
0x5be: {  	[hbm4b:s23+s1] =	stream.linear.scatter [tilespmem:s10], [sflag:$0x8], $0x4000, $0x38;
	[tilespmem:$0x1E400] =	vst v63  }
0x5bf: {  	_ =	swait.ge [sflag:s12], $0x4000  }
0x5c0: {  	[sflag:s12] =	ssyncset.done $0x0  }
0x5c1: {  	[sflag:s12] =	ssyncadd.s32 $0xFFFFC000  }
0x5c2: {  	[tilespmem:s11], [sflag:$0x3] =	stream.indirect.gather [spmem:s2], $0x20, s19, s6, $0xb8;
	[tilespmem:$0x1E400] =	vst v63  }
0x5c3: {  	_ =	swait.ge [sflag:s8], $0x4000  }
0x5c4: {  	s24 =	sld [smem:$0x7CF]  }
0x5c5: {  	[sflag:s8] =	ssyncset.done $0x0  }
0x5c6: {  	[sflag:s8] =	ssyncadd.s32 $0xFFFFC000  }
0x5c7: {  	[hbm4b:s24+s1] =	stream.linear.scatter [tilespmem:s4], [sflag:$0x5], $0x4000, $0x38;
	[tilespmem:$0x1E400] =	vst v63  }
0x5c8: {  	_ =	swait.ge [sflag:s13], $0x4000  }
0x5c9: {  	[sflag:s13] =	ssyncset.done $0x0  }
0x5ca: {  	[sflag:s13] =	ssyncadd.s32 $0xFFFFC000  }
0x5cb: {  	[tilespmem:s10], [sflag:$0x4] =	stream.indirect.gather [spmem:s2], $0x20, s18, s6, $0xb8;
	[tilespmem:$0x1E400] =	vst v63  }
0x5cc: {  	_ =	swait.ge [sflag:s9], $0x4000  }
0x5cd: {  	s25 =	sld [smem:$0x7D0]  }
0x5ce: {  	[sflag:s9] =	ssyncset.done $0x0  }
0x5cf: {  	[sflag:s9] =	ssyncadd.s32 $0xFFFFC000  }
0x5d0: {  	[hbm4b:s25+s1] =	stream.linear.scatter [tilespmem:s3], [sflag:$0x6], $0x4000, $0x38;
	[tilespmem:$0x1E400] =	vst v63  }
0x5d1: {  	_ =	swait.ge [sflag:s5], $0x4000  }
0x5d2: {  	[sflag:s5] =	ssyncset.done $0x0  }
0x5d3: {  	[sflag:s5] =	ssyncadd.s32 $0xFFFFC000  }
0x5d4: {  	[tilespmem:s4], [sflag:$0x1] =	stream.indirect.gather [spmem:s2], $0x20, s17, s6, $0xb8;
	[tilespmem:$0x1E400] =	vst v63  }
0x5d5: {  	_ =	swait.ge [sflag:s15], $0x4000  }
0x5d6: {  	s26 =	sld [smem:$0x7D1]  }
0x5d7: {  	[sflag:s15] =	ssyncset.done $0x0  }
0x5d8: {  	[sflag:s15] =	ssyncadd.s32 $0xFFFFC000  }
0x5d9: {  	[hbm4b:s26+s1] =	stream.linear.scatter [tilespmem:s11], [sflag:$0x7], $0x4000, $0x38;
	[tilespmem:$0x1E400] =	vst v63  }
0x5da: {  	_ =	swait.ge [sflag:s7], $0x4000  }
0x5db: {  	[sflag:s7] =	ssyncset.done $0x0  }
0x5dc: {  	[sflag:s7] =	ssyncadd.s32 $0xFFFFC000  }
0x5dd: {  	[tilespmem:s3], [sflag:$0x2] =	stream.indirect.gather [spmem:s2], $0x20, s30, s6, $0xb8;
	[tilespmem:$0x1E400] =	vst v63  }
0x5de: {  	_ =	swait.ge [sflag:s14], $0x4000  }
0x5df: {  	s28 =	sld [smem:$0x7D2]  }
0x5e0: {  	[sflag:s14] =	ssyncset.done $0x0  }
0x5e1: {  	[sflag:s14] =	ssyncadd.s32 $0xFFFFC000  }
0x5e2: {  	[hbm4b:s28+s1] =	stream.linear.scatter [tilespmem:s10], [sflag:$0x8], $0x4000, $0x38;
	[tilespmem:$0x1E400] =	vst v63  }
0x5e3: {  	_ =	swait.ge [sflag:s8], $0x4000  }
0x5e4: {  	s30 =	sld [smem:$0x7D3]  }
0x5e5: {  	[sflag:s8] =	ssyncset.done $0x0  }
0x5e6: {  	[sflag:s8] =	ssyncadd.s32 $0xFFFFC000  }
0x5e7: {  	[hbm4b:s30+s1] =	stream.linear.scatter [tilespmem:s4], [sflag:$0x5], $0x4000, $0x38;
	[tilespmem:$0x1E400] =	vst v63  }
0x5e8: {  	_ =	swait.ge [sflag:s9], $0x4000  }
0x5e9: {  	s31 =	sld [smem:$0x7D4]  }
0x5ea: {  	[sflag:s9] =	ssyncset.done $0x0  }
0x5eb: {  	[sflag:s9] =	ssyncadd.s32 $0xFFFFC000  }
0x5ec: {  	[hbm4b:s31+s1] =	stream.linear.scatter [tilespmem:s3], [sflag:$0x6], $0x4000, $0x38;
	[tilespmem:$0x1E400] =	vst v63  }
0x5ed: {  	_ =	swait.ge [sflag:s12], $0x4000  }
0x5ee: {  	[sflag:s12] =	ssyncset.done $0x0  }
0x5ef: {  	[sflag:s12] =	ssyncadd.s32 $0xFFFFC000  }
0x5f0: {  	_ =	swait.ge [sflag:s13], $0x4000  }
0x5f1: {  	[sflag:s13] =	ssyncset.done $0x0  }
0x5f2: {  	[sflag:s13] =	ssyncadd.s32 $0xFFFFC000  }
0x5f3: {  	_ =	swait.ge [sflag:s5], $0x4000  }
0x5f4: {  	[sflag:s5] =	ssyncset.done $0x0  }
0x5f5: {  	[sflag:s5] =	ssyncadd.s32 $0xFFFFC000  }
0x5f6: {  	_ =	swait.ge [sflag:s7], $0x4000  }
0x5f7: {  	[sflag:s7] =	ssyncset.done $0x0  }
0x5f8: {  	[sflag:s7] =	ssyncadd.s32 $0xFFFFC000  }
0x5f9: {  	_ =	sfence.sel $0x180000  }
0x5fa: {  	[bflag:$0x0] =	sbarrier.arrive $0xFFFF  }
0x5fb: {  	_ =	strace $0x90000047  }
0x5fc: {  	s0 =	sadd.s32 @!p0 $0x100000, s29;
	[bflag:$0x2] =	sbarrier.arrive $0xFFFF  }
0x5fd: {  	[sflag:s0] =	ssyncadd.tile.s32 @!p0 $0x1;
	_ =	shalt  }
.LBB2_1:
.Ltmp3:
0x5fe: {  	(pc) =	sbr.rel .LBB2_6-.Ltmp3, $2  }
0x5ff: {  	_ =	sdelay $0x2  }
0x600: {  	s30 =	simm.s32 $0xE200  }
.LBB2_3:
.Ltmp4:
0x601: {  	(pc) =	sbr.rel .LBB2_6-.Ltmp4, $2  }
0x602: {  	_ =	sdelay $0x2  }
0x603: {  	s30 =	simm.s32 $0xE200;
	s29 =	rddreg [dreg:$0x3]  }
.Lfunc_end2:
_tile_overlayer_lowered:
.L_overlay_start_2:
0x604: {  	(tag) =	ssettag $0x2  }
0x605: {  	s0 =	rddreg [dreg:$0x0];
	s2 =	stileid.u32  }
0x606: {  	s1 =	rddreg [dreg:$0x1];
	p0 =	sne.s32 s2, $0x0  }
0x607: {  	s3 =	rddreg [dreg:$0x2];
	[bflag:$0x3] =	sbarrier.arrive $0xFFFF;
	s2 =	simm.s32 @!p0 $0x1C09  }
0x608: {  	[timem:s3], [sflag:s2] =	dma.local @!p0 [hbm:s0], s1  }
0x609: {  	s0 =	simm.s32 @!p0 $0x9  }
0x60a: {  	_ =	swait.ge @!p0 [sflag:s0], s1  }
0x60b: {  	s1 =	ssub.s32 @!p0 $0x0, s1;
	[sflag:s0] =	ssyncset.done @!p0 $0x0  }
0x60c: {  	[sflag:s0] =	ssyncadd.s32 @!p0 s1  }
0x60d: {  	[bflag:$0x3] =	sbarrier.arrive $0xFFFF  }
0x60e: {  	_ =	shalt  }

// kernel: sparse-core-data-format-call.cloned.1.call-start
scs
called_computation_lowered:
.L_overlay_start_0:
0x0: {  	s2 =	sld [smem:$0x3FD9]  }
0x1: {  	s3 =	sld [smem:$0x3FFE];
	_ =	sdelay $0x1  }
0x2: {  	s1 =	srdreg.scid  }
0x3: {  	s0 =	sand.u32 $0x1, s1  }
0x4: {  	s18 =	sshll.u32 s0, $0xA;
	s2 =	sadd.s32 s3, s2  }
0x5: {  	s2 =	sadd.s32 s2, s18  }
0x6: {  	[smem:$0x3FC6] =	sst s2  }
0x7: {  	_ = 	snop  }
0x8: {  	s2 =	sld [smem:$0x3FD0];
	(tm) =	ssettm $0x1  }
0x9: {  	s19 =	sld [smem:$0x3FFB];
	_ =	sdelay $0x3  }
0xa: {  	_ =	strace s19  }
0xb: {  	s3 =	sld [smem:$0x3FFC];
	_ =	sdelay $0x3  }
0xc: {  	_ =	strace s3  }
0xd: {  	s3 =	sld [smem:$0x3FFD];
	_ =	sdelay $0x3  }
0xe: {  	_ =	strace s3  }
0xf: {  	_ =	strace $0x8FFFFFFF  }
0x10: {  	s20 =	sld [smem:$0x3FDB];
	_ =	sdelay $0x1  }
0x11: {  	s4 =	simm.s32 $_scs_section_size  }
0x12: {  	s5 =	simm.s32 $_size__tile_overlayer_lowered;
	s6 =	simm.s32 $_tile_overlayer_lowered  }
0x13: {  	s23 =	simm.s32 $0x1BFF;
	s22 =	sshll.u32 s6, $0x1;
	s3 =	sadd.s32 s4, s20  }
0x14: {  	s7 =	simm.s32 $0x0;
	s21 =	sshll.u32 s5, $0x1;
	s5 =	sadd.s32 s22, s3  }
0x15: {  	[timem:s7], [sflag:s23] =	dma.local [hbm:s5], s21  }
0x16: {  	_ =	swait.ge [sflag:s23], s21  }
0x17: {  	s4 =	ssub.s32 $0x0, s21;
	[sflag:s23] =	ssyncset.done $0x0  }
0x18: {  	[sflag:s23] =	ssyncadd.s32 s4;
	_ =	sdelay $0x1  }
0x19: {  	s24 =	simm.s32 $0x1B8B  }
0x1a: {  	_ =	swait.ge [sflag:s24], $0x1  }
0x1b: {  	[sflag:s24] =	ssyncset.done $0x0  }
0x1c: {  	s26 =	simm.s32 $0x1B8E;
	s25 =	sld [smem:$0x3FFE];
	[sflag:s24] =	ssyncadd.s32 $0xFFFFFFFF  }
0x1d: {  	s27 =	simm.s32 $execute0_lowered;
	[smem:$0x3FD2] =	sst s26  }
0x1e: {  	s5 =	sshll.u32 s27, $0x1;
	_ =	strace $0x80000049;
	[dreg:$0x1] =	wrdreg $0xFFFFFFFF  }
0x1f: {  	s28 =	simm.s32 $_size_execute0_lowered;
	s3 =	sadd.s32 s3, s5;
	[dreg:$0x0] =	wrdreg $0x0  }
0x20: {  	s5 =	sshll.u32 s28, $0x1;
	[dreg:$0x2] =	wrdreg s3  }
0x21: {  	[dreg:$0x3] =	wrdreg s5  }
0x22: {  	[dreg:$0x4] =	wrdreg $0xC0  }
0x23: {  	_ =	task [dreg:s7], $0x5FFFF  }
0x24: {  	[dreg:$0x1] =	wrdreg $0xFFFFFFFF  }
0x25: {  	[dreg:$0x0] =	wrdreg $0x60  }
0x26: {  	[dreg:$0x2] =	wrdreg s25  }
0x27: {  	[dreg:$0x3] =	wrdreg s2  }
0x28: {  	[dreg:$0x4] =	wrdreg $0x9  }
0x29: {  	_ =	task.clear_ibuf [dreg:s7], $0x5FFFF;
	_ =	strace $0x90000049  }
0x2a: {  	s29 =	simm.s32 $0x9;
	_ =	strace $0x8000004B  }
0x2b: {  	_ =	swait.ge [sflag:s29], $0x1  }
0x2c: {  	[sflag:s29] =	ssyncadd.s32 $0xFFFFFFFF  }
0x2d: {  	_ =	strace $0x9000004B  }
0x2e: {  	_ =	sfence  }
0x2f: {  	s30 =	sld [smem:$0x0];
	_ =	sdelay $0x2  }
0x30: {  	s31 =	sshll.u32 s1, $0xD;
	s1 =	sshrl.u32 s1, $0x2  }
0x31: {  	s3 =	sand.u32 $0x4000, s31;
	s1 =	sadd.s32 s1, s30  }
0x32: {  	s0 =	sor.u32 s3, s0;
	s1 =	sshll.u32 s1, $0x11  }
0x33: {  	s0 =	sor.u32 s1, s0  }
0x34: {  	s0 =	sadd.s32 $0x8F2B, s0  }
0x35: {  	[sflag:s0] =	ssyncadd.remote.s32 $0x1  }
0x36: {  	_ =	sfence.sel $0xFFFF  }
0x37: {  	[dreg:$0x0] =	wrdreg $0xFFFFFFFF;
	(pc) =	sbr.abs _section_cstart, $3  }
0x38: {  	[dreg:$0x1] =	wrdreg $0xFFFFFFFF  }
0x39: {  	_ =	task.clear_ibuf [dreg:s7], $0x2FFFF;
	_ =	strace $0x9FFFFFFF  }
0x3a: {  	(tm) =	ssettm $0x7FFFFFFF  }
0x3b: {  	_ =	shalt  }
tec
execute0_lowered:
.L_overlay_start_1:
0x0: {  	(tag) =	ssettag $0x1  }
0x1: {  	s0 =	srdreg.scid  }
0x2: {  	s1 =	sshll.u32 s0, $0x4  }
0x3: {  	s0 =	stileid.u32;
	s1 =	sand.u32 $0x10, s1  }
0x4: {  	s1 =	sor.u32 s0, s1  }
0x5: {  	s6 =	rddreg [dreg:$0x0];
	s4 =	simm.s32 $0x1;
	s2 =	sshll.u32 s1, $0x7  }
0x6: {  	s7 =	simm.s32 $0x2;
	s12 =	simm.s32 $0x0;
	s1 =	ssub.s32 $0x1000, s2  }
0x7: {  	s8 =	simm.s32 $0x8000;
	s13 =	simm.s32 $0x0;
	s3 =	sand.u32 $0xF80, s1  }
0x8: {  	s9 =	simm.s32 $0x0;
	s5 =	sshrl.u32 s1, $0xC;
	p0 =	sne.s32 s3, $0x0  }
.Ltmp0:
0x9: {  	s1 =	rddreg [dreg:$0x2];
	s4 =	simm.s32 @!p0 $0x0;
	(pc) =	sbr.rel .LBB1_1-.Ltmp0, $4  }
0xa: {  	s11 =	simm.s32 $0x0;
	s3 =	rddreg [dreg:$0x1];
	s5 =	sadd.s32 s4, s5  }
0xb: {  	_ =	strace $0x8000004A;
	s4 =	simm.s32 $0x1;
	s5 =	smul.u32 $0xC8, s5  }
0xc: {  	s6 =	sadd.s32 $0xA00, s6;
	s10 =	smov.u32 s2;
	[sflag:s4] =	ssyncpa.u1 $0x0  }
0xd: {  	p0 =	por $0x0, $0x0;
	[sflag:s7] =	ssyncpa.u1 $0x0;
	s7 =	sor.u32 $0x1, s5  }
.LBB1_4:
0xe: {  	s16 =	sshll.u32 s13, $0x3;
	s17 =	sand.u32 $0x78, s13  }
0xf: {  	s30 =	sand.u32 $0x3E00, s13;
	s12 =	sshll.u32 s12, $0xE;
	s16 =	sand.u32 $0xC00, s16  }
0x10: {  	s31 =	sand.u32 $0x7, s13;
	s16 =	sor.u32 s17, s16;
	s17 =	sadd.s32 s3, s30  }
0x11: {  	s13 =	sshll.u32 s31, $0x12;
	s16 =	sshrl.u32 s16, $0x3;
	s12 =	sadd.s32 s12, s17  }
0x12: {  	[tilespmem:s15+$0x0 ss:$0x81] =	vst.msk $0xffff, v0;
	s13 =	sor.u32 $0x400, s13;
	s12 =	sadd.s32 s16, s12  }
0x13: {  	[hbm4b:s12+s13] =	stream.strided.scatter [tilespmem:s14], [sflag:$0x2], $0x1000, s8, s13, $0x20;
	[tilespmem:$0x4040] =	vst v63  }
.LBB1_5:
0x14: {  	s14 =	sadd.s32 $0x1, s9  }
0x15: {  	s12 =	sadd.s32 $0x1000, s10;
	s16 =	smov.u32 s10;
	p2 =	sgt.s32 s14, $0xC7  }
0x16: {  	s16 =	smov.u32 @p2 s12  }
0x17: {  	s14 =	simm.s32 @p2 $0x0;
	p2 =	sgt.s32 s16, $0xFFF  }
0x18: {  	s16 =	smov.u32 @p2 s2;
	p2 =	sne.s32 s11, s7  }
.Ltmp1:
0x19: {  	p1 =	slt.u32 s11, $0x2;
	(pc) =	sbr.rel @!p2 .LBB1_6-.Ltmp1, $4  }
0x1a: {  	s15 =	simm.s32 @!p1 $0x2  }
0x1b: {  	s13 =	smov.u32 s10;
	p0 =	por !p0, !p0;
	_ =	swait.ge @!p1 [sflag:s15], $0x1000  }
0x1c: {  	s12 =	smov.u32 s9;
	[sflag:s15] =	ssyncset.done @!p1 $0x0;
	s9 =	smov.u32 s14  }
0x1d: {  	s11 =	sadd.s32 $0x1, s11;
	[sflag:s15] =	ssyncadd.s32 @!p1 $0xFFFFF000;
	s10 =	smov.u32 s16  }
.LBB1_1:
0x1e: {  	p1 =	sge.u32 s11, s5  }
0x1f: {  	s14 =	sand.u32 @!p1 $0x1FFFFFF, s9  }
0x20: {  	s15 =	smulhi.u32 @!p1 $0x147AE15, s14;
	_ =	sdelay $0x1  }
0x21: {  	s15 =	smul.u32 @!p1 $0xC8, s15  }
0x22: {  	s16 =	sxor.u32 @!p1 $0xFFFFFFFF, s11;
	s17 =	smul.u32 @!p1 $0xC80, s10  }
0x23: {  	s31 =	sadd.s32 $0xFFFFFFFF, s11;
	s16 =	sshll.u32 @!p1 s16, $0xC;
	s14 =	ssub.s32 @!p1 s14, s15  }
0x24: {  	s15 =	sand.u32 @!p1 $0x1000, s16;
	s16 =	sadd.s32 @!p1 s6, s17;
	s14 =	sshll.u32 @!p1 s14, $0x4  }
0x25: {  	s17 =	simm.s32 @!p1 $0x6400;
	s14 =	sadd.s32 @!p1 s14, s16;
	s16 =	simm.s32 @!p1 $0x20  }
0x26: {  	[tilespmem:s15], [sflag:$0x1] =	stream.strided.gather @!p1 [hbm4b:s14+s16], $0x1000, s17, s16, $0x38;
	[tilespmem:$0x4040] =	vst v63  }
0x27: {  	p1 =	sge.u32 s31, s5  }
.Ltmp2:
0x28: {  	_ = 	snop;
	(pc) =	sbr.rel @p1 .LBB1_5-.Ltmp2, $1  }
0x29: {  	_ =	sdelay $0x3  }
0x2a: {  	s14 =	simm.s32 $0x1  }
0x2b: {  	_ =	swait.ge [sflag:s4], $0x1000;
	s14 =	simm.s32 @!p0 $0x0  }
0x2c: {  	[sflag:s4] =	ssyncset.done $0x0;
	s15 =	sshll.u32 s14, $0xC  }
0x2d: {  	[sflag:s4] =	ssyncadd.s32 $0xFFFFF000;
	s18 =	sor.u32 $0x10, s15  }
0x2e: {  	s14 =	smul.u32 $0x4080, s14;
	v1 =	vld [tilespmem:s18+$0x0]  }
0x2f: {  	s30 =	sand.u32 $0x1, s11;
	v0 =	vld [tilespmem:s18+$0xFFFFFFF0]  }
0x30: {  	s15 =	smul.u32 $0x4080, s30;
	s14 =	sshrl.u32 s14, $0x2  }
0x31: {  	s16 =	sor.u32 $0x2000, s14  }
0x32: {  	s31 =	sshrl.u32 s15, $0x2;
	s15 =	sadd.s32 $0x0, s16  }
0x33: {  	s17 =	simm.s32 $0x4;
	s18 =	sadd.s32 $0x20, s18;
	s14 =	sor.u32 $0x2000, s31;
	[tilespmem:s15+$0x810 ss:$0x81] =	vst.msk $0xffff, v1  }
.LBB1_3:
0x34: {  	v1 =	vld [tilespmem:s18+$0x0];
	p1 =	sne.s32 s17, $0x1FC;
	[tilespmem:s15+$0x0 ss:$0x81] =	vst.msk $0xffff, v0;
	s15 =	smov.u32 s17;
	s17 =	sadd.s32 $0x4, s17  }
.Ltmp3:
0x35: {  	v0 =	vld [tilespmem:s18+$0xFFFFFFF0];
	(pc) =	sbr.rel @p1 .LBB1_3-.Ltmp3, $4  }
0x36: {  	_ = 	snop  }
0x37: {  	s15 =	sshra.s32 s15, $0x2  }
0x38: {  	s15 =	sadd.s32 s15, s16  }
0x39: {  	s18 =	sadd.s32 $0x20, s18;
	[tilespmem:s15+$0x810 ss:$0x81] =	vst.msk $0xffff, v1  }
.Ltmp4:
0x3a: {  	_ = 	snop;
	(pc) =	sbr.rel .LBB1_4-.Ltmp4, $1  }
0x3b: {  	_ =	sdelay $0x3  }
.LBB1_6:
0x3c: {  	_ =	sfence.sel $0x180000  }
0x3d: {  	s2 =	simm.s32 $0x1;
	[bflag:$0x0] =	sbarrier.arrive $0xFFFF  }
0x3e: {  	s31 =	simm.s32 $0x2;
	[sflag:s2] =	ssyncpa.u1 $0x1  }
0x3f: {  	[sflag:s31] =	ssyncpa.u1 $0x1  }
0x40: {  	p0 =	sne.s32 s0, $0x0;
	_ =	strace $0x9000004A  }
0x41: {  	s0 =	sadd.s32 @!p0 $0x100000, s1;
	[bflag:$0x2] =	sbarrier.arrive $0xFFFF  }
0x42: {  	[sflag:s0] =	ssyncadd.tile.s32 @!p0 $0x1;
	_ =	shalt  }
.Lfunc_end1:
_tile_overlayer_lowered:
.L_overlay_start_2:
0x43: {  	(tag) =	ssettag $0x2  }
0x44: {  	s0 =	rddreg [dreg:$0x0];
	s2 =	stileid.u32  }
0x45: {  	s1 =	rddreg [dreg:$0x1];
	p0 =	sne.s32 s2, $0x0  }
0x46: {  	s3 =	rddreg [dreg:$0x2];
	[bflag:$0x3] =	sbarrier.arrive $0xFFFF;
	s2 =	simm.s32 @!p0 $0x1C01  }
0x47: {  	[timem:s3], [sflag:s2] =	dma.local @!p0 [hbm:s0], s1  }
0x48: {  	s0 =	simm.s32 @!p0 $0x1  }
0x49: {  	_ =	swait.ge @!p0 [sflag:s0], s1  }
0x4a: {  	s1 =	ssub.s32 @!p0 $0x0, s1;
	[sflag:s0] =	ssyncset.done @!p0 $0x0  }
0x4b: {  	[sflag:s0] =	ssyncadd.s32 @!p0 s1  }
0x4c: {  	[bflag:$0x3] =	sbarrier.arrive $0xFFFF  }
0x4d: {  	_ =	shalt  }

</sc_bundles>
